<compile_context>
chip_gen: v7x
topology: tpu7x:2x2x1
jax: 0.10.2.dev20260603
libtpu: 0.0.44.dev20260713+nightly
codegen_flags: <defaults>
</compile_context>

<pallas_src>
import functools

import jax
import jax.numpy as jnp
from jax import lax
from jax.experimental import pallas as pl
from jax.experimental.pallas import tpu as pltpu
from jax.experimental.pallas import tpu_sc as plsc

DISC_SIZE = 50
TAB_DIM = DISC_SIZE + 1
TAB_FLAT = TAB_DIM * TAB_DIM
TAB_ROWS = 32

N_POINTS = 1048576
NUM_WORKERS = 32
PER_W = N_POINTS // NUM_WORKERS
IN_ROWS = 2 * N_POINTS // 128
OUT_ROWS = N_POINTS // 128
IN_ROWS_W = IN_ROWS // NUM_WORKERS
OUT_ROWS_W = OUT_ROWS // NUM_WORKERS
VECS = PER_W // 16


BLOCKS = N_POINTS // 128
BLOCKS_W = BLOCKS // NUM_WORKERS


NCHUNK = 4
CHUNK_B = BLOCKS_W // NCHUNK


@functools.partial(
    pl.kernel,
    out_type=jax.ShapeDtypeStruct((OUT_ROWS, 128), jnp.float32),
    mesh=plsc.VectorSubcoreMesh(core_axis_name="c", subcore_axis_name="s"),
    compiler_params=pltpu.CompilerParams(needs_layout_passes=False),
    scratch_types=[
        pltpu.VMEM((2, CHUNK_B, 2, 128), jnp.float32),
        pltpu.VMEM((TAB_ROWS * 128,), jnp.float32),
        pltpu.VMEM((2, CHUNK_B, 128), jnp.float32),
        pltpu.SemaphoreType.DMA,
        pltpu.SemaphoreType.DMA,
        pltpu.SemaphoreType.DMA,
        pltpu.SemaphoreType.DMA,
    ],
)
def _disc_count_kernel(ob_hbm, tab_hbm, out_hbm, ob_v, tab_v, out_v,
                       sem_i0, sem_i1, sem_o0, sem_o1):
    wid = lax.axis_index("s") * 2 + lax.axis_index("c")
    base = wid * BLOCKS_W
    sems_i = (sem_i0, sem_i1)
    sems_o = (sem_o0, sem_o1)

    def in_copy(c):
        return pltpu.async_copy(
            ob_hbm.at[pl.ds(base + c * CHUNK_B, CHUNK_B)],
            ob_v.at[c % 2], sems_i[c % 2])

    cps_in = {0: in_copy(0)}
    cps_out = {}

    pltpu.sync_copy(tab_hbm, tab_v)

    def inv_body(i, _):
        for j in range(4):
            o = i * 64 + j * 16
            tab_v[pl.ds(o, 16)] = 1.0 / tab_v[pl.ds(o, 16)]
        return 0

    lax.fori_loop(0, TAB_ROWS * 2, inv_body, 0)

    inv_factor = jnp.float32(1.0 / DISC_SIZE)

    for c in range(NCHUNK):
        buf = c % 2
        if c + 1 < NCHUNK:
            cps_in[c + 1] = in_copy(c + 1)
        cps_in[c].wait()
        if c >= 2:
            cps_out[c - 2].wait()

        @plsc.parallel_loop(0, CHUNK_B, unroll=2)
        def body(b, buf=buf):
            xs = [ob_v[buf, b, 0, pl.ds(j * 16, 16)] for j in range(8)]
            ys = [ob_v[buf, b, 1, pl.ds(j * 16, 16)] for j in range(8)]
            fis = [(x / inv_factor).astype(jnp.int32) * TAB_DIM
                   + (y / inv_factor).astype(jnp.int32)
                   for x, y in zip(xs, ys)]
            rvs = [plsc.load_gather(tab_v, [fi]) for fi in fis]
            for j in range(8):
                out_v[buf, b, pl.ds(j * 16, 16)] = rvs[j]
        cps_out[c] = pltpu.async_copy(
            out_v.at[buf],
            out_hbm.at[pl.ds(wid * OUT_ROWS_W + c * CHUNK_B, CHUNK_B)],
            sems_o[buf])

    cps_out[NCHUNK - 2].wait()
    cps_out[NCHUNK - 1].wait()


def kernel(ob_no, count_table):
    ob3d = ob_no.reshape(BLOCKS, 128, 2).transpose(0, 2, 1)
    tab_flat = jnp.concatenate(
        [count_table.reshape(-1),
         jnp.ones((TAB_ROWS * 128 - TAB_FLAT,), jnp.float32)])
    out2d = _disc_count_kernel(ob3d, tab_flat)
    return out2d.reshape(N_POINTS)

# --- scband reference (transcript-rebuilt; emitter-appended) ---
"""Pipeline reference for scband-disc-count-pointmass-model-32109175505741 (READ-ONLY COPY).

The authoritative reference and input builder live on the scoring server;
editing this copy changes nothing except your own understanding.
"""

import jax, jax.numpy as jnp
import numpy as np

DISC_SIZE = 50
DISC_FACTOR = 1.0 / DISC_SIZE


def setup_inputs(seed: int = 0) -> dict:
    key = jax.random.key(seed)
    # observations in [0,1)^2 so that floor(ob / disc_factor) lands in [0, DISC_SIZE]
    ob_no = jax.random.uniform(key, (1048576, 2), dtype=jnp.float32)
    # module state: count table initialized to all-ones, shape (disc_size+1, disc_size+1)
    count_table = jnp.ones((DISC_SIZE + 1, DISC_SIZE + 1), dtype=jnp.float32)
    return {"ob_no": ob_no, "count_table": count_table}


def reference(ob_no, count_table):
    # idx = int(ob / disc_factor)  (numpy int cast == truncation toward zero; inputs are >=0 so same as floor)
    idx0 = (ob_no[:, 0] / DISC_FACTOR).astype(jnp.int32)
    idx1 = (ob_no[:, 1] / DISC_FACTOR).astype(jnp.int32)
    # 2-D gather from the count table
    counts = count_table[idx0, idx1]
    return 1.0 / counts

if __name__ == "__main__":
    import jax
    _d = setup_inputs()
    print(jax.jit(kernel)(*tuple(_d.values())))

</pallas_src>

<mosaic_0001>
#map = affine_map<(d0, d1) -> (0, 0, 0)>
#map1 = affine_map<(d0, d1) -> (0)>
#map2 = affine_map<(d0, d1) -> (0, 0)>
module attributes {stable_mosaic.version = 14 : i64} {
  func.func @_disc_count_kernel(%arg0: i32, %arg1: i32, %arg2: memref<8192x2x128xf32, #tpu.memory_space<hbm>>, %arg3: memref<4096xf32, #tpu.memory_space<hbm>>, %arg4: memref<8192x128xf32, #tpu.memory_space<hbm>>, %arg5: memref<2x64x2x128xf32, #tpu.memory_space<vmem>>, %arg6: memref<4096xf32, #tpu.memory_space<vmem>>, %arg7: memref<2x64x128xf32, #tpu.memory_space<vmem>>, %arg8: memref<!tpu.dma_semaphore, #tpu.memory_space<semaphore_mem>>, %arg9: memref<!tpu.dma_semaphore, #tpu.memory_space<semaphore_mem>>, %arg10: memref<!tpu.dma_semaphore, #tpu.memory_space<semaphore_mem>>, %arg11: memref<!tpu.dma_semaphore, #tpu.memory_space<semaphore_mem>>) attributes {dimension_semantics = [#tpu.dimension_semantics<core_parallel>, #tpu.dimension_semantics<subcore_parallel>], iteration_bounds = array<i64: 2, 16>, scalar_prefetch = 0 : i64, scratch_operands = 7 : i64, tpu.core_type = #tpu.core_type<sc_vector_subcore>, window_params = [{transform_indices = #map}, {transform_indices = #map1}, {transform_indices = #map2}]} {
    %mul3A = arith.constant 2 : i32
    %mul3A_0 = arith.muli %arg1, %mul3A : i32
    %add3A = arith.addi %mul3A_0, %arg0 : i32
    %mul3A_1 = arith.constant 256 : i32
    %mul3A_2 = arith.muli %add3A, %mul3A_1 : i32
    %add3A_3 = arith.constant 0 : i32
    %add3A_4 = arith.addi %mul3A_2, %add3A_3 : i32
    %dma_start3A = arith.constant 0 : i32
    %dma_start3A_5 = arith.constant 0 : i32
    %dma_start3A_6 = arith.constant 0 : i32
    %dma_start3A_7 = arith.constant 0 : i32
    %dma_start3A_8 = tpu.memref_slice %arg5[%dma_start3A, %dma_start3A_5, %dma_start3A_6, %dma_start3A_7] : memref<2x64x2x128xf32, #tpu.memory_space<vmem>> -> memref<1x64x2x128xf32, #tpu.memory_space<vmem>>
    %dma_start3A_9 = tpu.memref_squeeze %dma_start3A_8 : memref<1x64x2x128xf32, #tpu.memory_space<vmem>> -> memref<64x2x128xf32, #tpu.memory_space<vmem>>
    %dma_start3A_10 = arith.constant 0 : i32
    %dma_start3A_11 = arith.constant 0 : i32
    %dma_start3A_12 = tpu.memref_slice %arg2[%add3A_4, %dma_start3A_10, %dma_start3A_11] : memref<8192x2x128xf32, #tpu.memory_space<hbm>> -> memref<64x2x128xf32, #tpu.memory_space<hbm>>
    %dma_start3A_13 = arith.constant 0 : i32
    %dma_start3A_14 = arith.constant 0 : i32
    %dma_start3A_15 = arith.constant 0 : i32
    %dma_start3A_16 = tpu.memref_slice %arg5[%dma_start3A, %dma_start3A_13, %dma_start3A_14, %dma_start3A_15] : memref<2x64x2x128xf32, #tpu.memory_space<vmem>> -> memref<1x64x2x128xf32, #tpu.memory_space<vmem>>
    %dma_start3A_17 = tpu.memref_squeeze %dma_start3A_16 : memref<1x64x2x128xf32, #tpu.memory_space<vmem>> -> memref<64x2x128xf32, #tpu.memory_space<vmem>>
    %dma_start3A_18 = arith.constant 0 : i32
    %dma_start3A_19 = arith.constant 0 : i32
    %dma_start3A_20 = tpu.memref_slice %arg2[%add3A_4, %dma_start3A_18, %dma_start3A_19] : memref<8192x2x128xf32, #tpu.memory_space<hbm>> -> memref<64x2x128xf32, #tpu.memory_space<hbm>>
    tpu.enqueue_dma source(%dma_start3A_20 : memref<64x2x128xf32, #tpu.memory_space<hbm>>) target(%dma_start3A_17 : memref<64x2x128xf32, #tpu.memory_space<vmem>>) target_semaphore(%arg8 : memref<!tpu.dma_semaphore, #tpu.memory_space<semaphore_mem>>)
    "tpu.region"() ({
      %run_scoped3A = tpu.sem_alloc : memref<!tpu.dma_semaphore, #tpu.memory_space<semaphore_mem>>
      tpu.enqueue_dma source(%arg3 : memref<4096xf32, #tpu.memory_space<hbm>>) target(%arg6 : memref<4096xf32, #tpu.memory_space<vmem>>) target_semaphore(%run_scoped3A : memref<!tpu.dma_semaphore, #tpu.memory_space<semaphore_mem>>)
      tpu.wait_dma2 semaphore(%run_scoped3A : memref<!tpu.dma_semaphore, #tpu.memory_space<semaphore_mem>>) src(%arg3 : memref<4096xf32, #tpu.memory_space<hbm>>) dst(%arg6 : memref<4096xf32, #tpu.memory_space<vmem>>)
      tpu.yield
    }) : () -> ()
    %scan3A = arith.constant 0 : i32
    %scan3A_21 = arith.constant 0 : i32
    %scan3A_22 = arith.constant 64 : i32
    %scan3A_23 = arith.addi %scan3A_21, %scan3A_22 : i32
    %scan3A_24 = arith.constant 1 : i32
    %scan3A_25 = scf.for %scan3A_286 = %scan3A_21 to %scan3A_23 step %scan3A_24 iter_args(%scan3A_287 = %scan3A) -> (i32)  : i32 {
      %mul3A_288 = arith.constant 64 : i32
      %mul3A_289 = arith.muli %scan3A_286, %mul3A_288 : i32
      %add3A_290 = arith.constant 0 : i32
      %add3A_291 = arith.addi %mul3A_289, %add3A_290 : i32
      %get3A = arith.index_cast %add3A_291 : i32 to index
      %get3A_292 = tpu.vector_load %arg6[%get3A] {strides = array<i32>} : memref<4096xf32, #tpu.memory_space<vmem>>, vector<16xf32>,
      %div3A = arith.constant 1.000000e+00 : f32
      %div3A_293 = vector.broadcast %div3A : f32 to vector<16xf32>
      %div3A_294 = arith.divf %div3A_293, %get3A_292 : vector<16xf32>
      %swap3A = arith.index_cast %add3A_291 : i32 to index
      %swap3A_295 = tpu.vector_load %arg6[%swap3A] {strides = array<i32>} : memref<4096xf32, #tpu.memory_space<vmem>>, vector<16xf32>,
      tpu.vector_store %arg6[%swap3A], %div3A_294 {strides = array<i32>} : memref<4096xf32, #tpu.memory_space<vmem>>, vector<16xf32>,
      %mul3A_296 = arith.constant 64 : i32
      %mul3A_297 = arith.muli %scan3A_286, %mul3A_296 : i32
      %add3A_298 = arith.constant 16 : i32
      %add3A_299 = arith.addi %mul3A_297, %add3A_298 : i32
      %get3A_300 = arith.index_cast %add3A_299 : i32 to index
      %get3A_301 = tpu.vector_load %arg6[%get3A_300] {strides = array<i32>} : memref<4096xf32, #tpu.memory_space<vmem>>, vector<16xf32>,
      %div3A_302 = arith.constant 1.000000e+00 : f32
      %div3A_303 = vector.broadcast %div3A_302 : f32 to vector<16xf32>
      %div3A_304 = arith.divf %div3A_303, %get3A_301 : vector<16xf32>
      %swap3A_305 = arith.index_cast %add3A_299 : i32 to index
      %swap3A_306 = tpu.vector_load %arg6[%swap3A_305] {strides = array<i32>} : memref<4096xf32, #tpu.memory_space<vmem>>, vector<16xf32>,
      tpu.vector_store %arg6[%swap3A_305], %div3A_304 {strides = array<i32>} : memref<4096xf32, #tpu.memory_space<vmem>>, vector<16xf32>,
      %mul3A_307 = arith.constant 64 : i32
      %mul3A_308 = arith.muli %scan3A_286, %mul3A_307 : i32
      %add3A_309 = arith.constant 32 : i32
      %add3A_310 = arith.addi %mul3A_308, %add3A_309 : i32
      %get3A_311 = arith.index_cast %add3A_310 : i32 to index
      %get3A_312 = tpu.vector_load %arg6[%get3A_311] {strides = array<i32>} : memref<4096xf32, #tpu.memory_space<vmem>>, vector<16xf32>,
      %div3A_313 = arith.constant 1.000000e+00 : f32
      %div3A_314 = vector.broadcast %div3A_313 : f32 to vector<16xf32>
      %div3A_315 = arith.divf %div3A_314, %get3A_312 : vector<16xf32>
      %swap3A_316 = arith.index_cast %add3A_310 : i32 to index
      %swap3A_317 = tpu.vector_load %arg6[%swap3A_316] {strides = array<i32>} : memref<4096xf32, #tpu.memory_space<vmem>>, vector<16xf32>,
      tpu.vector_store %arg6[%swap3A_316], %div3A_315 {strides = array<i32>} : memref<4096xf32, #tpu.memory_space<vmem>>, vector<16xf32>,
      %mul3A_318 = arith.constant 64 : i32
      %mul3A_319 = arith.muli %scan3A_286, %mul3A_318 : i32
      %add3A_320 = arith.constant 48 : i32
      %add3A_321 = arith.addi %mul3A_319, %add3A_320 : i32
      %get3A_322 = arith.index_cast %add3A_321 : i32 to index
      %get3A_323 = tpu.vector_load %arg6[%get3A_322] {strides = array<i32>} : memref<4096xf32, #tpu.memory_space<vmem>>, vector<16xf32>,
      %div3A_324 = arith.constant 1.000000e+00 : f32
      %div3A_325 = vector.broadcast %div3A_324 : f32 to vector<16xf32>
      %div3A_326 = arith.divf %div3A_325, %get3A_323 : vector<16xf32>
      %swap3A_327 = arith.index_cast %add3A_321 : i32 to index
      %swap3A_328 = tpu.vector_load %arg6[%swap3A_327] {strides = array<i32>} : memref<4096xf32, #tpu.memory_space<vmem>>, vector<16xf32>,
      tpu.vector_store %arg6[%swap3A_327], %div3A_326 {strides = array<i32>} : memref<4096xf32, #tpu.memory_space<vmem>>, vector<16xf32>,
      %scan3A_329 = arith.constant 0 : i32
      scf.yield %scan3A_329 : i32
    }
    %scan3A_26 = arith.constant 64 : i32
    %add3A_27 = arith.constant 64 : i32
    %add3A_28 = arith.addi %mul3A_2, %add3A_27 : i32
    %dma_start3A_29 = arith.constant 1 : i32
    %dma_start3A_30 = arith.constant 0 : i32
    %dma_start3A_31 = arith.constant 0 : i32
    %dma_start3A_32 = arith.constant 0 : i32
    %dma_start3A_33 = tpu.memref_slice %arg5[%dma_start3A_29, %dma_start3A_30, %dma_start3A_31, %dma_start3A_32] : memref<2x64x2x128xf32, #tpu.memory_space<vmem>> -> memref<1x64x2x128xf32, #tpu.memory_space<vmem>>
    %dma_start3A_34 = tpu.memref_squeeze %dma_start3A_33 : memref<1x64x2x128xf32, #tpu.memory_space<vmem>> -> memref<64x2x128xf32, #tpu.memory_space<vmem>>
    %dma_start3A_35 = arith.constant 0 : i32
    %dma_start3A_36 = arith.constant 0 : i32
    %dma_start3A_37 = tpu.memref_slice %arg2[%add3A_28, %dma_start3A_35, %dma_start3A_36] : memref<8192x2x128xf32, #tpu.memory_space<hbm>> -> memref<64x2x128xf32, #tpu.memory_space<hbm>>
    %dma_start3A_38 = arith.constant 0 : i32
    %dma_start3A_39 = arith.constant 0 : i32
    %dma_start3A_40 = arith.constant 0 : i32
    %dma_start3A_41 = tpu.memref_slice %arg5[%dma_start3A_29, %dma_start3A_38, %dma_start3A_39, %dma_start3A_40] : memref<2x64x2x128xf32, #tpu.memory_space<vmem>> -> memref<1x64x2x128xf32, #tpu.memory_space<vmem>>
    %dma_start3A_42 = tpu.memref_squeeze %dma_start3A_41 : memref<1x64x2x128xf32, #tpu.memory_space<vmem>> -> memref<64x2x128xf32, #tpu.memory_space<vmem>>
    %dma_start3A_43 = arith.constant 0 : i32
    %dma_start3A_44 = arith.constant 0 : i32
    %dma_start3A_45 = tpu.memref_slice %arg2[%add3A_28, %dma_start3A_43, %dma_start3A_44] : memref<8192x2x128xf32, #tpu.memory_space<hbm>> -> memref<64x2x128xf32, #tpu.memory_space<hbm>>
    tpu.enqueue_dma source(%dma_start3A_45 : memref<64x2x128xf32, #tpu.memory_space<hbm>>) target(%dma_start3A_42 : memref<64x2x128xf32, #tpu.memory_space<vmem>>) target_semaphore(%arg9 : memref<!tpu.dma_semaphore, #tpu.memory_space<semaphore_mem>>)
    %dma_wait3A = arith.constant 0 : i32
    %dma_wait3A_46 = arith.constant 0 : i32
    %dma_wait3A_47 = arith.constant 0 : i32
    %dma_wait3A_48 = arith.constant 0 : i32
    %dma_wait3A_49 = tpu.memref_slice %arg5[%dma_wait3A, %dma_wait3A_46, %dma_wait3A_47, %dma_wait3A_48] : memref<2x64x2x128xf32, #tpu.memory_space<vmem>> -> memref<1x64x2x128xf32, #tpu.memory_space<vmem>>
    %dma_wait3A_50 = tpu.memref_squeeze %dma_wait3A_49 : memref<1x64x2x128xf32, #tpu.memory_space<vmem>> -> memref<64x2x128xf32, #tpu.memory_space<vmem>>
    %dma_wait3A_51 = arith.constant 0 : i32
    %dma_wait3A_52 = arith.constant 0 : i32
    %dma_wait3A_53 = tpu.memref_slice %arg2[%add3A_4, %dma_wait3A_51, %dma_wait3A_52] : memref<8192x2x128xf32, #tpu.memory_space<hbm>> -> memref<64x2x128xf32, #tpu.memory_space<hbm>>
    %dma_wait3A_54 = arith.constant 0 : i32
    %dma_wait3A_55 = arith.constant 0 : i32
    %dma_wait3A_56 = arith.constant 0 : i32
    %dma_wait3A_57 = tpu.memref_slice %arg5[%dma_wait3A, %dma_wait3A_54, %dma_wait3A_55, %dma_wait3A_56] : memref<2x64x2x128xf32, #tpu.memory_space<vmem>> -> memref<1x64x2x128xf32, #tpu.memory_space<vmem>>
    %dma_wait3A_58 = tpu.memref_squeeze %dma_wait3A_57 : memref<1x64x2x128xf32, #tpu.memory_space<vmem>> -> memref<64x2x128xf32, #tpu.memory_space<vmem>>
    %dma_wait3A_59 = arith.constant 0 : i32
    %dma_wait3A_60 = arith.constant 0 : i32
    %dma_wait3A_61 = tpu.memref_slice %arg2[%add3A_4, %dma_wait3A_59, %dma_wait3A_60] : memref<8192x2x128xf32, #tpu.memory_space<hbm>> -> memref<64x2x128xf32, #tpu.memory_space<hbm>>
    tpu.wait_dma2 semaphore(%arg8 : memref<!tpu.dma_semaphore, #tpu.memory_space<semaphore_mem>>) src(%dma_wait3A_61 : memref<64x2x128xf32, #tpu.memory_space<hbm>>) dst(%dma_wait3A_58 : memref<64x2x128xf32, #tpu.memory_space<vmem>>)
    %parallel_loop3A = arith.constant 0 : i32
    %parallel_loop3A_62 = arith.constant 64 : i32
    %parallel_loop3A_63 = arith.constant 1 : i32
    %parallel_loop3A_64 = arith.constant 2.000000e-02 : f32
    scf.for %parallel_loop3A_286 = %parallel_loop3A to %parallel_loop3A_62 step %parallel_loop3A_63  : i32 {
      %parallel_loop3A_287 = arith.constant 0 : i32
      %parallel_loop3A_288 = arith.constant 0 : i32
      %parallel_loop3A_289 = arith.index_cast %parallel_loop3A_287 : i32 to index
      %parallel_loop3A_290 = arith.index_cast %parallel_loop3A_286 : i32 to index
      %parallel_loop3A_291 = arith.index_cast %parallel_loop3A_288 : i32 to index
      %parallel_loop3A_292 = arith.constant 0 : index
      %parallel_loop3A_293 = tpu.vector_load %arg5[%parallel_loop3A_289, %parallel_loop3A_290, %parallel_loop3A_291, %parallel_loop3A_292] {strides = array<i32>} : memref<2x64x2x128xf32, #tpu.memory_space<vmem>>, vector<16xf32>,
      %parallel_loop3A_294 = arith.constant 0 : i32
      %parallel_loop3A_295 = arith.constant 0 : i32
      %parallel_loop3A_296 = arith.index_cast %parallel_loop3A_294 : i32 to index
      %parallel_loop3A_297 = arith.index_cast %parallel_loop3A_286 : i32 to index
      %parallel_loop3A_298 = arith.index_cast %parallel_loop3A_295 : i32 to index
      %parallel_loop3A_299 = arith.constant 16 : index
      %parallel_loop3A_300 = tpu.vector_load %arg5[%parallel_loop3A_296, %parallel_loop3A_297, %parallel_loop3A_298, %parallel_loop3A_299] {strides = array<i32>} : memref<2x64x2x128xf32, #tpu.memory_space<vmem>>, vector<16xf32>,
      %parallel_loop3A_301 = arith.constant 0 : i32
      %parallel_loop3A_302 = arith.constant 0 : i32
      %parallel_loop3A_303 = arith.index_cast %parallel_loop3A_301 : i32 to index
      %parallel_loop3A_304 = arith.index_cast %parallel_loop3A_286 : i32 to index
      %parallel_loop3A_305 = arith.index_cast %parallel_loop3A_302 : i32 to index
      %parallel_loop3A_306 = arith.constant 32 : index
      %parallel_loop3A_307 = tpu.vector_load %arg5[%parallel_loop3A_303, %parallel_loop3A_304, %parallel_loop3A_305, %parallel_loop3A_306] {strides = array<i32>} : memref<2x64x2x128xf32, #tpu.memory_space<vmem>>, vector<16xf32>,
      %parallel_loop3A_308 = arith.constant 0 : i32
      %parallel_loop3A_309 = arith.constant 0 : i32
      %parallel_loop3A_310 = arith.index_cast %parallel_loop3A_308 : i32 to index
      %parallel_loop3A_311 = arith.index_cast %parallel_loop3A_286 : i32 to index
      %parallel_loop3A_312 = arith.index_cast %parallel_loop3A_309 : i32 to index
      %parallel_loop3A_313 = arith.constant 48 : index
      %parallel_loop3A_314 = tpu.vector_load %arg5[%parallel_loop3A_310, %parallel_loop3A_311, %parallel_loop3A_312, %parallel_loop3A_313] {strides = array<i32>} : memref<2x64x2x128xf32, #tpu.memory_space<vmem>>, vector<16xf32>,
      %parallel_loop3A_315 = arith.constant 0 : i32
      %parallel_loop3A_316 = arith.constant 0 : i32
      %parallel_loop3A_317 = arith.index_cast %parallel_loop3A_315 : i32 to index
      %parallel_loop3A_318 = arith.index_cast %parallel_loop3A_286 : i32 to index
      %parallel_loop3A_319 = arith.index_cast %parallel_loop3A_316 : i32 to index
      %parallel_loop3A_320 = arith.constant 64 : index
      %parallel_loop3A_321 = tpu.vector_load %arg5[%parallel_loop3A_317, %parallel_loop3A_318, %parallel_loop3A_319, %parallel_loop3A_320] {strides = array<i32>} : memref<2x64x2x128xf32, #tpu.memory_space<vmem>>, vector<16xf32>,
      %parallel_loop3A_322 = arith.constant 0 : i32
      %parallel_loop3A_323 = arith.constant 0 : i32
      %parallel_loop3A_324 = arith.index_cast %parallel_loop3A_322 : i32 to index
      %parallel_loop3A_325 = arith.index_cast %parallel_loop3A_286 : i32 to index
      %parallel_loop3A_326 = arith.index_cast %parallel_loop3A_323 : i32 to index
      %parallel_loop3A_327 = arith.constant 80 : index
      %parallel_loop3A_328 = tpu.vector_load %arg5[%parallel_loop3A_324, %parallel_loop3A_325, %parallel_loop3A_326, %parallel_loop3A_327] {strides = array<i32>} : memref<2x64x2x128xf32, #tpu.memory_space<vmem>>, vector<16xf32>,
      %parallel_loop3A_329 = arith.constant 0 : i32
      %parallel_loop3A_330 = arith.constant 0 : i32
      %parallel_loop3A_331 = arith.index_cast %parallel_loop3A_329 : i32 to index
      %parallel_loop3A_332 = arith.index_cast %parallel_loop3A_286 : i32 to index
      %parallel_loop3A_333 = arith.index_cast %parallel_loop3A_330 : i32 to index
      %parallel_loop3A_334 = arith.constant 96 : index
      %parallel_loop3A_335 = tpu.vector_load %arg5[%parallel_loop3A_331, %parallel_loop3A_332, %parallel_loop3A_333, %parallel_loop3A_334] {strides = array<i32>} : memref<2x64x2x128xf32, #tpu.memory_space<vmem>>, vector<16xf32>,
      %parallel_loop3A_336 = arith.constant 0 : i32
      %parallel_loop3A_337 = arith.constant 0 : i32
      %parallel_loop3A_338 = arith.index_cast %parallel_loop3A_336 : i32 to index
      %parallel_loop3A_339 = arith.index_cast %parallel_loop3A_286 : i32 to index
      %parallel_loop3A_340 = arith.index_cast %parallel_loop3A_337 : i32 to index
      %parallel_loop3A_341 = arith.constant 112 : index
      %parallel_loop3A_342 = tpu.vector_load %arg5[%parallel_loop3A_338, %parallel_loop3A_339, %parallel_loop3A_340, %parallel_loop3A_341] {strides = array<i32>} : memref<2x64x2x128xf32, #tpu.memory_space<vmem>>, vector<16xf32>,
      %parallel_loop3A_343 = arith.constant 0 : i32
      %parallel_loop3A_344 = arith.constant 1 : i32
      %parallel_loop3A_345 = arith.index_cast %parallel_loop3A_343 : i32 to index
      %parallel_loop3A_346 = arith.index_cast %parallel_loop3A_286 : i32 to index
      %parallel_loop3A_347 = arith.index_cast %parallel_loop3A_344 : i32 to index
      %parallel_loop3A_348 = arith.constant 0 : index
      %parallel_loop3A_349 = tpu.vector_load %arg5[%parallel_loop3A_345, %parallel_loop3A_346, %parallel_loop3A_347, %parallel_loop3A_348] {strides = array<i32>} : memref<2x64x2x128xf32, #tpu.memory_space<vmem>>, vector<16xf32>,
      %parallel_loop3A_350 = arith.constant 0 : i32
      %parallel_loop3A_351 = arith.constant 1 : i32
      %parallel_loop3A_352 = arith.index_cast %parallel_loop3A_350 : i32 to index
      %parallel_loop3A_353 = arith.index_cast %parallel_loop3A_286 : i32 to index
      %parallel_loop3A_354 = arith.index_cast %parallel_loop3A_351 : i32 to index
      %parallel_loop3A_355 = arith.constant 16 : index
      %parallel_loop3A_356 = tpu.vector_load %arg5[%parallel_loop3A_352, %parallel_loop3A_353, %parallel_loop3A_354, %parallel_loop3A_355] {strides = array<i32>} : memref<2x64x2x128xf32, #tpu.memory_space<vmem>>, vector<16xf32>,
      %parallel_loop3A_357 = arith.constant 0 : i32
      %parallel_loop3A_358 = arith.constant 1 : i32
      %parallel_loop3A_359 = arith.index_cast %parallel_loop3A_357 : i32 to index
      %parallel_loop3A_360 = arith.index_cast %parallel_loop3A_286 : i32 to index
      %parallel_loop3A_361 = arith.index_cast %parallel_loop3A_358 : i32 to index
      %parallel_loop3A_362 = arith.constant 32 : index
      %parallel_loop3A_363 = tpu.vector_load %arg5[%parallel_loop3A_359, %parallel_loop3A_360, %parallel_loop3A_361, %parallel_loop3A_362] {strides = array<i32>} : memref<2x64x2x128xf32, #tpu.memory_space<vmem>>, vector<16xf32>,
      %parallel_loop3A_364 = arith.constant 0 : i32
      %parallel_loop3A_365 = arith.constant 1 : i32
      %parallel_loop3A_366 = arith.index_cast %parallel_loop3A_364 : i32 to index
      %parallel_loop3A_367 = arith.index_cast %parallel_loop3A_286 : i32 to index
      %parallel_loop3A_368 = arith.index_cast %parallel_loop3A_365 : i32 to index
      %parallel_loop3A_369 = arith.constant 48 : index
      %parallel_loop3A_370 = tpu.vector_load %arg5[%parallel_loop3A_366, %parallel_loop3A_367, %parallel_loop3A_368, %parallel_loop3A_369] {strides = array<i32>} : memref<2x64x2x128xf32, #tpu.memory_space<vmem>>, vector<16xf32>,
      %parallel_loop3A_371 = arith.constant 0 : i32
      %parallel_loop3A_372 = arith.constant 1 : i32
      %parallel_loop3A_373 = arith.index_cast %parallel_loop3A_371 : i32 to index
      %parallel_loop3A_374 = arith.index_cast %parallel_loop3A_286 : i32 to index
      %parallel_loop3A_375 = arith.index_cast %parallel_loop3A_372 : i32 to index
      %parallel_loop3A_376 = arith.constant 64 : index
      %parallel_loop3A_377 = tpu.vector_load %arg5[%parallel_loop3A_373, %parallel_loop3A_374, %parallel_loop3A_375, %parallel_loop3A_376] {strides = array<i32>} : memref<2x64x2x128xf32, #tpu.memory_space<vmem>>, vector<16xf32>,
      %parallel_loop3A_378 = arith.constant 0 : i32
      %parallel_loop3A_379 = arith.constant 1 : i32
      %parallel_loop3A_380 = arith.index_cast %parallel_loop3A_378 : i32 to index
      %parallel_loop3A_381 = arith.index_cast %parallel_loop3A_286 : i32 to index
      %parallel_loop3A_382 = arith.index_cast %parallel_loop3A_379 : i32 to index
      %parallel_loop3A_383 = arith.constant 80 : index
      %parallel_loop3A_384 = tpu.vector_load %arg5[%parallel_loop3A_380, %parallel_loop3A_381, %parallel_loop3A_382, %parallel_loop3A_383] {strides = array<i32>} : memref<2x64x2x128xf32, #tpu.memory_space<vmem>>, vector<16xf32>,
      %parallel_loop3A_385 = arith.constant 0 : i32
      %parallel_loop3A_386 = arith.constant 1 : i32
      %parallel_loop3A_387 = arith.index_cast %parallel_loop3A_385 : i32 to index
      %parallel_loop3A_388 = arith.index_cast %parallel_loop3A_286 : i32 to index
      %parallel_loop3A_389 = arith.index_cast %parallel_loop3A_386 : i32 to index
      %parallel_loop3A_390 = arith.constant 96 : index
      %parallel_loop3A_391 = tpu.vector_load %arg5[%parallel_loop3A_387, %parallel_loop3A_388, %parallel_loop3A_389, %parallel_loop3A_390] {strides = array<i32>} : memref<2x64x2x128xf32, #tpu.memory_space<vmem>>, vector<16xf32>,
      %parallel_loop3A_392 = arith.constant 0 : i32
      %parallel_loop3A_393 = arith.constant 1 : i32
      %parallel_loop3A_394 = arith.index_cast %parallel_loop3A_392 : i32 to index
      %parallel_loop3A_395 = arith.index_cast %parallel_loop3A_286 : i32 to index
      %parallel_loop3A_396 = arith.index_cast %parallel_loop3A_393 : i32 to index
      %parallel_loop3A_397 = arith.constant 112 : index
      %parallel_loop3A_398 = tpu.vector_load %arg5[%parallel_loop3A_394, %parallel_loop3A_395, %parallel_loop3A_396, %parallel_loop3A_397] {strides = array<i32>} : memref<2x64x2x128xf32, #tpu.memory_space<vmem>>, vector<16xf32>,
      %parallel_loop3A_399 = vector.broadcast %parallel_loop3A_64 : f32 to vector<16xf32>
      %parallel_loop3A_400 = arith.divf %parallel_loop3A_293, %parallel_loop3A_399 : vector<16xf32>
      %parallel_loop3A_401 = arith.fptosi %parallel_loop3A_400 : vector<16xf32> to vector<16xi32>
      %parallel_loop3A_402 = arith.constant 51 : i32
      %parallel_loop3A_403 = vector.broadcast %parallel_loop3A_402 : i32 to vector<16xi32>
      %parallel_loop3A_404 = arith.muli %parallel_loop3A_401, %parallel_loop3A_403 : vector<16xi32>
      %parallel_loop3A_405 = vector.broadcast %parallel_loop3A_64 : f32 to vector<16xf32>
      %parallel_loop3A_406 = arith.divf %parallel_loop3A_349, %parallel_loop3A_405 : vector<16xf32>
      %parallel_loop3A_407 = arith.fptosi %parallel_loop3A_406 : vector<16xf32> to vector<16xi32>
      %parallel_loop3A_408 = arith.addi %parallel_loop3A_404, %parallel_loop3A_407 : vector<16xi32>
      %parallel_loop3A_409 = vector.broadcast %parallel_loop3A_64 : f32 to vector<16xf32>
      %parallel_loop3A_410 = arith.divf %parallel_loop3A_300, %parallel_loop3A_409 : vector<16xf32>
      %parallel_loop3A_411 = arith.fptosi %parallel_loop3A_410 : vector<16xf32> to vector<16xi32>
      %parallel_loop3A_412 = arith.constant 51 : i32
      %parallel_loop3A_413 = vector.broadcast %parallel_loop3A_412 : i32 to vector<16xi32>
      %parallel_loop3A_414 = arith.muli %parallel_loop3A_411, %parallel_loop3A_413 : vector<16xi32>
      %parallel_loop3A_415 = vector.broadcast %parallel_loop3A_64 : f32 to vector<16xf32>
      %parallel_loop3A_416 = arith.divf %parallel_loop3A_356, %parallel_loop3A_415 : vector<16xf32>
      %parallel_loop3A_417 = arith.fptosi %parallel_loop3A_416 : vector<16xf32> to vector<16xi32>
      %parallel_loop3A_418 = arith.addi %parallel_loop3A_414, %parallel_loop3A_417 : vector<16xi32>
      %parallel_loop3A_419 = vector.broadcast %parallel_loop3A_64 : f32 to vector<16xf32>
      %parallel_loop3A_420 = arith.divf %parallel_loop3A_307, %parallel_loop3A_419 : vector<16xf32>
      %parallel_loop3A_421 = arith.fptosi %parallel_loop3A_420 : vector<16xf32> to vector<16xi32>
      %parallel_loop3A_422 = arith.constant 51 : i32
      %parallel_loop3A_423 = vector.broadcast %parallel_loop3A_422 : i32 to vector<16xi32>
      %parallel_loop3A_424 = arith.muli %parallel_loop3A_421, %parallel_loop3A_423 : vector<16xi32>
      %parallel_loop3A_425 = vector.broadcast %parallel_loop3A_64 : f32 to vector<16xf32>
      %parallel_loop3A_426 = arith.divf %parallel_loop3A_363, %parallel_loop3A_425 : vector<16xf32>
      %parallel_loop3A_427 = arith.fptosi %parallel_loop3A_426 : vector<16xf32> to vector<16xi32>
      %parallel_loop3A_428 = arith.addi %parallel_loop3A_424, %parallel_loop3A_427 : vector<16xi32>
      %parallel_loop3A_429 = vector.broadcast %parallel_loop3A_64 : f32 to vector<16xf32>
      %parallel_loop3A_430 = arith.divf %parallel_loop3A_314, %parallel_loop3A_429 : vector<16xf32>
      %parallel_loop3A_431 = arith.fptosi %parallel_loop3A_430 : vector<16xf32> to vector<16xi32>
      %parallel_loop3A_432 = arith.constant 51 : i32
      %parallel_loop3A_433 = vector.broadcast %parallel_loop3A_432 : i32 to vector<16xi32>
      %parallel_loop3A_434 = arith.muli %parallel_loop3A_431, %parallel_loop3A_433 : vector<16xi32>
      %parallel_loop3A_435 = vector.broadcast %parallel_loop3A_64 : f32 to vector<16xf32>
      %parallel_loop3A_436 = arith.divf %parallel_loop3A_370, %parallel_loop3A_435 : vector<16xf32>
      %parallel_loop3A_437 = arith.fptosi %parallel_loop3A_436 : vector<16xf32> to vector<16xi32>
      %parallel_loop3A_438 = arith.addi %parallel_loop3A_434, %parallel_loop3A_437 : vector<16xi32>
      %parallel_loop3A_439 = vector.broadcast %parallel_loop3A_64 : f32 to vector<16xf32>
      %parallel_loop3A_440 = arith.divf %parallel_loop3A_321, %parallel_loop3A_439 : vector<16xf32>
      %parallel_loop3A_441 = arith.fptosi %parallel_loop3A_440 : vector<16xf32> to vector<16xi32>
      %parallel_loop3A_442 = arith.constant 51 : i32
      %parallel_loop3A_443 = vector.broadcast %parallel_loop3A_442 : i32 to vector<16xi32>
      %parallel_loop3A_444 = arith.muli %parallel_loop3A_441, %parallel_loop3A_443 : vector<16xi32>
      %parallel_loop3A_445 = vector.broadcast %parallel_loop3A_64 : f32 to vector<16xf32>
      %parallel_loop3A_446 = arith.divf %parallel_loop3A_377, %parallel_loop3A_445 : vector<16xf32>
      %parallel_loop3A_447 = arith.fptosi %parallel_loop3A_446 : vector<16xf32> to vector<16xi32>
      %parallel_loop3A_448 = arith.addi %parallel_loop3A_444, %parallel_loop3A_447 : vector<16xi32>
      %parallel_loop3A_449 = vector.broadcast %parallel_loop3A_64 : f32 to vector<16xf32>
      %parallel_loop3A_450 = arith.divf %parallel_loop3A_328, %parallel_loop3A_449 : vector<16xf32>
      %parallel_loop3A_451 = arith.fptosi %parallel_loop3A_450 : vector<16xf32> to vector<16xi32>
      %parallel_loop3A_452 = arith.constant 51 : i32
      %parallel_loop3A_453 = vector.broadcast %parallel_loop3A_452 : i32 to vector<16xi32>
      %parallel_loop3A_454 = arith.muli %parallel_loop3A_451, %parallel_loop3A_453 : vector<16xi32>
      %parallel_loop3A_455 = vector.broadcast %parallel_loop3A_64 : f32 to vector<16xf32>
      %parallel_loop3A_456 = arith.divf %parallel_loop3A_384, %parallel_loop3A_455 : vector<16xf32>
      %parallel_loop3A_457 = arith.fptosi %parallel_loop3A_456 : vector<16xf32> to vector<16xi32>
      %parallel_loop3A_458 = arith.addi %parallel_loop3A_454, %parallel_loop3A_457 : vector<16xi32>
      %parallel_loop3A_459 = vector.broadcast %parallel_loop3A_64 : f32 to vector<16xf32>
      %parallel_loop3A_460 = arith.divf %parallel_loop3A_335, %parallel_loop3A_459 : vector<16xf32>
      %parallel_loop3A_461 = arith.fptosi %parallel_loop3A_460 : vector<16xf32> to vector<16xi32>
      %parallel_loop3A_462 = arith.constant 51 : i32
      %parallel_loop3A_463 = vector.broadcast %parallel_loop3A_462 : i32 to vector<16xi32>
      %parallel_loop3A_464 = arith.muli %parallel_loop3A_461, %parallel_loop3A_463 : vector<16xi32>
      %parallel_loop3A_465 = vector.broadcast %parallel_loop3A_64 : f32 to vector<16xf32>
      %parallel_loop3A_466 = arith.divf %parallel_loop3A_391, %parallel_loop3A_465 : vector<16xf32>
      %parallel_loop3A_467 = arith.fptosi %parallel_loop3A_466 : vector<16xf32> to vector<16xi32>
      %parallel_loop3A_468 = arith.addi %parallel_loop3A_464, %parallel_loop3A_467 : vector<16xi32>
      %parallel_loop3A_469 = vector.broadcast %parallel_loop3A_64 : f32 to vector<16xf32>
      %parallel_loop3A_470 = arith.divf %parallel_loop3A_342, %parallel_loop3A_469 : vector<16xf32>
      %parallel_loop3A_471 = arith.fptosi %parallel_loop3A_470 : vector<16xf32> to vector<16xi32>
      %parallel_loop3A_472 = arith.constant 51 : i32
      %parallel_loop3A_473 = vector.broadcast %parallel_loop3A_472 : i32 to vector<16xi32>
      %parallel_loop3A_474 = arith.muli %parallel_loop3A_471, %parallel_loop3A_473 : vector<16xi32>
      %parallel_loop3A_475 = vector.broadcast %parallel_loop3A_64 : f32 to vector<16xf32>
      %parallel_loop3A_476 = arith.divf %parallel_loop3A_398, %parallel_loop3A_475 : vector<16xf32>
      %parallel_loop3A_477 = arith.fptosi %parallel_loop3A_476 : vector<16xf32> to vector<16xi32>
      %parallel_loop3A_478 = arith.addi %parallel_loop3A_474, %parallel_loop3A_477 : vector<16xi32>
      %parallel_loop3A_479 = tpu.vector_load_idx %arg6[%parallel_loop3A_408] : memref<4096xf32, #tpu.memory_space<vmem>>[vector<16xi32>], vector<16xf32>,
      %parallel_loop3A_480 = tpu.vector_load_idx %arg6[%parallel_loop3A_418] : memref<4096xf32, #tpu.memory_space<vmem>>[vector<16xi32>], vector<16xf32>,
      %parallel_loop3A_481 = tpu.vector_load_idx %arg6[%parallel_loop3A_428] : memref<4096xf32, #tpu.memory_space<vmem>>[vector<16xi32>], vector<16xf32>,
      %parallel_loop3A_482 = tpu.vector_load_idx %arg6[%parallel_loop3A_438] : memref<4096xf32, #tpu.memory_space<vmem>>[vector<16xi32>], vector<16xf32>,
      %parallel_loop3A_483 = tpu.vector_load_idx %arg6[%parallel_loop3A_448] : memref<4096xf32, #tpu.memory_space<vmem>>[vector<16xi32>], vector<16xf32>,
      %parallel_loop3A_484 = tpu.vector_load_idx %arg6[%parallel_loop3A_458] : memref<4096xf32, #tpu.memory_space<vmem>>[vector<16xi32>], vector<16xf32>,
      %parallel_loop3A_485 = tpu.vector_load_idx %arg6[%parallel_loop3A_468] : memref<4096xf32, #tpu.memory_space<vmem>>[vector<16xi32>], vector<16xf32>,
      %parallel_loop3A_486 = tpu.vector_load_idx %arg6[%parallel_loop3A_478] : memref<4096xf32, #tpu.memory_space<vmem>>[vector<16xi32>], vector<16xf32>,
      %parallel_loop3A_487 = arith.constant 0 : i32
      %parallel_loop3A_488 = arith.index_cast %parallel_loop3A_487 : i32 to index
      %parallel_loop3A_489 = arith.index_cast %parallel_loop3A_286 : i32 to index
      %parallel_loop3A_490 = arith.constant 0 : index
      %parallel_loop3A_491 = tpu.vector_load %arg7[%parallel_loop3A_488, %parallel_loop3A_489, %parallel_loop3A_490] {strides = array<i32>} : memref<2x64x128xf32, #tpu.memory_space<vmem>>, vector<16xf32>,
      tpu.vector_store %arg7[%parallel_loop3A_488, %parallel_loop3A_489, %parallel_loop3A_490], %parallel_loop3A_479 {strides = array<i32>} : memref<2x64x128xf32, #tpu.memory_space<vmem>>, vector<16xf32>,
      %parallel_loop3A_492 = arith.constant 0 : i32
      %parallel_loop3A_493 = arith.index_cast %parallel_loop3A_492 : i32 to index
      %parallel_loop3A_494 = arith.index_cast %parallel_loop3A_286 : i32 to index
      %parallel_loop3A_495 = arith.constant 16 : index
      %parallel_loop3A_496 = tpu.vector_load %arg7[%parallel_loop3A_493, %parallel_loop3A_494, %parallel_loop3A_495] {strides = array<i32>} : memref<2x64x128xf32, #tpu.memory_space<vmem>>, vector<16xf32>,
      tpu.vector_store %arg7[%parallel_loop3A_493, %parallel_loop3A_494, %parallel_loop3A_495], %parallel_loop3A_480 {strides = array<i32>} : memref<2x64x128xf32, #tpu.memory_space<vmem>>, vector<16xf32>,
      %parallel_loop3A_497 = arith.constant 0 : i32
      %parallel_loop3A_498 = arith.index_cast %parallel_loop3A_497 : i32 to index
      %parallel_loop3A_499 = arith.index_cast %parallel_loop3A_286 : i32 to index
      %parallel_loop3A_500 = arith.constant 32 : index
      %parallel_loop3A_501 = tpu.vector_load %arg7[%parallel_loop3A_498, %parallel_loop3A_499, %parallel_loop3A_500] {strides = array<i32>} : memref<2x64x128xf32, #tpu.memory_space<vmem>>, vector<16xf32>,
      tpu.vector_store %arg7[%parallel_loop3A_498, %parallel_loop3A_499, %parallel_loop3A_500], %parallel_loop3A_481 {strides = array<i32>} : memref<2x64x128xf32, #tpu.memory_space<vmem>>, vector<16xf32>,
      %parallel_loop3A_502 = arith.constant 0 : i32
      %parallel_loop3A_503 = arith.index_cast %parallel_loop3A_502 : i32 to index
      %parallel_loop3A_504 = arith.index_cast %parallel_loop3A_286 : i32 to index
      %parallel_loop3A_505 = arith.constant 48 : index
      %parallel_loop3A_506 = tpu.vector_load %arg7[%parallel_loop3A_503, %parallel_loop3A_504, %parallel_loop3A_505] {strides = array<i32>} : memref<2x64x128xf32, #tpu.memory_space<vmem>>, vector<16xf32>,
      tpu.vector_store %arg7[%parallel_loop3A_503, %parallel_loop3A_504, %parallel_loop3A_505], %parallel_loop3A_482 {strides = array<i32>} : memref<2x64x128xf32, #tpu.memory_space<vmem>>, vector<16xf32>,
      %parallel_loop3A_507 = arith.constant 0 : i32
      %parallel_loop3A_508 = arith.index_cast %parallel_loop3A_507 : i32 to index
      %parallel_loop3A_509 = arith.index_cast %parallel_loop3A_286 : i32 to index
      %parallel_loop3A_510 = arith.constant 64 : index
      %parallel_loop3A_511 = tpu.vector_load %arg7[%parallel_loop3A_508, %parallel_loop3A_509, %parallel_loop3A_510] {strides = array<i32>} : memref<2x64x128xf32, #tpu.memory_space<vmem>>, vector<16xf32>,
      tpu.vector_store %arg7[%parallel_loop3A_508, %parallel_loop3A_509, %parallel_loop3A_510], %parallel_loop3A_483 {strides = array<i32>} : memref<2x64x128xf32, #tpu.memory_space<vmem>>, vector<16xf32>,
      %parallel_loop3A_512 = arith.constant 0 : i32
      %parallel_loop3A_513 = arith.index_cast %parallel_loop3A_512 : i32 to index
      %parallel_loop3A_514 = arith.index_cast %parallel_loop3A_286 : i32 to index
      %parallel_loop3A_515 = arith.constant 80 : index
      %parallel_loop3A_516 = tpu.vector_load %arg7[%parallel_loop3A_513, %parallel_loop3A_514, %parallel_loop3A_515] {strides = array<i32>} : memref<2x64x128xf32, #tpu.memory_space<vmem>>, vector<16xf32>,
      tpu.vector_store %arg7[%parallel_loop3A_513, %parallel_loop3A_514, %parallel_loop3A_515], %parallel_loop3A_484 {strides = array<i32>} : memref<2x64x128xf32, #tpu.memory_space<vmem>>, vector<16xf32>,
      %parallel_loop3A_517 = arith.constant 0 : i32
      %parallel_loop3A_518 = arith.index_cast %parallel_loop3A_517 : i32 to index
      %parallel_loop3A_519 = arith.index_cast %parallel_loop3A_286 : i32 to index
      %parallel_loop3A_520 = arith.constant 96 : index
      %parallel_loop3A_521 = tpu.vector_load %arg7[%parallel_loop3A_518, %parallel_loop3A_519, %parallel_loop3A_520] {strides = array<i32>} : memref<2x64x128xf32, #tpu.memory_space<vmem>>, vector<16xf32>,
      tpu.vector_store %arg7[%parallel_loop3A_518, %parallel_loop3A_519, %parallel_loop3A_520], %parallel_loop3A_485 {strides = array<i32>} : memref<2x64x128xf32, #tpu.memory_space<vmem>>, vector<16xf32>,
      %parallel_loop3A_522 = arith.constant 0 : i32
      %parallel_loop3A_523 = arith.index_cast %parallel_loop3A_522 : i32 to index
      %parallel_loop3A_524 = arith.index_cast %parallel_loop3A_286 : i32 to index
      %parallel_loop3A_525 = arith.constant 112 : index
      %parallel_loop3A_526 = tpu.vector_load %arg7[%parallel_loop3A_523, %parallel_loop3A_524, %parallel_loop3A_525] {strides = array<i32>} : memref<2x64x128xf32, #tpu.memory_space<vmem>>, vector<16xf32>,
      tpu.vector_store %arg7[%parallel_loop3A_523, %parallel_loop3A_524, %parallel_loop3A_525], %parallel_loop3A_486 {strides = array<i32>} : memref<2x64x128xf32, #tpu.memory_space<vmem>>, vector<16xf32>,
    } {sc.loop_unroll_factor = 2 : i64, sc.parallel_access}
    %mul3A_65 = arith.constant 256 : i32
    %mul3A_66 = arith.muli %add3A, %mul3A_65 : i32
    %add3A_67 = arith.constant 0 : i32
    %add3A_68 = arith.addi %mul3A_66, %add3A_67 : i32
    %dma_start3A_69 = arith.constant 0 : i32
    %dma_start3A_70 = arith.constant 0 : i32
    %dma_start3A_71 = arith.constant 0 : i32
    %dma_start3A_72 = tpu.memref_slice %arg7[%dma_start3A_69, %dma_start3A_70, %dma_start3A_71] : memref<2x64x128xf32, #tpu.memory_space<vmem>> -> memref<1x64x128xf32, #tpu.memory_space<vmem>>
    %dma_start3A_73 = tpu.memref_squeeze %dma_start3A_72 : memref<1x64x128xf32, #tpu.memory_space<vmem>> -> memref<64x128xf32, #tpu.memory_space<vmem>>
    %dma_start3A_74 = arith.constant 0 : i32
    %dma_start3A_75 = tpu.memref_slice %arg4[%add3A_68, %dma_start3A_74] : memref<8192x128xf32, #tpu.memory_space<hbm>> -> memref<64x128xf32, #tpu.memory_space<hbm>>
    %dma_start3A_76 = arith.constant 0 : i32
    %dma_start3A_77 = tpu.memref_slice %arg4[%add3A_68, %dma_start3A_76] : memref<8192x128xf32, #tpu.memory_space<hbm>> -> memref<64x128xf32, #tpu.memory_space<hbm>>
    %dma_start3A_78 = arith.constant 0 : i32
    %dma_start3A_79 = arith.constant 0 : i32
    %dma_start3A_80 = tpu.memref_slice %arg7[%dma_start3A_69, %dma_start3A_78, %dma_start3A_79] : memref<2x64x128xf32, #tpu.memory_space<vmem>> -> memref<1x64x128xf32, #tpu.memory_space<vmem>>
    %dma_start3A_81 = tpu.memref_squeeze %dma_start3A_80 : memref<1x64x128xf32, #tpu.memory_space<vmem>> -> memref<64x128xf32, #tpu.memory_space<vmem>>
    tpu.enqueue_dma source(%dma_start3A_81 : memref<64x128xf32, #tpu.memory_space<vmem>>) target(%dma_start3A_77 : memref<64x128xf32, #tpu.memory_space<hbm>>) target_semaphore(%arg10 : memref<!tpu.dma_semaphore, #tpu.memory_space<semaphore_mem>>)
    %add3A_82 = arith.constant 128 : i32
    %add3A_83 = arith.addi %mul3A_2, %add3A_82 : i32
    %dma_start3A_84 = arith.constant 0 : i32
    %dma_start3A_85 = arith.constant 0 : i32
    %dma_start3A_86 = arith.constant 0 : i32
    %dma_start3A_87 = arith.constant 0 : i32
    %dma_start3A_88 = tpu.memref_slice %arg5[%dma_start3A_84, %dma_start3A_85, %dma_start3A_86, %dma_start3A_87] : memref<2x64x2x128xf32, #tpu.memory_space<vmem>> -> memref<1x64x2x128xf32, #tpu.memory_space<vmem>>
    %dma_start3A_89 = tpu.memref_squeeze %dma_start3A_88 : memref<1x64x2x128xf32, #tpu.memory_space<vmem>> -> memref<64x2x128xf32, #tpu.memory_space<vmem>>
    %dma_start3A_90 = arith.constant 0 : i32
    %dma_start3A_91 = arith.constant 0 : i32
    %dma_start3A_92 = tpu.memref_slice %arg2[%add3A_83, %dma_start3A_90, %dma_start3A_91] : memref<8192x2x128xf32, #tpu.memory_space<hbm>> -> memref<64x2x128xf32, #tpu.memory_space<hbm>>
    %dma_start3A_93 = arith.constant 0 : i32
    %dma_start3A_94 = arith.constant 0 : i32
    %dma_start3A_95 = arith.constant 0 : i32
    %dma_start3A_96 = tpu.memref_slice %arg5[%dma_start3A_84, %dma_start3A_93, %dma_start3A_94, %dma_start3A_95] : memref<2x64x2x128xf32, #tpu.memory_space<vmem>> -> memref<1x64x2x128xf32, #tpu.memory_space<vmem>>
    %dma_start3A_97 = tpu.memref_squeeze %dma_start3A_96 : memref<1x64x2x128xf32, #tpu.memory_space<vmem>> -> memref<64x2x128xf32, #tpu.memory_space<vmem>>
    %dma_start3A_98 = arith.constant 0 : i32
    %dma_start3A_99 = arith.constant 0 : i32
    %dma_start3A_100 = tpu.memref_slice %arg2[%add3A_83, %dma_start3A_98, %dma_start3A_99] : memref<8192x2x128xf32, #tpu.memory_space<hbm>> -> memref<64x2x128xf32, #tpu.memory_space<hbm>>
    tpu.enqueue_dma source(%dma_start3A_100 : memref<64x2x128xf32, #tpu.memory_space<hbm>>) target(%dma_start3A_97 : memref<64x2x128xf32, #tpu.memory_space<vmem>>) target_semaphore(%arg8 : memref<!tpu.dma_semaphore, #tpu.memory_space<semaphore_mem>>)
    %dma_wait3A_101 = arith.constant 1 : i32
    %dma_wait3A_102 = arith.constant 0 : i32
    %dma_wait3A_103 = arith.constant 0 : i32
    %dma_wait3A_104 = arith.constant 0 : i32
    %dma_wait3A_105 = tpu.memref_slice %arg5[%dma_wait3A_101, %dma_wait3A_102, %dma_wait3A_103, %dma_wait3A_104] : memref<2x64x2x128xf32, #tpu.memory_space<vmem>> -> memref<1x64x2x128xf32, #tpu.memory_space<vmem>>
    %dma_wait3A_106 = tpu.memref_squeeze %dma_wait3A_105 : memref<1x64x2x128xf32, #tpu.memory_space<vmem>> -> memref<64x2x128xf32, #tpu.memory_space<vmem>>
    %dma_wait3A_107 = arith.constant 0 : i32
    %dma_wait3A_108 = arith.constant 0 : i32
    %dma_wait3A_109 = tpu.memref_slice %arg2[%add3A_28, %dma_wait3A_107, %dma_wait3A_108] : memref<8192x2x128xf32, #tpu.memory_space<hbm>> -> memref<64x2x128xf32, #tpu.memory_space<hbm>>
    %dma_wait3A_110 = arith.constant 0 : i32
    %dma_wait3A_111 = arith.constant 0 : i32
    %dma_wait3A_112 = arith.constant 0 : i32
    %dma_wait3A_113 = tpu.memref_slice %arg5[%dma_wait3A_101, %dma_wait3A_110, %dma_wait3A_111, %dma_wait3A_112] : memref<2x64x2x128xf32, #tpu.memory_space<vmem>> -> memref<1x64x2x128xf32, #tpu.memory_space<vmem>>
    %dma_wait3A_114 = tpu.memref_squeeze %dma_wait3A_113 : memref<1x64x2x128xf32, #tpu.memory_space<vmem>> -> memref<64x2x128xf32, #tpu.memory_space<vmem>>
    %dma_wait3A_115 = arith.constant 0 : i32
    %dma_wait3A_116 = arith.constant 0 : i32
    %dma_wait3A_117 = tpu.memref_slice %arg2[%add3A_28, %dma_wait3A_115, %dma_wait3A_116] : memref<8192x2x128xf32, #tpu.memory_space<hbm>> -> memref<64x2x128xf32, #tpu.memory_space<hbm>>
    tpu.wait_dma2 semaphore(%arg9 : memref<!tpu.dma_semaphore, #tpu.memory_space<semaphore_mem>>) src(%dma_wait3A_117 : memref<64x2x128xf32, #tpu.memory_space<hbm>>) dst(%dma_wait3A_114 : memref<64x2x128xf32, #tpu.memory_space<vmem>>)
    %parallel_loop3A_118 = arith.constant 0 : i32
    %parallel_loop3A_119 = arith.constant 64 : i32
    %parallel_loop3A_120 = arith.constant 1 : i32
    %parallel_loop3A_121 = arith.constant 2.000000e-02 : f32
    scf.for %parallel_loop3A_286 = %parallel_loop3A_118 to %parallel_loop3A_119 step %parallel_loop3A_120  : i32 {
      %parallel_loop3A_287 = arith.constant 1 : i32
      %parallel_loop3A_288 = arith.constant 0 : i32
      %parallel_loop3A_289 = arith.index_cast %parallel_loop3A_287 : i32 to index
      %parallel_loop3A_290 = arith.index_cast %parallel_loop3A_286 : i32 to index
      %parallel_loop3A_291 = arith.index_cast %parallel_loop3A_288 : i32 to index
      %parallel_loop3A_292 = arith.constant 0 : index
      %parallel_loop3A_293 = tpu.vector_load %arg5[%parallel_loop3A_289, %parallel_loop3A_290, %parallel_loop3A_291, %parallel_loop3A_292] {strides = array<i32>} : memref<2x64x2x128xf32, #tpu.memory_space<vmem>>, vector<16xf32>,
      %parallel_loop3A_294 = arith.constant 1 : i32
      %parallel_loop3A_295 = arith.constant 0 : i32
      %parallel_loop3A_296 = arith.index_cast %parallel_loop3A_294 : i32 to index
      %parallel_loop3A_297 = arith.index_cast %parallel_loop3A_286 : i32 to index
      %parallel_loop3A_298 = arith.index_cast %parallel_loop3A_295 : i32 to index
      %parallel_loop3A_299 = arith.constant 16 : index
      %parallel_loop3A_300 = tpu.vector_load %arg5[%parallel_loop3A_296, %parallel_loop3A_297, %parallel_loop3A_298, %parallel_loop3A_299] {strides = array<i32>} : memref<2x64x2x128xf32, #tpu.memory_space<vmem>>, vector<16xf32>,
      %parallel_loop3A_301 = arith.constant 1 : i32
      %parallel_loop3A_302 = arith.constant 0 : i32
      %parallel_loop3A_303 = arith.index_cast %parallel_loop3A_301 : i32 to index
      %parallel_loop3A_304 = arith.index_cast %parallel_loop3A_286 : i32 to index
      %parallel_loop3A_305 = arith.index_cast %parallel_loop3A_302 : i32 to index
      %parallel_loop3A_306 = arith.constant 32 : index
      %parallel_loop3A_307 = tpu.vector_load %arg5[%parallel_loop3A_303, %parallel_loop3A_304, %parallel_loop3A_305, %parallel_loop3A_306] {strides = array<i32>} : memref<2x64x2x128xf32, #tpu.memory_space<vmem>>, vector<16xf32>,
      %parallel_loop3A_308 = arith.constant 1 : i32
      %parallel_loop3A_309 = arith.constant 0 : i32
      %parallel_loop3A_310 = arith.index_cast %parallel_loop3A_308 : i32 to index
      %parallel_loop3A_311 = arith.index_cast %parallel_loop3A_286 : i32 to index
      %parallel_loop3A_312 = arith.index_cast %parallel_loop3A_309 : i32 to index
      %parallel_loop3A_313 = arith.constant 48 : index
      %parallel_loop3A_314 = tpu.vector_load %arg5[%parallel_loop3A_310, %parallel_loop3A_311, %parallel_loop3A_312, %parallel_loop3A_313] {strides = array<i32>} : memref<2x64x2x128xf32, #tpu.memory_space<vmem>>, vector<16xf32>,
      %parallel_loop3A_315 = arith.constant 1 : i32
      %parallel_loop3A_316 = arith.constant 0 : i32
      %parallel_loop3A_317 = arith.index_cast %parallel_loop3A_315 : i32 to index
      %parallel_loop3A_318 = arith.index_cast %parallel_loop3A_286 : i32 to index
      %parallel_loop3A_319 = arith.index_cast %parallel_loop3A_316 : i32 to index
      %parallel_loop3A_320 = arith.constant 64 : index
      %parallel_loop3A_321 = tpu.vector_load %arg5[%parallel_loop3A_317, %parallel_loop3A_318, %parallel_loop3A_319, %parallel_loop3A_320] {strides = array<i32>} : memref<2x64x2x128xf32, #tpu.memory_space<vmem>>, vector<16xf32>,
      %parallel_loop3A_322 = arith.constant 1 : i32
      %parallel_loop3A_323 = arith.constant 0 : i32
      %parallel_loop3A_324 = arith.index_cast %parallel_loop3A_322 : i32 to index
      %parallel_loop3A_325 = arith.index_cast %parallel_loop3A_286 : i32 to index
      %parallel_loop3A_326 = arith.index_cast %parallel_loop3A_323 : i32 to index
      %parallel_loop3A_327 = arith.constant 80 : index
      %parallel_loop3A_328 = tpu.vector_load %arg5[%parallel_loop3A_324, %parallel_loop3A_325, %parallel_loop3A_326, %parallel_loop3A_327] {strides = array<i32>} : memref<2x64x2x128xf32, #tpu.memory_space<vmem>>, vector<16xf32>,
      %parallel_loop3A_329 = arith.constant 1 : i32
      %parallel_loop3A_330 = arith.constant 0 : i32
      %parallel_loop3A_331 = arith.index_cast %parallel_loop3A_329 : i32 to index
      %parallel_loop3A_332 = arith.index_cast %parallel_loop3A_286 : i32 to index
      %parallel_loop3A_333 = arith.index_cast %parallel_loop3A_330 : i32 to index
      %parallel_loop3A_334 = arith.constant 96 : index
      %parallel_loop3A_335 = tpu.vector_load %arg5[%parallel_loop3A_331, %parallel_loop3A_332, %parallel_loop3A_333, %parallel_loop3A_334] {strides = array<i32>} : memref<2x64x2x128xf32, #tpu.memory_space<vmem>>, vector<16xf32>,
      %parallel_loop3A_336 = arith.constant 1 : i32
      %parallel_loop3A_337 = arith.constant 0 : i32
      %parallel_loop3A_338 = arith.index_cast %parallel_loop3A_336 : i32 to index
      %parallel_loop3A_339 = arith.index_cast %parallel_loop3A_286 : i32 to index
      %parallel_loop3A_340 = arith.index_cast %parallel_loop3A_337 : i32 to index
      %parallel_loop3A_341 = arith.constant 112 : index
      %parallel_loop3A_342 = tpu.vector_load %arg5[%parallel_loop3A_338, %parallel_loop3A_339, %parallel_loop3A_340, %parallel_loop3A_341] {strides = array<i32>} : memref<2x64x2x128xf32, #tpu.memory_space<vmem>>, vector<16xf32>,
      %parallel_loop3A_343 = arith.constant 1 : i32
      %parallel_loop3A_344 = arith.constant 1 : i32
      %parallel_loop3A_345 = arith.index_cast %parallel_loop3A_343 : i32 to index
      %parallel_loop3A_346 = arith.index_cast %parallel_loop3A_286 : i32 to index
      %parallel_loop3A_347 = arith.index_cast %parallel_loop3A_344 : i32 to index
      %parallel_loop3A_348 = arith.constant 0 : index
      %parallel_loop3A_349 = tpu.vector_load %arg5[%parallel_loop3A_345, %parallel_loop3A_346, %parallel_loop3A_347, %parallel_loop3A_348] {strides = array<i32>} : memref<2x64x2x128xf32, #tpu.memory_space<vmem>>, vector<16xf32>,
      %parallel_loop3A_350 = arith.constant 1 : i32
      %parallel_loop3A_351 = arith.constant 1 : i32
      %parallel_loop3A_352 = arith.index_cast %parallel_loop3A_350 : i32 to index
      %parallel_loop3A_353 = arith.index_cast %parallel_loop3A_286 : i32 to index
      %parallel_loop3A_354 = arith.index_cast %parallel_loop3A_351 : i32 to index
      %parallel_loop3A_355 = arith.constant 16 : index
      %parallel_loop3A_356 = tpu.vector_load %arg5[%parallel_loop3A_352, %parallel_loop3A_353, %parallel_loop3A_354, %parallel_loop3A_355] {strides = array<i32>} : memref<2x64x2x128xf32, #tpu.memory_space<vmem>>, vector<16xf32>,
      %parallel_loop3A_357 = arith.constant 1 : i32
      %parallel_loop3A_358 = arith.constant 1 : i32
      %parallel_loop3A_359 = arith.index_cast %parallel_loop3A_357 : i32 to index
      %parallel_loop3A_360 = arith.index_cast %parallel_loop3A_286 : i32 to index
      %parallel_loop3A_361 = arith.index_cast %parallel_loop3A_358 : i32 to index
      %parallel_loop3A_362 = arith.constant 32 : index
      %parallel_loop3A_363 = tpu.vector_load %arg5[%parallel_loop3A_359, %parallel_loop3A_360, %parallel_loop3A_361, %parallel_loop3A_362] {strides = array<i32>} : memref<2x64x2x128xf32, #tpu.memory_space<vmem>>, vector<16xf32>,
      %parallel_loop3A_364 = arith.constant 1 : i32
      %parallel_loop3A_365 = arith.constant 1 : i32
      %parallel_loop3A_366 = arith.index_cast %parallel_loop3A_364 : i32 to index
      %parallel_loop3A_367 = arith.index_cast %parallel_loop3A_286 : i32 to index
      %parallel_loop3A_368 = arith.index_cast %parallel_loop3A_365 : i32 to index
      %parallel_loop3A_369 = arith.constant 48 : index
      %parallel_loop3A_370 = tpu.vector_load %arg5[%parallel_loop3A_366, %parallel_loop3A_367, %parallel_loop3A_368, %parallel_loop3A_369] {strides = array<i32>} : memref<2x64x2x128xf32, #tpu.memory_space<vmem>>, vector<16xf32>,
      %parallel_loop3A_371 = arith.constant 1 : i32
      %parallel_loop3A_372 = arith.constant 1 : i32
      %parallel_loop3A_373 = arith.index_cast %parallel_loop3A_371 : i32 to index
      %parallel_loop3A_374 = arith.index_cast %parallel_loop3A_286 : i32 to index
      %parallel_loop3A_375 = arith.index_cast %parallel_loop3A_372 : i32 to index
      %parallel_loop3A_376 = arith.constant 64 : index
      %parallel_loop3A_377 = tpu.vector_load %arg5[%parallel_loop3A_373, %parallel_loop3A_374, %parallel_loop3A_375, %parallel_loop3A_376] {strides = array<i32>} : memref<2x64x2x128xf32, #tpu.memory_space<vmem>>, vector<16xf32>,
      %parallel_loop3A_378 = arith.constant 1 : i32
      %parallel_loop3A_379 = arith.constant 1 : i32
      %parallel_loop3A_380 = arith.index_cast %parallel_loop3A_378 : i32 to index
      %parallel_loop3A_381 = arith.index_cast %parallel_loop3A_286 : i32 to index
      %parallel_loop3A_382 = arith.index_cast %parallel_loop3A_379 : i32 to index
      %parallel_loop3A_383 = arith.constant 80 : index
      %parallel_loop3A_384 = tpu.vector_load %arg5[%parallel_loop3A_380, %parallel_loop3A_381, %parallel_loop3A_382, %parallel_loop3A_383] {strides = array<i32>} : memref<2x64x2x128xf32, #tpu.memory_space<vmem>>, vector<16xf32>,
      %parallel_loop3A_385 = arith.constant 1 : i32
      %parallel_loop3A_386 = arith.constant 1 : i32
      %parallel_loop3A_387 = arith.index_cast %parallel_loop3A_385 : i32 to index
      %parallel_loop3A_388 = arith.index_cast %parallel_loop3A_286 : i32 to index
      %parallel_loop3A_389 = arith.index_cast %parallel_loop3A_386 : i32 to index
      %parallel_loop3A_390 = arith.constant 96 : index
      %parallel_loop3A_391 = tpu.vector_load %arg5[%parallel_loop3A_387, %parallel_loop3A_388, %parallel_loop3A_389, %parallel_loop3A_390] {strides = array<i32>} : memref<2x64x2x128xf32, #tpu.memory_space<vmem>>, vector<16xf32>,
      %parallel_loop3A_392 = arith.constant 1 : i32
      %parallel_loop3A_393 = arith.constant 1 : i32
      %parallel_loop3A_394 = arith.index_cast %parallel_loop3A_392 : i32 to index
      %parallel_loop3A_395 = arith.index_cast %parallel_loop3A_286 : i32 to index
      %parallel_loop3A_396 = arith.index_cast %parallel_loop3A_393 : i32 to index
      %parallel_loop3A_397 = arith.constant 112 : index
      %parallel_loop3A_398 = tpu.vector_load %arg5[%parallel_loop3A_394, %parallel_loop3A_395, %parallel_loop3A_396, %parallel_loop3A_397] {strides = array<i32>} : memref<2x64x2x128xf32, #tpu.memory_space<vmem>>, vector<16xf32>,
      %parallel_loop3A_399 = vector.broadcast %parallel_loop3A_121 : f32 to vector<16xf32>
      %parallel_loop3A_400 = arith.divf %parallel_loop3A_293, %parallel_loop3A_399 : vector<16xf32>
      %parallel_loop3A_401 = arith.fptosi %parallel_loop3A_400 : vector<16xf32> to vector<16xi32>
      %parallel_loop3A_402 = arith.constant 51 : i32
      %parallel_loop3A_403 = vector.broadcast %parallel_loop3A_402 : i32 to vector<16xi32>
      %parallel_loop3A_404 = arith.muli %parallel_loop3A_401, %parallel_loop3A_403 : vector<16xi32>
      %parallel_loop3A_405 = vector.broadcast %parallel_loop3A_121 : f32 to vector<16xf32>
      %parallel_loop3A_406 = arith.divf %parallel_loop3A_349, %parallel_loop3A_405 : vector<16xf32>
      %parallel_loop3A_407 = arith.fptosi %parallel_loop3A_406 : vector<16xf32> to vector<16xi32>
      %parallel_loop3A_408 = arith.addi %parallel_loop3A_404, %parallel_loop3A_407 : vector<16xi32>
      %parallel_loop3A_409 = vector.broadcast %parallel_loop3A_121 : f32 to vector<16xf32>
      %parallel_loop3A_410 = arith.divf %parallel_loop3A_300, %parallel_loop3A_409 : vector<16xf32>
      %parallel_loop3A_411 = arith.fptosi %parallel_loop3A_410 : vector<16xf32> to vector<16xi32>
      %parallel_loop3A_412 = arith.constant 51 : i32
      %parallel_loop3A_413 = vector.broadcast %parallel_loop3A_412 : i32 to vector<16xi32>
      %parallel_loop3A_414 = arith.muli %parallel_loop3A_411, %parallel_loop3A_413 : vector<16xi32>
      %parallel_loop3A_415 = vector.broadcast %parallel_loop3A_121 : f32 to vector<16xf32>
      %parallel_loop3A_416 = arith.divf %parallel_loop3A_356, %parallel_loop3A_415 : vector<16xf32>
      %parallel_loop3A_417 = arith.fptosi %parallel_loop3A_416 : vector<16xf32> to vector<16xi32>
      %parallel_loop3A_418 = arith.addi %parallel_loop3A_414, %parallel_loop3A_417 : vector<16xi32>
      %parallel_loop3A_419 = vector.broadcast %parallel_loop3A_121 : f32 to vector<16xf32>
      %parallel_loop3A_420 = arith.divf %parallel_loop3A_307, %parallel_loop3A_419 : vector<16xf32>
      %parallel_loop3A_421 = arith.fptosi %parallel_loop3A_420 : vector<16xf32> to vector<16xi32>
      %parallel_loop3A_422 = arith.constant 51 : i32
      %parallel_loop3A_423 = vector.broadcast %parallel_loop3A_422 : i32 to vector<16xi32>
      %parallel_loop3A_424 = arith.muli %parallel_loop3A_421, %parallel_loop3A_423 : vector<16xi32>
      %parallel_loop3A_425 = vector.broadcast %parallel_loop3A_121 : f32 to vector<16xf32>
      %parallel_loop3A_426 = arith.divf %parallel_loop3A_363, %parallel_loop3A_425 : vector<16xf32>
      %parallel_loop3A_427 = arith.fptosi %parallel_loop3A_426 : vector<16xf32> to vector<16xi32>
      %parallel_loop3A_428 = arith.addi %parallel_loop3A_424, %parallel_loop3A_427 : vector<16xi32>
      %parallel_loop3A_429 = vector.broadcast %parallel_loop3A_121 : f32 to vector<16xf32>
      %parallel_loop3A_430 = arith.divf %parallel_loop3A_314, %parallel_loop3A_429 : vector<16xf32>
      %parallel_loop3A_431 = arith.fptosi %parallel_loop3A_430 : vector<16xf32> to vector<16xi32>
      %parallel_loop3A_432 = arith.constant 51 : i32
      %parallel_loop3A_433 = vector.broadcast %parallel_loop3A_432 : i32 to vector<16xi32>
      %parallel_loop3A_434 = arith.muli %parallel_loop3A_431, %parallel_loop3A_433 : vector<16xi32>
      %parallel_loop3A_435 = vector.broadcast %parallel_loop3A_121 : f32 to vector<16xf32>
      %parallel_loop3A_436 = arith.divf %parallel_loop3A_370, %parallel_loop3A_435 : vector<16xf32>
      %parallel_loop3A_437 = arith.fptosi %parallel_loop3A_436 : vector<16xf32> to vector<16xi32>
      %parallel_loop3A_438 = arith.addi %parallel_loop3A_434, %parallel_loop3A_437 : vector<16xi32>
      %parallel_loop3A_439 = vector.broadcast %parallel_loop3A_121 : f32 to vector<16xf32>
      %parallel_loop3A_440 = arith.divf %parallel_loop3A_321, %parallel_loop3A_439 : vector<16xf32>
      %parallel_loop3A_441 = arith.fptosi %parallel_loop3A_440 : vector<16xf32> to vector<16xi32>
      %parallel_loop3A_442 = arith.constant 51 : i32
      %parallel_loop3A_443 = vector.broadcast %parallel_loop3A_442 : i32 to vector<16xi32>
      %parallel_loop3A_444 = arith.muli %parallel_loop3A_441, %parallel_loop3A_443 : vector<16xi32>
      %parallel_loop3A_445 = vector.broadcast %parallel_loop3A_121 : f32 to vector<16xf32>
      %parallel_loop3A_446 = arith.divf %parallel_loop3A_377, %parallel_loop3A_445 : vector<16xf32>
      %parallel_loop3A_447 = arith.fptosi %parallel_loop3A_446 : vector<16xf32> to vector<16xi32>
      %parallel_loop3A_448 = arith.addi %parallel_loop3A_444, %parallel_loop3A_447 : vector<16xi32>
      %parallel_loop3A_449 = vector.broadcast %parallel_loop3A_121 : f32 to vector<16xf32>
      %parallel_loop3A_450 = arith.divf %parallel_loop3A_328, %parallel_loop3A_449 : vector<16xf32>
      %parallel_loop3A_451 = arith.fptosi %parallel_loop3A_450 : vector<16xf32> to vector<16xi32>
      %parallel_loop3A_452 = arith.constant 51 : i32
      %parallel_loop3A_453 = vector.broadcast %parallel_loop3A_452 : i32 to vector<16xi32>
      %parallel_loop3A_454 = arith.muli %parallel_loop3A_451, %parallel_loop3A_453 : vector<16xi32>
      %parallel_loop3A_455 = vector.broadcast %parallel_loop3A_121 : f32 to vector<16xf32>
      %parallel_loop3A_456 = arith.divf %parallel_loop3A_384, %parallel_loop3A_455 : vector<16xf32>
      %parallel_loop3A_457 = arith.fptosi %parallel_loop3A_456 : vector<16xf32> to vector<16xi32>
      %parallel_loop3A_458 = arith.addi %parallel_loop3A_454, %parallel_loop3A_457 : vector<16xi32>
      %parallel_loop3A_459 = vector.broadcast %parallel_loop3A_121 : f32 to vector<16xf32>
      %parallel_loop3A_460 = arith.divf %parallel_loop3A_335, %parallel_loop3A_459 : vector<16xf32>
      %parallel_loop3A_461 = arith.fptosi %parallel_loop3A_460 : vector<16xf32> to vector<16xi32>
      %parallel_loop3A_462 = arith.constant 51 : i32
      %parallel_loop3A_463 = vector.broadcast %parallel_loop3A_462 : i32 to vector<16xi32>
      %parallel_loop3A_464 = arith.muli %parallel_loop3A_461, %parallel_loop3A_463 : vector<16xi32>
      %parallel_loop3A_465 = vector.broadcast %parallel_loop3A_121 : f32 to vector<16xf32>
      %parallel_loop3A_466 = arith.divf %parallel_loop3A_391, %parallel_loop3A_465 : vector<16xf32>
      %parallel_loop3A_467 = arith.fptosi %parallel_loop3A_466 : vector<16xf32> to vector<16xi32>
      %parallel_loop3A_468 = arith.addi %parallel_loop3A_464, %parallel_loop3A_467 : vector<16xi32>
      %parallel_loop3A_469 = vector.broadcast %parallel_loop3A_121 : f32 to vector<16xf32>
      %parallel_loop3A_470 = arith.divf %parallel_loop3A_342, %parallel_loop3A_469 : vector<16xf32>
      %parallel_loop3A_471 = arith.fptosi %parallel_loop3A_470 : vector<16xf32> to vector<16xi32>
      %parallel_loop3A_472 = arith.constant 51 : i32
      %parallel_loop3A_473 = vector.broadcast %parallel_loop3A_472 : i32 to vector<16xi32>
      %parallel_loop3A_474 = arith.muli %parallel_loop3A_471, %parallel_loop3A_473 : vector<16xi32>
      %parallel_loop3A_475 = vector.broadcast %parallel_loop3A_121 : f32 to vector<16xf32>
      %parallel_loop3A_476 = arith.divf %parallel_loop3A_398, %parallel_loop3A_475 : vector<16xf32>
      %parallel_loop3A_477 = arith.fptosi %parallel_loop3A_476 : vector<16xf32> to vector<16xi32>
      %parallel_loop3A_478 = arith.addi %parallel_loop3A_474, %parallel_loop3A_477 : vector<16xi32>
      %parallel_loop3A_479 = tpu.vector_load_idx %arg6[%parallel_loop3A_408] : memref<4096xf32, #tpu.memory_space<vmem>>[vector<16xi32>], vector<16xf32>,
      %parallel_loop3A_480 = tpu.vector_load_idx %arg6[%parallel_loop3A_418] : memref<4096xf32, #tpu.memory_space<vmem>>[vector<16xi32>], vector<16xf32>,
      %parallel_loop3A_481 = tpu.vector_load_idx %arg6[%parallel_loop3A_428] : memref<4096xf32, #tpu.memory_space<vmem>>[vector<16xi32>], vector<16xf32>,
      %parallel_loop3A_482 = tpu.vector_load_idx %arg6[%parallel_loop3A_438] : memref<4096xf32, #tpu.memory_space<vmem>>[vector<16xi32>], vector<16xf32>,
      %parallel_loop3A_483 = tpu.vector_load_idx %arg6[%parallel_loop3A_448] : memref<4096xf32, #tpu.memory_space<vmem>>[vector<16xi32>], vector<16xf32>,
      %parallel_loop3A_484 = tpu.vector_load_idx %arg6[%parallel_loop3A_458] : memref<4096xf32, #tpu.memory_space<vmem>>[vector<16xi32>], vector<16xf32>,
      %parallel_loop3A_485 = tpu.vector_load_idx %arg6[%parallel_loop3A_468] : memref<4096xf32, #tpu.memory_space<vmem>>[vector<16xi32>], vector<16xf32>,
      %parallel_loop3A_486 = tpu.vector_load_idx %arg6[%parallel_loop3A_478] : memref<4096xf32, #tpu.memory_space<vmem>>[vector<16xi32>], vector<16xf32>,
      %parallel_loop3A_487 = arith.constant 1 : i32
      %parallel_loop3A_488 = arith.index_cast %parallel_loop3A_487 : i32 to index
      %parallel_loop3A_489 = arith.index_cast %parallel_loop3A_286 : i32 to index
      %parallel_loop3A_490 = arith.constant 0 : index
      %parallel_loop3A_491 = tpu.vector_load %arg7[%parallel_loop3A_488, %parallel_loop3A_489, %parallel_loop3A_490] {strides = array<i32>} : memref<2x64x128xf32, #tpu.memory_space<vmem>>, vector<16xf32>,
      tpu.vector_store %arg7[%parallel_loop3A_488, %parallel_loop3A_489, %parallel_loop3A_490], %parallel_loop3A_479 {strides = array<i32>} : memref<2x64x128xf32, #tpu.memory_space<vmem>>, vector<16xf32>,
      %parallel_loop3A_492 = arith.constant 1 : i32
      %parallel_loop3A_493 = arith.index_cast %parallel_loop3A_492 : i32 to index
      %parallel_loop3A_494 = arith.index_cast %parallel_loop3A_286 : i32 to index
      %parallel_loop3A_495 = arith.constant 16 : index
      %parallel_loop3A_496 = tpu.vector_load %arg7[%parallel_loop3A_493, %parallel_loop3A_494, %parallel_loop3A_495] {strides = array<i32>} : memref<2x64x128xf32, #tpu.memory_space<vmem>>, vector<16xf32>,
      tpu.vector_store %arg7[%parallel_loop3A_493, %parallel_loop3A_494, %parallel_loop3A_495], %parallel_loop3A_480 {strides = array<i32>} : memref<2x64x128xf32, #tpu.memory_space<vmem>>, vector<16xf32>,
      %parallel_loop3A_497 = arith.constant 1 : i32
      %parallel_loop3A_498 = arith.index_cast %parallel_loop3A_497 : i32 to index
      %parallel_loop3A_499 = arith.index_cast %parallel_loop3A_286 : i32 to index
      %parallel_loop3A_500 = arith.constant 32 : index
      %parallel_loop3A_501 = tpu.vector_load %arg7[%parallel_loop3A_498, %parallel_loop3A_499, %parallel_loop3A_500] {strides = array<i32>} : memref<2x64x128xf32, #tpu.memory_space<vmem>>, vector<16xf32>,
      tpu.vector_store %arg7[%parallel_loop3A_498, %parallel_loop3A_499, %parallel_loop3A_500], %parallel_loop3A_481 {strides = array<i32>} : memref<2x64x128xf32, #tpu.memory_space<vmem>>, vector<16xf32>,
      %parallel_loop3A_502 = arith.constant 1 : i32
      %parallel_loop3A_503 = arith.index_cast %parallel_loop3A_502 : i32 to index
      %parallel_loop3A_504 = arith.index_cast %parallel_loop3A_286 : i32 to index
      %parallel_loop3A_505 = arith.constant 48 : index
      %parallel_loop3A_506 = tpu.vector_load %arg7[%parallel_loop3A_503, %parallel_loop3A_504, %parallel_loop3A_505] {strides = array<i32>} : memref<2x64x128xf32, #tpu.memory_space<vmem>>, vector<16xf32>,
      tpu.vector_store %arg7[%parallel_loop3A_503, %parallel_loop3A_504, %parallel_loop3A_505], %parallel_loop3A_482 {strides = array<i32>} : memref<2x64x128xf32, #tpu.memory_space<vmem>>, vector<16xf32>,
      %parallel_loop3A_507 = arith.constant 1 : i32
      %parallel_loop3A_508 = arith.index_cast %parallel_loop3A_507 : i32 to index
      %parallel_loop3A_509 = arith.index_cast %parallel_loop3A_286 : i32 to index
      %parallel_loop3A_510 = arith.constant 64 : index
      %parallel_loop3A_511 = tpu.vector_load %arg7[%parallel_loop3A_508, %parallel_loop3A_509, %parallel_loop3A_510] {strides = array<i32>} : memref<2x64x128xf32, #tpu.memory_space<vmem>>, vector<16xf32>,
      tpu.vector_store %arg7[%parallel_loop3A_508, %parallel_loop3A_509, %parallel_loop3A_510], %parallel_loop3A_483 {strides = array<i32>} : memref<2x64x128xf32, #tpu.memory_space<vmem>>, vector<16xf32>,
      %parallel_loop3A_512 = arith.constant 1 : i32
      %parallel_loop3A_513 = arith.index_cast %parallel_loop3A_512 : i32 to index
      %parallel_loop3A_514 = arith.index_cast %parallel_loop3A_286 : i32 to index
      %parallel_loop3A_515 = arith.constant 80 : index
      %parallel_loop3A_516 = tpu.vector_load %arg7[%parallel_loop3A_513, %parallel_loop3A_514, %parallel_loop3A_515] {strides = array<i32>} : memref<2x64x128xf32, #tpu.memory_space<vmem>>, vector<16xf32>,
      tpu.vector_store %arg7[%parallel_loop3A_513, %parallel_loop3A_514, %parallel_loop3A_515], %parallel_loop3A_484 {strides = array<i32>} : memref<2x64x128xf32, #tpu.memory_space<vmem>>, vector<16xf32>,
      %parallel_loop3A_517 = arith.constant 1 : i32
      %parallel_loop3A_518 = arith.index_cast %parallel_loop3A_517 : i32 to index
      %parallel_loop3A_519 = arith.index_cast %parallel_loop3A_286 : i32 to index
      %parallel_loop3A_520 = arith.constant 96 : index
      %parallel_loop3A_521 = tpu.vector_load %arg7[%parallel_loop3A_518, %parallel_loop3A_519, %parallel_loop3A_520] {strides = array<i32>} : memref<2x64x128xf32, #tpu.memory_space<vmem>>, vector<16xf32>,
      tpu.vector_store %arg7[%parallel_loop3A_518, %parallel_loop3A_519, %parallel_loop3A_520], %parallel_loop3A_485 {strides = array<i32>} : memref<2x64x128xf32, #tpu.memory_space<vmem>>, vector<16xf32>,
      %parallel_loop3A_522 = arith.constant 1 : i32
      %parallel_loop3A_523 = arith.index_cast %parallel_loop3A_522 : i32 to index
      %parallel_loop3A_524 = arith.index_cast %parallel_loop3A_286 : i32 to index
      %parallel_loop3A_525 = arith.constant 112 : index
      %parallel_loop3A_526 = tpu.vector_load %arg7[%parallel_loop3A_523, %parallel_loop3A_524, %parallel_loop3A_525] {strides = array<i32>} : memref<2x64x128xf32, #tpu.memory_space<vmem>>, vector<16xf32>,
      tpu.vector_store %arg7[%parallel_loop3A_523, %parallel_loop3A_524, %parallel_loop3A_525], %parallel_loop3A_486 {strides = array<i32>} : memref<2x64x128xf32, #tpu.memory_space<vmem>>, vector<16xf32>,
    } {sc.loop_unroll_factor = 2 : i64, sc.parallel_access}
    %mul3A_122 = arith.constant 256 : i32
    %mul3A_123 = arith.muli %add3A, %mul3A_122 : i32
    %add3A_124 = arith.constant 64 : i32
    %add3A_125 = arith.addi %mul3A_123, %add3A_124 : i32
    %dma_start3A_126 = arith.constant 1 : i32
    %dma_start3A_127 = arith.constant 0 : i32
    %dma_start3A_128 = arith.constant 0 : i32
    %dma_start3A_129 = tpu.memref_slice %arg7[%dma_start3A_126, %dma_start3A_127, %dma_start3A_128] : memref<2x64x128xf32, #tpu.memory_space<vmem>> -> memref<1x64x128xf32, #tpu.memory_space<vmem>>
    %dma_start3A_130 = tpu.memref_squeeze %dma_start3A_129 : memref<1x64x128xf32, #tpu.memory_space<vmem>> -> memref<64x128xf32, #tpu.memory_space<vmem>>
    %dma_start3A_131 = arith.constant 0 : i32
    %dma_start3A_132 = tpu.memref_slice %arg4[%add3A_125, %dma_start3A_131] : memref<8192x128xf32, #tpu.memory_space<hbm>> -> memref<64x128xf32, #tpu.memory_space<hbm>>
    %dma_start3A_133 = arith.constant 0 : i32
    %dma_start3A_134 = tpu.memref_slice %arg4[%add3A_125, %dma_start3A_133] : memref<8192x128xf32, #tpu.memory_space<hbm>> -> memref<64x128xf32, #tpu.memory_space<hbm>>
    %dma_start3A_135 = arith.constant 0 : i32
    %dma_start3A_136 = arith.constant 0 : i32
    %dma_start3A_137 = tpu.memref_slice %arg7[%dma_start3A_126, %dma_start3A_135, %dma_start3A_136] : memref<2x64x128xf32, #tpu.memory_space<vmem>> -> memref<1x64x128xf32, #tpu.memory_space<vmem>>
    %dma_start3A_138 = tpu.memref_squeeze %dma_start3A_137 : memref<1x64x128xf32, #tpu.memory_space<vmem>> -> memref<64x128xf32, #tpu.memory_space<vmem>>
    tpu.enqueue_dma source(%dma_start3A_138 : memref<64x128xf32, #tpu.memory_space<vmem>>) target(%dma_start3A_134 : memref<64x128xf32, #tpu.memory_space<hbm>>) target_semaphore(%arg11 : memref<!tpu.dma_semaphore, #tpu.memory_space<semaphore_mem>>)
    %add3A_139 = arith.constant 192 : i32
    %add3A_140 = arith.addi %mul3A_2, %add3A_139 : i32
    %dma_start3A_141 = arith.constant 1 : i32
    %dma_start3A_142 = arith.constant 0 : i32
    %dma_start3A_143 = arith.constant 0 : i32
    %dma_start3A_144 = arith.constant 0 : i32
    %dma_start3A_145 = tpu.memref_slice %arg5[%dma_start3A_141, %dma_start3A_142, %dma_start3A_143, %dma_start3A_144] : memref<2x64x2x128xf32, #tpu.memory_space<vmem>> -> memref<1x64x2x128xf32, #tpu.memory_space<vmem>>
    %dma_start3A_146 = tpu.memref_squeeze %dma_start3A_145 : memref<1x64x2x128xf32, #tpu.memory_space<vmem>> -> memref<64x2x128xf32, #tpu.memory_space<vmem>>
    %dma_start3A_147 = arith.constant 0 : i32
    %dma_start3A_148 = arith.constant 0 : i32
    %dma_start3A_149 = tpu.memref_slice %arg2[%add3A_140, %dma_start3A_147, %dma_start3A_148] : memref<8192x2x128xf32, #tpu.memory_space<hbm>> -> memref<64x2x128xf32, #tpu.memory_space<hbm>>
    %dma_start3A_150 = arith.constant 0 : i32
    %dma_start3A_151 = arith.constant 0 : i32
    %dma_start3A_152 = arith.constant 0 : i32
    %dma_start3A_153 = tpu.memref_slice %arg5[%dma_start3A_141, %dma_start3A_150, %dma_start3A_151, %dma_start3A_152] : memref<2x64x2x128xf32, #tpu.memory_space<vmem>> -> memref<1x64x2x128xf32, #tpu.memory_space<vmem>>
    %dma_start3A_154 = tpu.memref_squeeze %dma_start3A_153 : memref<1x64x2x128xf32, #tpu.memory_space<vmem>> -> memref<64x2x128xf32, #tpu.memory_space<vmem>>
    %dma_start3A_155 = arith.constant 0 : i32
    %dma_start3A_156 = arith.constant 0 : i32
    %dma_start3A_157 = tpu.memref_slice %arg2[%add3A_140, %dma_start3A_155, %dma_start3A_156] : memref<8192x2x128xf32, #tpu.memory_space<hbm>> -> memref<64x2x128xf32, #tpu.memory_space<hbm>>
    tpu.enqueue_dma source(%dma_start3A_157 : memref<64x2x128xf32, #tpu.memory_space<hbm>>) target(%dma_start3A_154 : memref<64x2x128xf32, #tpu.memory_space<vmem>>) target_semaphore(%arg9 : memref<!tpu.dma_semaphore, #tpu.memory_space<semaphore_mem>>)
    %dma_wait3A_158 = arith.constant 0 : i32
    %dma_wait3A_159 = arith.constant 0 : i32
    %dma_wait3A_160 = arith.constant 0 : i32
    %dma_wait3A_161 = arith.constant 0 : i32
    %dma_wait3A_162 = tpu.memref_slice %arg5[%dma_wait3A_158, %dma_wait3A_159, %dma_wait3A_160, %dma_wait3A_161] : memref<2x64x2x128xf32, #tpu.memory_space<vmem>> -> memref<1x64x2x128xf32, #tpu.memory_space<vmem>>
    %dma_wait3A_163 = tpu.memref_squeeze %dma_wait3A_162 : memref<1x64x2x128xf32, #tpu.memory_space<vmem>> -> memref<64x2x128xf32, #tpu.memory_space<vmem>>
    %dma_wait3A_164 = arith.constant 0 : i32
    %dma_wait3A_165 = arith.constant 0 : i32
    %dma_wait3A_166 = tpu.memref_slice %arg2[%add3A_83, %dma_wait3A_164, %dma_wait3A_165] : memref<8192x2x128xf32, #tpu.memory_space<hbm>> -> memref<64x2x128xf32, #tpu.memory_space<hbm>>
    %dma_wait3A_167 = arith.constant 0 : i32
    %dma_wait3A_168 = arith.constant 0 : i32
    %dma_wait3A_169 = arith.constant 0 : i32
    %dma_wait3A_170 = tpu.memref_slice %arg5[%dma_wait3A_158, %dma_wait3A_167, %dma_wait3A_168, %dma_wait3A_169] : memref<2x64x2x128xf32, #tpu.memory_space<vmem>> -> memref<1x64x2x128xf32, #tpu.memory_space<vmem>>
    %dma_wait3A_171 = tpu.memref_squeeze %dma_wait3A_170 : memref<1x64x2x128xf32, #tpu.memory_space<vmem>> -> memref<64x2x128xf32, #tpu.memory_space<vmem>>
    %dma_wait3A_172 = arith.constant 0 : i32
    %dma_wait3A_173 = arith.constant 0 : i32
    %dma_wait3A_174 = tpu.memref_slice %arg2[%add3A_83, %dma_wait3A_172, %dma_wait3A_173] : memref<8192x2x128xf32, #tpu.memory_space<hbm>> -> memref<64x2x128xf32, #tpu.memory_space<hbm>>
    tpu.wait_dma2 semaphore(%arg8 : memref<!tpu.dma_semaphore, #tpu.memory_space<semaphore_mem>>) src(%dma_wait3A_174 : memref<64x2x128xf32, #tpu.memory_space<hbm>>) dst(%dma_wait3A_171 : memref<64x2x128xf32, #tpu.memory_space<vmem>>)
    %dma_wait3A_175 = arith.constant 0 : i32
    %dma_wait3A_176 = arith.constant 0 : i32
    %dma_wait3A_177 = arith.constant 0 : i32
    %dma_wait3A_178 = tpu.memref_slice %arg7[%dma_wait3A_175, %dma_wait3A_176, %dma_wait3A_177] : memref<2x64x128xf32, #tpu.memory_space<vmem>> -> memref<1x64x128xf32, #tpu.memory_space<vmem>>
    %dma_wait3A_179 = tpu.memref_squeeze %dma_wait3A_178 : memref<1x64x128xf32, #tpu.memory_space<vmem>> -> memref<64x128xf32, #tpu.memory_space<vmem>>
    %dma_wait3A_180 = arith.constant 0 : i32
    %dma_wait3A_181 = tpu.memref_slice %arg4[%add3A_68, %dma_wait3A_180] : memref<8192x128xf32, #tpu.memory_space<hbm>> -> memref<64x128xf32, #tpu.memory_space<hbm>>
    %dma_wait3A_182 = arith.constant 0 : i32
    %dma_wait3A_183 = tpu.memref_slice %arg4[%add3A_68, %dma_wait3A_182] : memref<8192x128xf32, #tpu.memory_space<hbm>> -> memref<64x128xf32, #tpu.memory_space<hbm>>
    %dma_wait3A_184 = arith.constant 0 : i32
    %dma_wait3A_185 = arith.constant 0 : i32
    %dma_wait3A_186 = tpu.memref_slice %arg7[%dma_wait3A_175, %dma_wait3A_184, %dma_wait3A_185] : memref<2x64x128xf32, #tpu.memory_space<vmem>> -> memref<1x64x128xf32, #tpu.memory_space<vmem>>
    %dma_wait3A_187 = tpu.memref_squeeze %dma_wait3A_186 : memref<1x64x128xf32, #tpu.memory_space<vmem>> -> memref<64x128xf32, #tpu.memory_space<vmem>>
    tpu.wait_dma2 semaphore(%arg10 : memref<!tpu.dma_semaphore, #tpu.memory_space<semaphore_mem>>) src(%dma_wait3A_187 : memref<64x128xf32, #tpu.memory_space<vmem>>) dst(%dma_wait3A_183 : memref<64x128xf32, #tpu.memory_space<hbm>>)
    %parallel_loop3A_188 = arith.constant 0 : i32
    %parallel_loop3A_189 = arith.constant 64 : i32
    %parallel_loop3A_190 = arith.constant 1 : i32
    %parallel_loop3A_191 = arith.constant 2.000000e-02 : f32
    scf.for %parallel_loop3A_286 = %parallel_loop3A_188 to %parallel_loop3A_189 step %parallel_loop3A_190  : i32 {
      %parallel_loop3A_287 = arith.constant 0 : i32
      %parallel_loop3A_288 = arith.constant 0 : i32
      %parallel_loop3A_289 = arith.index_cast %parallel_loop3A_287 : i32 to index
      %parallel_loop3A_290 = arith.index_cast %parallel_loop3A_286 : i32 to index
      %parallel_loop3A_291 = arith.index_cast %parallel_loop3A_288 : i32 to index
      %parallel_loop3A_292 = arith.constant 0 : index
      %parallel_loop3A_293 = tpu.vector_load %arg5[%parallel_loop3A_289, %parallel_loop3A_290, %parallel_loop3A_291, %parallel_loop3A_292] {strides = array<i32>} : memref<2x64x2x128xf32, #tpu.memory_space<vmem>>, vector<16xf32>,
      %parallel_loop3A_294 = arith.constant 0 : i32
      %parallel_loop3A_295 = arith.constant 0 : i32
      %parallel_loop3A_296 = arith.index_cast %parallel_loop3A_294 : i32 to index
      %parallel_loop3A_297 = arith.index_cast %parallel_loop3A_286 : i32 to index
      %parallel_loop3A_298 = arith.index_cast %parallel_loop3A_295 : i32 to index
      %parallel_loop3A_299 = arith.constant 16 : index
      %parallel_loop3A_300 = tpu.vector_load %arg5[%parallel_loop3A_296, %parallel_loop3A_297, %parallel_loop3A_298, %parallel_loop3A_299] {strides = array<i32>} : memref<2x64x2x128xf32, #tpu.memory_space<vmem>>, vector<16xf32>,
      %parallel_loop3A_301 = arith.constant 0 : i32
      %parallel_loop3A_302 = arith.constant 0 : i32
      %parallel_loop3A_303 = arith.index_cast %parallel_loop3A_301 : i32 to index
      %parallel_loop3A_304 = arith.index_cast %parallel_loop3A_286 : i32 to index
      %parallel_loop3A_305 = arith.index_cast %parallel_loop3A_302 : i32 to index
      %parallel_loop3A_306 = arith.constant 32 : index
      %parallel_loop3A_307 = tpu.vector_load %arg5[%parallel_loop3A_303, %parallel_loop3A_304, %parallel_loop3A_305, %parallel_loop3A_306] {strides = array<i32>} : memref<2x64x2x128xf32, #tpu.memory_space<vmem>>, vector<16xf32>,
      %parallel_loop3A_308 = arith.constant 0 : i32
      %parallel_loop3A_309 = arith.constant 0 : i32
      %parallel_loop3A_310 = arith.index_cast %parallel_loop3A_308 : i32 to index
      %parallel_loop3A_311 = arith.index_cast %parallel_loop3A_286 : i32 to index
      %parallel_loop3A_312 = arith.index_cast %parallel_loop3A_309 : i32 to index
      %parallel_loop3A_313 = arith.constant 48 : index
      %parallel_loop3A_314 = tpu.vector_load %arg5[%parallel_loop3A_310, %parallel_loop3A_311, %parallel_loop3A_312, %parallel_loop3A_313] {strides = array<i32>} : memref<2x64x2x128xf32, #tpu.memory_space<vmem>>, vector<16xf32>,
      %parallel_loop3A_315 = arith.constant 0 : i32
      %parallel_loop3A_316 = arith.constant 0 : i32
      %parallel_loop3A_317 = arith.index_cast %parallel_loop3A_315 : i32 to index
      %parallel_loop3A_318 = arith.index_cast %parallel_loop3A_286 : i32 to index
      %parallel_loop3A_319 = arith.index_cast %parallel_loop3A_316 : i32 to index
      %parallel_loop3A_320 = arith.constant 64 : index
      %parallel_loop3A_321 = tpu.vector_load %arg5[%parallel_loop3A_317, %parallel_loop3A_318, %parallel_loop3A_319, %parallel_loop3A_320] {strides = array<i32>} : memref<2x64x2x128xf32, #tpu.memory_space<vmem>>, vector<16xf32>,
      %parallel_loop3A_322 = arith.constant 0 : i32
      %parallel_loop3A_323 = arith.constant 0 : i32
      %parallel_loop3A_324 = arith.index_cast %parallel_loop3A_322 : i32 to index
      %parallel_loop3A_325 = arith.index_cast %parallel_loop3A_286 : i32 to index
      %parallel_loop3A_326 = arith.index_cast %parallel_loop3A_323 : i32 to index
      %parallel_loop3A_327 = arith.constant 80 : index
      %parallel_loop3A_328 = tpu.vector_load %arg5[%parallel_loop3A_324, %parallel_loop3A_325, %parallel_loop3A_326, %parallel_loop3A_327] {strides = array<i32>} : memref<2x64x2x128xf32, #tpu.memory_space<vmem>>, vector<16xf32>,
      %parallel_loop3A_329 = arith.constant 0 : i32
      %parallel_loop3A_330 = arith.constant 0 : i32
      %parallel_loop3A_331 = arith.index_cast %parallel_loop3A_329 : i32 to index
      %parallel_loop3A_332 = arith.index_cast %parallel_loop3A_286 : i32 to index
      %parallel_loop3A_333 = arith.index_cast %parallel_loop3A_330 : i32 to index
      %parallel_loop3A_334 = arith.constant 96 : index
      %parallel_loop3A_335 = tpu.vector_load %arg5[%parallel_loop3A_331, %parallel_loop3A_332, %parallel_loop3A_333, %parallel_loop3A_334] {strides = array<i32>} : memref<2x64x2x128xf32, #tpu.memory_space<vmem>>, vector<16xf32>,
      %parallel_loop3A_336 = arith.constant 0 : i32
      %parallel_loop3A_337 = arith.constant 0 : i32
      %parallel_loop3A_338 = arith.index_cast %parallel_loop3A_336 : i32 to index
      %parallel_loop3A_339 = arith.index_cast %parallel_loop3A_286 : i32 to index
      %parallel_loop3A_340 = arith.index_cast %parallel_loop3A_337 : i32 to index
      %parallel_loop3A_341 = arith.constant 112 : index
      %parallel_loop3A_342 = tpu.vector_load %arg5[%parallel_loop3A_338, %parallel_loop3A_339, %parallel_loop3A_340, %parallel_loop3A_341] {strides = array<i32>} : memref<2x64x2x128xf32, #tpu.memory_space<vmem>>, vector<16xf32>,
      %parallel_loop3A_343 = arith.constant 0 : i32
      %parallel_loop3A_344 = arith.constant 1 : i32
      %parallel_loop3A_345 = arith.index_cast %parallel_loop3A_343 : i32 to index
      %parallel_loop3A_346 = arith.index_cast %parallel_loop3A_286 : i32 to index
      %parallel_loop3A_347 = arith.index_cast %parallel_loop3A_344 : i32 to index
      %parallel_loop3A_348 = arith.constant 0 : index
      %parallel_loop3A_349 = tpu.vector_load %arg5[%parallel_loop3A_345, %parallel_loop3A_346, %parallel_loop3A_347, %parallel_loop3A_348] {strides = array<i32>} : memref<2x64x2x128xf32, #tpu.memory_space<vmem>>, vector<16xf32>,
      %parallel_loop3A_350 = arith.constant 0 : i32
      %parallel_loop3A_351 = arith.constant 1 : i32
      %parallel_loop3A_352 = arith.index_cast %parallel_loop3A_350 : i32 to index
      %parallel_loop3A_353 = arith.index_cast %parallel_loop3A_286 : i32 to index
      %parallel_loop3A_354 = arith.index_cast %parallel_loop3A_351 : i32 to index
      %parallel_loop3A_355 = arith.constant 16 : index
      %parallel_loop3A_356 = tpu.vector_load %arg5[%parallel_loop3A_352, %parallel_loop3A_353, %parallel_loop3A_354, %parallel_loop3A_355] {strides = array<i32>} : memref<2x64x2x128xf32, #tpu.memory_space<vmem>>, vector<16xf32>,
      %parallel_loop3A_357 = arith.constant 0 : i32
      %parallel_loop3A_358 = arith.constant 1 : i32
      %parallel_loop3A_359 = arith.index_cast %parallel_loop3A_357 : i32 to index
      %parallel_loop3A_360 = arith.index_cast %parallel_loop3A_286 : i32 to index
      %parallel_loop3A_361 = arith.index_cast %parallel_loop3A_358 : i32 to index
      %parallel_loop3A_362 = arith.constant 32 : index
      %parallel_loop3A_363 = tpu.vector_load %arg5[%parallel_loop3A_359, %parallel_loop3A_360, %parallel_loop3A_361, %parallel_loop3A_362] {strides = array<i32>} : memref<2x64x2x128xf32, #tpu.memory_space<vmem>>, vector<16xf32>,
      %parallel_loop3A_364 = arith.constant 0 : i32
      %parallel_loop3A_365 = arith.constant 1 : i32
      %parallel_loop3A_366 = arith.index_cast %parallel_loop3A_364 : i32 to index
      %parallel_loop3A_367 = arith.index_cast %parallel_loop3A_286 : i32 to index
      %parallel_loop3A_368 = arith.index_cast %parallel_loop3A_365 : i32 to index
      %parallel_loop3A_369 = arith.constant 48 : index
      %parallel_loop3A_370 = tpu.vector_load %arg5[%parallel_loop3A_366, %parallel_loop3A_367, %parallel_loop3A_368, %parallel_loop3A_369] {strides = array<i32>} : memref<2x64x2x128xf32, #tpu.memory_space<vmem>>, vector<16xf32>,
      %parallel_loop3A_371 = arith.constant 0 : i32
      %parallel_loop3A_372 = arith.constant 1 : i32
      %parallel_loop3A_373 = arith.index_cast %parallel_loop3A_371 : i32 to index
      %parallel_loop3A_374 = arith.index_cast %parallel_loop3A_286 : i32 to index
      %parallel_loop3A_375 = arith.index_cast %parallel_loop3A_372 : i32 to index
      %parallel_loop3A_376 = arith.constant 64 : index
      %parallel_loop3A_377 = tpu.vector_load %arg5[%parallel_loop3A_373, %parallel_loop3A_374, %parallel_loop3A_375, %parallel_loop3A_376] {strides = array<i32>} : memref<2x64x2x128xf32, #tpu.memory_space<vmem>>, vector<16xf32>,
      %parallel_loop3A_378 = arith.constant 0 : i32
      %parallel_loop3A_379 = arith.constant 1 : i32
      %parallel_loop3A_380 = arith.index_cast %parallel_loop3A_378 : i32 to index
      %parallel_loop3A_381 = arith.index_cast %parallel_loop3A_286 : i32 to index
      %parallel_loop3A_382 = arith.index_cast %parallel_loop3A_379 : i32 to index
      %parallel_loop3A_383 = arith.constant 80 : index
      %parallel_loop3A_384 = tpu.vector_load %arg5[%parallel_loop3A_380, %parallel_loop3A_381, %parallel_loop3A_382, %parallel_loop3A_383] {strides = array<i32>} : memref<2x64x2x128xf32, #tpu.memory_space<vmem>>, vector<16xf32>,
      %parallel_loop3A_385 = arith.constant 0 : i32
      %parallel_loop3A_386 = arith.constant 1 : i32
      %parallel_loop3A_387 = arith.index_cast %parallel_loop3A_385 : i32 to index
      %parallel_loop3A_388 = arith.index_cast %parallel_loop3A_286 : i32 to index
      %parallel_loop3A_389 = arith.index_cast %parallel_loop3A_386 : i32 to index
      %parallel_loop3A_390 = arith.constant 96 : index
      %parallel_loop3A_391 = tpu.vector_load %arg5[%parallel_loop3A_387, %parallel_loop3A_388, %parallel_loop3A_389, %parallel_loop3A_390] {strides = array<i32>} : memref<2x64x2x128xf32, #tpu.memory_space<vmem>>, vector<16xf32>,
      %parallel_loop3A_392 = arith.constant 0 : i32
      %parallel_loop3A_393 = arith.constant 1 : i32
      %parallel_loop3A_394 = arith.index_cast %parallel_loop3A_392 : i32 to index
      %parallel_loop3A_395 = arith.index_cast %parallel_loop3A_286 : i32 to index
      %parallel_loop3A_396 = arith.index_cast %parallel_loop3A_393 : i32 to index
      %parallel_loop3A_397 = arith.constant 112 : index
      %parallel_loop3A_398 = tpu.vector_load %arg5[%parallel_loop3A_394, %parallel_loop3A_395, %parallel_loop3A_396, %parallel_loop3A_397] {strides = array<i32>} : memref<2x64x2x128xf32, #tpu.memory_space<vmem>>, vector<16xf32>,
      %parallel_loop3A_399 = vector.broadcast %parallel_loop3A_191 : f32 to vector<16xf32>
      %parallel_loop3A_400 = arith.divf %parallel_loop3A_293, %parallel_loop3A_399 : vector<16xf32>
      %parallel_loop3A_401 = arith.fptosi %parallel_loop3A_400 : vector<16xf32> to vector<16xi32>
      %parallel_loop3A_402 = arith.constant 51 : i32
      %parallel_loop3A_403 = vector.broadcast %parallel_loop3A_402 : i32 to vector<16xi32>
      %parallel_loop3A_404 = arith.muli %parallel_loop3A_401, %parallel_loop3A_403 : vector<16xi32>
      %parallel_loop3A_405 = vector.broadcast %parallel_loop3A_191 : f32 to vector<16xf32>
      %parallel_loop3A_406 = arith.divf %parallel_loop3A_349, %parallel_loop3A_405 : vector<16xf32>
      %parallel_loop3A_407 = arith.fptosi %parallel_loop3A_406 : vector<16xf32> to vector<16xi32>
      %parallel_loop3A_408 = arith.addi %parallel_loop3A_404, %parallel_loop3A_407 : vector<16xi32>
      %parallel_loop3A_409 = vector.broadcast %parallel_loop3A_191 : f32 to vector<16xf32>
      %parallel_loop3A_410 = arith.divf %parallel_loop3A_300, %parallel_loop3A_409 : vector<16xf32>
      %parallel_loop3A_411 = arith.fptosi %parallel_loop3A_410 : vector<16xf32> to vector<16xi32>
      %parallel_loop3A_412 = arith.constant 51 : i32
      %parallel_loop3A_413 = vector.broadcast %parallel_loop3A_412 : i32 to vector<16xi32>
      %parallel_loop3A_414 = arith.muli %parallel_loop3A_411, %parallel_loop3A_413 : vector<16xi32>
      %parallel_loop3A_415 = vector.broadcast %parallel_loop3A_191 : f32 to vector<16xf32>
      %parallel_loop3A_416 = arith.divf %parallel_loop3A_356, %parallel_loop3A_415 : vector<16xf32>
      %parallel_loop3A_417 = arith.fptosi %parallel_loop3A_416 : vector<16xf32> to vector<16xi32>
      %parallel_loop3A_418 = arith.addi %parallel_loop3A_414, %parallel_loop3A_417 : vector<16xi32>
      %parallel_loop3A_419 = vector.broadcast %parallel_loop3A_191 : f32 to vector<16xf32>
      %parallel_loop3A_420 = arith.divf %parallel_loop3A_307, %parallel_loop3A_419 : vector<16xf32>
      %parallel_loop3A_421 = arith.fptosi %parallel_loop3A_420 : vector<16xf32> to vector<16xi32>
      %parallel_loop3A_422 = arith.constant 51 : i32
      %parallel_loop3A_423 = vector.broadcast %parallel_loop3A_422 : i32 to vector<16xi32>
      %parallel_loop3A_424 = arith.muli %parallel_loop3A_421, %parallel_loop3A_423 : vector<16xi32>
      %parallel_loop3A_425 = vector.broadcast %parallel_loop3A_191 : f32 to vector<16xf32>
      %parallel_loop3A_426 = arith.divf %parallel_loop3A_363, %parallel_loop3A_425 : vector<16xf32>
      %parallel_loop3A_427 = arith.fptosi %parallel_loop3A_426 : vector<16xf32> to vector<16xi32>
      %parallel_loop3A_428 = arith.addi %parallel_loop3A_424, %parallel_loop3A_427 : vector<16xi32>
      %parallel_loop3A_429 = vector.broadcast %parallel_loop3A_191 : f32 to vector<16xf32>
      %parallel_loop3A_430 = arith.divf %parallel_loop3A_314, %parallel_loop3A_429 : vector<16xf32>
      %parallel_loop3A_431 = arith.fptosi %parallel_loop3A_430 : vector<16xf32> to vector<16xi32>
      %parallel_loop3A_432 = arith.constant 51 : i32
      %parallel_loop3A_433 = vector.broadcast %parallel_loop3A_432 : i32 to vector<16xi32>
      %parallel_loop3A_434 = arith.muli %parallel_loop3A_431, %parallel_loop3A_433 : vector<16xi32>
      %parallel_loop3A_435 = vector.broadcast %parallel_loop3A_191 : f32 to vector<16xf32>
      %parallel_loop3A_436 = arith.divf %parallel_loop3A_370, %parallel_loop3A_435 : vector<16xf32>
      %parallel_loop3A_437 = arith.fptosi %parallel_loop3A_436 : vector<16xf32> to vector<16xi32>
      %parallel_loop3A_438 = arith.addi %parallel_loop3A_434, %parallel_loop3A_437 : vector<16xi32>
      %parallel_loop3A_439 = vector.broadcast %parallel_loop3A_191 : f32 to vector<16xf32>
      %parallel_loop3A_440 = arith.divf %parallel_loop3A_321, %parallel_loop3A_439 : vector<16xf32>
      %parallel_loop3A_441 = arith.fptosi %parallel_loop3A_440 : vector<16xf32> to vector<16xi32>
      %parallel_loop3A_442 = arith.constant 51 : i32
      %parallel_loop3A_443 = vector.broadcast %parallel_loop3A_442 : i32 to vector<16xi32>
      %parallel_loop3A_444 = arith.muli %parallel_loop3A_441, %parallel_loop3A_443 : vector<16xi32>
      %parallel_loop3A_445 = vector.broadcast %parallel_loop3A_191 : f32 to vector<16xf32>
      %parallel_loop3A_446 = arith.divf %parallel_loop3A_377, %parallel_loop3A_445 : vector<16xf32>
      %parallel_loop3A_447 = arith.fptosi %parallel_loop3A_446 : vector<16xf32> to vector<16xi32>
      %parallel_loop3A_448 = arith.addi %parallel_loop3A_444, %parallel_loop3A_447 : vector<16xi32>
      %parallel_loop3A_449 = vector.broadcast %parallel_loop3A_191 : f32 to vector<16xf32>
      %parallel_loop3A_450 = arith.divf %parallel_loop3A_328, %parallel_loop3A_449 : vector<16xf32>
      %parallel_loop3A_451 = arith.fptosi %parallel_loop3A_450 : vector<16xf32> to vector<16xi32>
      %parallel_loop3A_452 = arith.constant 51 : i32
      %parallel_loop3A_453 = vector.broadcast %parallel_loop3A_452 : i32 to vector<16xi32>
      %parallel_loop3A_454 = arith.muli %parallel_loop3A_451, %parallel_loop3A_453 : vector<16xi32>
      %parallel_loop3A_455 = vector.broadcast %parallel_loop3A_191 : f32 to vector<16xf32>
      %parallel_loop3A_456 = arith.divf %parallel_loop3A_384, %parallel_loop3A_455 : vector<16xf32>
      %parallel_loop3A_457 = arith.fptosi %parallel_loop3A_456 : vector<16xf32> to vector<16xi32>
      %parallel_loop3A_458 = arith.addi %parallel_loop3A_454, %parallel_loop3A_457 : vector<16xi32>
      %parallel_loop3A_459 = vector.broadcast %parallel_loop3A_191 : f32 to vector<16xf32>
      %parallel_loop3A_460 = arith.divf %parallel_loop3A_335, %parallel_loop3A_459 : vector<16xf32>
      %parallel_loop3A_461 = arith.fptosi %parallel_loop3A_460 : vector<16xf32> to vector<16xi32>
      %parallel_loop3A_462 = arith.constant 51 : i32
      %parallel_loop3A_463 = vector.broadcast %parallel_loop3A_462 : i32 to vector<16xi32>
      %parallel_loop3A_464 = arith.muli %parallel_loop3A_461, %parallel_loop3A_463 : vector<16xi32>
      %parallel_loop3A_465 = vector.broadcast %parallel_loop3A_191 : f32 to vector<16xf32>
      %parallel_loop3A_466 = arith.divf %parallel_loop3A_391, %parallel_loop3A_465 : vector<16xf32>
      %parallel_loop3A_467 = arith.fptosi %parallel_loop3A_466 : vector<16xf32> to vector<16xi32>
      %parallel_loop3A_468 = arith.addi %parallel_loop3A_464, %parallel_loop3A_467 : vector<16xi32>
      %parallel_loop3A_469 = vector.broadcast %parallel_loop3A_191 : f32 to vector<16xf32>
      %parallel_loop3A_470 = arith.divf %parallel_loop3A_342, %parallel_loop3A_469 : vector<16xf32>
      %parallel_loop3A_471 = arith.fptosi %parallel_loop3A_470 : vector<16xf32> to vector<16xi32>
      %parallel_loop3A_472 = arith.constant 51 : i32
      %parallel_loop3A_473 = vector.broadcast %parallel_loop3A_472 : i32 to vector<16xi32>
      %parallel_loop3A_474 = arith.muli %parallel_loop3A_471, %parallel_loop3A_473 : vector<16xi32>
      %parallel_loop3A_475 = vector.broadcast %parallel_loop3A_191 : f32 to vector<16xf32>
      %parallel_loop3A_476 = arith.divf %parallel_loop3A_398, %parallel_loop3A_475 : vector<16xf32>
      %parallel_loop3A_477 = arith.fptosi %parallel_loop3A_476 : vector<16xf32> to vector<16xi32>
      %parallel_loop3A_478 = arith.addi %parallel_loop3A_474, %parallel_loop3A_477 : vector<16xi32>
      %parallel_loop3A_479 = tpu.vector_load_idx %arg6[%parallel_loop3A_408] : memref<4096xf32, #tpu.memory_space<vmem>>[vector<16xi32>], vector<16xf32>,
      %parallel_loop3A_480 = tpu.vector_load_idx %arg6[%parallel_loop3A_418] : memref<4096xf32, #tpu.memory_space<vmem>>[vector<16xi32>], vector<16xf32>,
      %parallel_loop3A_481 = tpu.vector_load_idx %arg6[%parallel_loop3A_428] : memref<4096xf32, #tpu.memory_space<vmem>>[vector<16xi32>], vector<16xf32>,
      %parallel_loop3A_482 = tpu.vector_load_idx %arg6[%parallel_loop3A_438] : memref<4096xf32, #tpu.memory_space<vmem>>[vector<16xi32>], vector<16xf32>,
      %parallel_loop3A_483 = tpu.vector_load_idx %arg6[%parallel_loop3A_448] : memref<4096xf32, #tpu.memory_space<vmem>>[vector<16xi32>], vector<16xf32>,
      %parallel_loop3A_484 = tpu.vector_load_idx %arg6[%parallel_loop3A_458] : memref<4096xf32, #tpu.memory_space<vmem>>[vector<16xi32>], vector<16xf32>,
      %parallel_loop3A_485 = tpu.vector_load_idx %arg6[%parallel_loop3A_468] : memref<4096xf32, #tpu.memory_space<vmem>>[vector<16xi32>], vector<16xf32>,
      %parallel_loop3A_486 = tpu.vector_load_idx %arg6[%parallel_loop3A_478] : memref<4096xf32, #tpu.memory_space<vmem>>[vector<16xi32>], vector<16xf32>,
      %parallel_loop3A_487 = arith.constant 0 : i32
      %parallel_loop3A_488 = arith.index_cast %parallel_loop3A_487 : i32 to index
      %parallel_loop3A_489 = arith.index_cast %parallel_loop3A_286 : i32 to index
      %parallel_loop3A_490 = arith.constant 0 : index
      %parallel_loop3A_491 = tpu.vector_load %arg7[%parallel_loop3A_488, %parallel_loop3A_489, %parallel_loop3A_490] {strides = array<i32>} : memref<2x64x128xf32, #tpu.memory_space<vmem>>, vector<16xf32>,
      tpu.vector_store %arg7[%parallel_loop3A_488, %parallel_loop3A_489, %parallel_loop3A_490], %parallel_loop3A_479 {strides = array<i32>} : memref<2x64x128xf32, #tpu.memory_space<vmem>>, vector<16xf32>,
      %parallel_loop3A_492 = arith.constant 0 : i32
      %parallel_loop3A_493 = arith.index_cast %parallel_loop3A_492 : i32 to index
      %parallel_loop3A_494 = arith.index_cast %parallel_loop3A_286 : i32 to index
      %parallel_loop3A_495 = arith.constant 16 : index
      %parallel_loop3A_496 = tpu.vector_load %arg7[%parallel_loop3A_493, %parallel_loop3A_494, %parallel_loop3A_495] {strides = array<i32>} : memref<2x64x128xf32, #tpu.memory_space<vmem>>, vector<16xf32>,
      tpu.vector_store %arg7[%parallel_loop3A_493, %parallel_loop3A_494, %parallel_loop3A_495], %parallel_loop3A_480 {strides = array<i32>} : memref<2x64x128xf32, #tpu.memory_space<vmem>>, vector<16xf32>,
      %parallel_loop3A_497 = arith.constant 0 : i32
      %parallel_loop3A_498 = arith.index_cast %parallel_loop3A_497 : i32 to index
      %parallel_loop3A_499 = arith.index_cast %parallel_loop3A_286 : i32 to index
      %parallel_loop3A_500 = arith.constant 32 : index
      %parallel_loop3A_501 = tpu.vector_load %arg7[%parallel_loop3A_498, %parallel_loop3A_499, %parallel_loop3A_500] {strides = array<i32>} : memref<2x64x128xf32, #tpu.memory_space<vmem>>, vector<16xf32>,
      tpu.vector_store %arg7[%parallel_loop3A_498, %parallel_loop3A_499, %parallel_loop3A_500], %parallel_loop3A_481 {strides = array<i32>} : memref<2x64x128xf32, #tpu.memory_space<vmem>>, vector<16xf32>,
      %parallel_loop3A_502 = arith.constant 0 : i32
      %parallel_loop3A_503 = arith.index_cast %parallel_loop3A_502 : i32 to index
      %parallel_loop3A_504 = arith.index_cast %parallel_loop3A_286 : i32 to index
      %parallel_loop3A_505 = arith.constant 48 : index
      %parallel_loop3A_506 = tpu.vector_load %arg7[%parallel_loop3A_503, %parallel_loop3A_504, %parallel_loop3A_505] {strides = array<i32>} : memref<2x64x128xf32, #tpu.memory_space<vmem>>, vector<16xf32>,
      tpu.vector_store %arg7[%parallel_loop3A_503, %parallel_loop3A_504, %parallel_loop3A_505], %parallel_loop3A_482 {strides = array<i32>} : memref<2x64x128xf32, #tpu.memory_space<vmem>>, vector<16xf32>,
      %parallel_loop3A_507 = arith.constant 0 : i32
      %parallel_loop3A_508 = arith.index_cast %parallel_loop3A_507 : i32 to index
      %parallel_loop3A_509 = arith.index_cast %parallel_loop3A_286 : i32 to index
      %parallel_loop3A_510 = arith.constant 64 : index
      %parallel_loop3A_511 = tpu.vector_load %arg7[%parallel_loop3A_508, %parallel_loop3A_509, %parallel_loop3A_510] {strides = array<i32>} : memref<2x64x128xf32, #tpu.memory_space<vmem>>, vector<16xf32>,
      tpu.vector_store %arg7[%parallel_loop3A_508, %parallel_loop3A_509, %parallel_loop3A_510], %parallel_loop3A_483 {strides = array<i32>} : memref<2x64x128xf32, #tpu.memory_space<vmem>>, vector<16xf32>,
      %parallel_loop3A_512 = arith.constant 0 : i32
      %parallel_loop3A_513 = arith.index_cast %parallel_loop3A_512 : i32 to index
      %parallel_loop3A_514 = arith.index_cast %parallel_loop3A_286 : i32 to index
      %parallel_loop3A_515 = arith.constant 80 : index
      %parallel_loop3A_516 = tpu.vector_load %arg7[%parallel_loop3A_513, %parallel_loop3A_514, %parallel_loop3A_515] {strides = array<i32>} : memref<2x64x128xf32, #tpu.memory_space<vmem>>, vector<16xf32>,
      tpu.vector_store %arg7[%parallel_loop3A_513, %parallel_loop3A_514, %parallel_loop3A_515], %parallel_loop3A_484 {strides = array<i32>} : memref<2x64x128xf32, #tpu.memory_space<vmem>>, vector<16xf32>,
      %parallel_loop3A_517 = arith.constant 0 : i32
      %parallel_loop3A_518 = arith.index_cast %parallel_loop3A_517 : i32 to index
      %parallel_loop3A_519 = arith.index_cast %parallel_loop3A_286 : i32 to index
      %parallel_loop3A_520 = arith.constant 96 : index
      %parallel_loop3A_521 = tpu.vector_load %arg7[%parallel_loop3A_518, %parallel_loop3A_519, %parallel_loop3A_520] {strides = array<i32>} : memref<2x64x128xf32, #tpu.memory_space<vmem>>, vector<16xf32>,
      tpu.vector_store %arg7[%parallel_loop3A_518, %parallel_loop3A_519, %parallel_loop3A_520], %parallel_loop3A_485 {strides = array<i32>} : memref<2x64x128xf32, #tpu.memory_space<vmem>>, vector<16xf32>,
      %parallel_loop3A_522 = arith.constant 0 : i32
      %parallel_loop3A_523 = arith.index_cast %parallel_loop3A_522 : i32 to index
      %parallel_loop3A_524 = arith.index_cast %parallel_loop3A_286 : i32 to index
      %parallel_loop3A_525 = arith.constant 112 : index
      %parallel_loop3A_526 = tpu.vector_load %arg7[%parallel_loop3A_523, %parallel_loop3A_524, %parallel_loop3A_525] {strides = array<i32>} : memref<2x64x128xf32, #tpu.memory_space<vmem>>, vector<16xf32>,
      tpu.vector_store %arg7[%parallel_loop3A_523, %parallel_loop3A_524, %parallel_loop3A_525], %parallel_loop3A_486 {strides = array<i32>} : memref<2x64x128xf32, #tpu.memory_space<vmem>>, vector<16xf32>,
    } {sc.loop_unroll_factor = 2 : i64, sc.parallel_access}
    %mul3A_192 = arith.constant 256 : i32
    %mul3A_193 = arith.muli %add3A, %mul3A_192 : i32
    %add3A_194 = arith.constant 128 : i32
    %add3A_195 = arith.addi %mul3A_193, %add3A_194 : i32
    %dma_start3A_196 = arith.constant 0 : i32
    %dma_start3A_197 = arith.constant 0 : i32
    %dma_start3A_198 = arith.constant 0 : i32
    %dma_start3A_199 = tpu.memref_slice %arg7[%dma_start3A_196, %dma_start3A_197, %dma_start3A_198] : memref<2x64x128xf32, #tpu.memory_space<vmem>> -> memref<1x64x128xf32, #tpu.memory_space<vmem>>
    %dma_start3A_200 = tpu.memref_squeeze %dma_start3A_199 : memref<1x64x128xf32, #tpu.memory_space<vmem>> -> memref<64x128xf32, #tpu.memory_space<vmem>>
    %dma_start3A_201 = arith.constant 0 : i32
    %dma_start3A_202 = tpu.memref_slice %arg4[%add3A_195, %dma_start3A_201] : memref<8192x128xf32, #tpu.memory_space<hbm>> -> memref<64x128xf32, #tpu.memory_space<hbm>>
    %dma_start3A_203 = arith.constant 0 : i32
    %dma_start3A_204 = tpu.memref_slice %arg4[%add3A_195, %dma_start3A_203] : memref<8192x128xf32, #tpu.memory_space<hbm>> -> memref<64x128xf32, #tpu.memory_space<hbm>>
    %dma_start3A_205 = arith.constant 0 : i32
    %dma_start3A_206 = arith.constant 0 : i32
    %dma_start3A_207 = tpu.memref_slice %arg7[%dma_start3A_196, %dma_start3A_205, %dma_start3A_206] : memref<2x64x128xf32, #tpu.memory_space<vmem>> -> memref<1x64x128xf32, #tpu.memory_space<vmem>>
    %dma_start3A_208 = tpu.memref_squeeze %dma_start3A_207 : memref<1x64x128xf32, #tpu.memory_space<vmem>> -> memref<64x128xf32, #tpu.memory_space<vmem>>
    tpu.enqueue_dma source(%dma_start3A_208 : memref<64x128xf32, #tpu.memory_space<vmem>>) target(%dma_start3A_204 : memref<64x128xf32, #tpu.memory_space<hbm>>) target_semaphore(%arg10 : memref<!tpu.dma_semaphore, #tpu.memory_space<semaphore_mem>>)
    %dma_wait3A_209 = arith.constant 1 : i32
    %dma_wait3A_210 = arith.constant 0 : i32
    %dma_wait3A_211 = arith.constant 0 : i32
    %dma_wait3A_212 = arith.constant 0 : i32
    %dma_wait3A_213 = tpu.memref_slice %arg5[%dma_wait3A_209, %dma_wait3A_210, %dma_wait3A_211, %dma_wait3A_212] : memref<2x64x2x128xf32, #tpu.memory_space<vmem>> -> memref<1x64x2x128xf32, #tpu.memory_space<vmem>>
    %dma_wait3A_214 = tpu.memref_squeeze %dma_wait3A_213 : memref<1x64x2x128xf32, #tpu.memory_space<vmem>> -> memref<64x2x128xf32, #tpu.memory_space<vmem>>
    %dma_wait3A_215 = arith.constant 0 : i32
    %dma_wait3A_216 = arith.constant 0 : i32
    %dma_wait3A_217 = tpu.memref_slice %arg2[%add3A_140, %dma_wait3A_215, %dma_wait3A_216] : memref<8192x2x128xf32, #tpu.memory_space<hbm>> -> memref<64x2x128xf32, #tpu.memory_space<hbm>>
    %dma_wait3A_218 = arith.constant 0 : i32
    %dma_wait3A_219 = arith.constant 0 : i32
    %dma_wait3A_220 = arith.constant 0 : i32
    %dma_wait3A_221 = tpu.memref_slice %arg5[%dma_wait3A_209, %dma_wait3A_218, %dma_wait3A_219, %dma_wait3A_220] : memref<2x64x2x128xf32, #tpu.memory_space<vmem>> -> memref<1x64x2x128xf32, #tpu.memory_space<vmem>>
    %dma_wait3A_222 = tpu.memref_squeeze %dma_wait3A_221 : memref<1x64x2x128xf32, #tpu.memory_space<vmem>> -> memref<64x2x128xf32, #tpu.memory_space<vmem>>
    %dma_wait3A_223 = arith.constant 0 : i32
    %dma_wait3A_224 = arith.constant 0 : i32
    %dma_wait3A_225 = tpu.memref_slice %arg2[%add3A_140, %dma_wait3A_223, %dma_wait3A_224] : memref<8192x2x128xf32, #tpu.memory_space<hbm>> -> memref<64x2x128xf32, #tpu.memory_space<hbm>>
    tpu.wait_dma2 semaphore(%arg9 : memref<!tpu.dma_semaphore, #tpu.memory_space<semaphore_mem>>) src(%dma_wait3A_225 : memref<64x2x128xf32, #tpu.memory_space<hbm>>) dst(%dma_wait3A_222 : memref<64x2x128xf32, #tpu.memory_space<vmem>>)
    %dma_wait3A_226 = arith.constant 1 : i32
    %dma_wait3A_227 = arith.constant 0 : i32
    %dma_wait3A_228 = arith.constant 0 : i32
    %dma_wait3A_229 = tpu.memref_slice %arg7[%dma_wait3A_226, %dma_wait3A_227, %dma_wait3A_228] : memref<2x64x128xf32, #tpu.memory_space<vmem>> -> memref<1x64x128xf32, #tpu.memory_space<vmem>>
    %dma_wait3A_230 = tpu.memref_squeeze %dma_wait3A_229 : memref<1x64x128xf32, #tpu.memory_space<vmem>> -> memref<64x128xf32, #tpu.memory_space<vmem>>
    %dma_wait3A_231 = arith.constant 0 : i32
    %dma_wait3A_232 = tpu.memref_slice %arg4[%add3A_125, %dma_wait3A_231] : memref<8192x128xf32, #tpu.memory_space<hbm>> -> memref<64x128xf32, #tpu.memory_space<hbm>>
    %dma_wait3A_233 = arith.constant 0 : i32
    %dma_wait3A_234 = tpu.memref_slice %arg4[%add3A_125, %dma_wait3A_233] : memref<8192x128xf32, #tpu.memory_space<hbm>> -> memref<64x128xf32, #tpu.memory_space<hbm>>
    %dma_wait3A_235 = arith.constant 0 : i32
    %dma_wait3A_236 = arith.constant 0 : i32
    %dma_wait3A_237 = tpu.memref_slice %arg7[%dma_wait3A_226, %dma_wait3A_235, %dma_wait3A_236] : memref<2x64x128xf32, #tpu.memory_space<vmem>> -> memref<1x64x128xf32, #tpu.memory_space<vmem>>
    %dma_wait3A_238 = tpu.memref_squeeze %dma_wait3A_237 : memref<1x64x128xf32, #tpu.memory_space<vmem>> -> memref<64x128xf32, #tpu.memory_space<vmem>>
    tpu.wait_dma2 semaphore(%arg11 : memref<!tpu.dma_semaphore, #tpu.memory_space<semaphore_mem>>) src(%dma_wait3A_238 : memref<64x128xf32, #tpu.memory_space<vmem>>) dst(%dma_wait3A_234 : memref<64x128xf32, #tpu.memory_space<hbm>>)
    %parallel_loop3A_239 = arith.constant 0 : i32
    %parallel_loop3A_240 = arith.constant 64 : i32
    %parallel_loop3A_241 = arith.constant 1 : i32
    %parallel_loop3A_242 = arith.constant 2.000000e-02 : f32
    scf.for %parallel_loop3A_286 = %parallel_loop3A_239 to %parallel_loop3A_240 step %parallel_loop3A_241  : i32 {
      %parallel_loop3A_287 = arith.constant 1 : i32
      %parallel_loop3A_288 = arith.constant 0 : i32
      %parallel_loop3A_289 = arith.index_cast %parallel_loop3A_287 : i32 to index
      %parallel_loop3A_290 = arith.index_cast %parallel_loop3A_286 : i32 to index
      %parallel_loop3A_291 = arith.index_cast %parallel_loop3A_288 : i32 to index
      %parallel_loop3A_292 = arith.constant 0 : index
      %parallel_loop3A_293 = tpu.vector_load %arg5[%parallel_loop3A_289, %parallel_loop3A_290, %parallel_loop3A_291, %parallel_loop3A_292] {strides = array<i32>} : memref<2x64x2x128xf32, #tpu.memory_space<vmem>>, vector<16xf32>,
      %parallel_loop3A_294 = arith.constant 1 : i32
      %parallel_loop3A_295 = arith.constant 0 : i32
      %parallel_loop3A_296 = arith.index_cast %parallel_loop3A_294 : i32 to index
      %parallel_loop3A_297 = arith.index_cast %parallel_loop3A_286 : i32 to index
      %parallel_loop3A_298 = arith.index_cast %parallel_loop3A_295 : i32 to index
      %parallel_loop3A_299 = arith.constant 16 : index
      %parallel_loop3A_300 = tpu.vector_load %arg5[%parallel_loop3A_296, %parallel_loop3A_297, %parallel_loop3A_298, %parallel_loop3A_299] {strides = array<i32>} : memref<2x64x2x128xf32, #tpu.memory_space<vmem>>, vector<16xf32>,
      %parallel_loop3A_301 = arith.constant 1 : i32
      %parallel_loop3A_302 = arith.constant 0 : i32
      %parallel_loop3A_303 = arith.index_cast %parallel_loop3A_301 : i32 to index
      %parallel_loop3A_304 = arith.index_cast %parallel_loop3A_286 : i32 to index
      %parallel_loop3A_305 = arith.index_cast %parallel_loop3A_302 : i32 to index
      %parallel_loop3A_306 = arith.constant 32 : index
      %parallel_loop3A_307 = tpu.vector_load %arg5[%parallel_loop3A_303, %parallel_loop3A_304, %parallel_loop3A_305, %parallel_loop3A_306] {strides = array<i32>} : memref<2x64x2x128xf32, #tpu.memory_space<vmem>>, vector<16xf32>,
      %parallel_loop3A_308 = arith.constant 1 : i32
      %parallel_loop3A_309 = arith.constant 0 : i32
      %parallel_loop3A_310 = arith.index_cast %parallel_loop3A_308 : i32 to index
      %parallel_loop3A_311 = arith.index_cast %parallel_loop3A_286 : i32 to index
      %parallel_loop3A_312 = arith.index_cast %parallel_loop3A_309 : i32 to index
      %parallel_loop3A_313 = arith.constant 48 : index
      %parallel_loop3A_314 = tpu.vector_load %arg5[%parallel_loop3A_310, %parallel_loop3A_311, %parallel_loop3A_312, %parallel_loop3A_313] {strides = array<i32>} : memref<2x64x2x128xf32, #tpu.memory_space<vmem>>, vector<16xf32>,
      %parallel_loop3A_315 = arith.constant 1 : i32
      %parallel_loop3A_316 = arith.constant 0 : i32
      %parallel_loop3A_317 = arith.index_cast %parallel_loop3A_315 : i32 to index
      %parallel_loop3A_318 = arith.index_cast %parallel_loop3A_286 : i32 to index
      %parallel_loop3A_319 = arith.index_cast %parallel_loop3A_316 : i32 to index
      %parallel_loop3A_320 = arith.constant 64 : index
      %parallel_loop3A_321 = tpu.vector_load %arg5[%parallel_loop3A_317, %parallel_loop3A_318, %parallel_loop3A_319, %parallel_loop3A_320] {strides = array<i32>} : memref<2x64x2x128xf32, #tpu.memory_space<vmem>>, vector<16xf32>,
      %parallel_loop3A_322 = arith.constant 1 : i32
      %parallel_loop3A_323 = arith.constant 0 : i32
      %parallel_loop3A_324 = arith.index_cast %parallel_loop3A_322 : i32 to index
      %parallel_loop3A_325 = arith.index_cast %parallel_loop3A_286 : i32 to index
      %parallel_loop3A_326 = arith.index_cast %parallel_loop3A_323 : i32 to index
      %parallel_loop3A_327 = arith.constant 80 : index
      %parallel_loop3A_328 = tpu.vector_load %arg5[%parallel_loop3A_324, %parallel_loop3A_325, %parallel_loop3A_326, %parallel_loop3A_327] {strides = array<i32>} : memref<2x64x2x128xf32, #tpu.memory_space<vmem>>, vector<16xf32>,
      %parallel_loop3A_329 = arith.constant 1 : i32
      %parallel_loop3A_330 = arith.constant 0 : i32
      %parallel_loop3A_331 = arith.index_cast %parallel_loop3A_329 : i32 to index
      %parallel_loop3A_332 = arith.index_cast %parallel_loop3A_286 : i32 to index
      %parallel_loop3A_333 = arith.index_cast %parallel_loop3A_330 : i32 to index
      %parallel_loop3A_334 = arith.constant 96 : index
      %parallel_loop3A_335 = tpu.vector_load %arg5[%parallel_loop3A_331, %parallel_loop3A_332, %parallel_loop3A_333, %parallel_loop3A_334] {strides = array<i32>} : memref<2x64x2x128xf32, #tpu.memory_space<vmem>>, vector<16xf32>,
      %parallel_loop3A_336 = arith.constant 1 : i32
      %parallel_loop3A_337 = arith.constant 0 : i32
      %parallel_loop3A_338 = arith.index_cast %parallel_loop3A_336 : i32 to index
      %parallel_loop3A_339 = arith.index_cast %parallel_loop3A_286 : i32 to index
      %parallel_loop3A_340 = arith.index_cast %parallel_loop3A_337 : i32 to index
      %parallel_loop3A_341 = arith.constant 112 : index
      %parallel_loop3A_342 = tpu.vector_load %arg5[%parallel_loop3A_338, %parallel_loop3A_339, %parallel_loop3A_340, %parallel_loop3A_341] {strides = array<i32>} : memref<2x64x2x128xf32, #tpu.memory_space<vmem>>, vector<16xf32>,
      %parallel_loop3A_343 = arith.constant 1 : i32
      %parallel_loop3A_344 = arith.constant 1 : i32
      %parallel_loop3A_345 = arith.index_cast %parallel_loop3A_343 : i32 to index
      %parallel_loop3A_346 = arith.index_cast %parallel_loop3A_286 : i32 to index
      %parallel_loop3A_347 = arith.index_cast %parallel_loop3A_344 : i32 to index
      %parallel_loop3A_348 = arith.constant 0 : index
      %parallel_loop3A_349 = tpu.vector_load %arg5[%parallel_loop3A_345, %parallel_loop3A_346, %parallel_loop3A_347, %parallel_loop3A_348] {strides = array<i32>} : memref<2x64x2x128xf32, #tpu.memory_space<vmem>>, vector<16xf32>,
      %parallel_loop3A_350 = arith.constant 1 : i32
      %parallel_loop3A_351 = arith.constant 1 : i32
      %parallel_loop3A_352 = arith.index_cast %parallel_loop3A_350 : i32 to index
      %parallel_loop3A_353 = arith.index_cast %parallel_loop3A_286 : i32 to index
      %parallel_loop3A_354 = arith.index_cast %parallel_loop3A_351 : i32 to index
      %parallel_loop3A_355 = arith.constant 16 : index
      %parallel_loop3A_356 = tpu.vector_load %arg5[%parallel_loop3A_352, %parallel_loop3A_353, %parallel_loop3A_354, %parallel_loop3A_355] {strides = array<i32>} : memref<2x64x2x128xf32, #tpu.memory_space<vmem>>, vector<16xf32>,
      %parallel_loop3A_357 = arith.constant 1 : i32
      %parallel_loop3A_358 = arith.constant 1 : i32
      %parallel_loop3A_359 = arith.index_cast %parallel_loop3A_357 : i32 to index
      %parallel_loop3A_360 = arith.index_cast %parallel_loop3A_286 : i32 to index
      %parallel_loop3A_361 = arith.index_cast %parallel_loop3A_358 : i32 to index
      %parallel_loop3A_362 = arith.constant 32 : index
      %parallel_loop3A_363 = tpu.vector_load %arg5[%parallel_loop3A_359, %parallel_loop3A_360, %parallel_loop3A_361, %parallel_loop3A_362] {strides = array<i32>} : memref<2x64x2x128xf32, #tpu.memory_space<vmem>>, vector<16xf32>,
      %parallel_loop3A_364 = arith.constant 1 : i32
      %parallel_loop3A_365 = arith.constant 1 : i32
      %parallel_loop3A_366 = arith.index_cast %parallel_loop3A_364 : i32 to index
      %parallel_loop3A_367 = arith.index_cast %parallel_loop3A_286 : i32 to index
      %parallel_loop3A_368 = arith.index_cast %parallel_loop3A_365 : i32 to index
      %parallel_loop3A_369 = arith.constant 48 : index
      %parallel_loop3A_370 = tpu.vector_load %arg5[%parallel_loop3A_366, %parallel_loop3A_367, %parallel_loop3A_368, %parallel_loop3A_369] {strides = array<i32>} : memref<2x64x2x128xf32, #tpu.memory_space<vmem>>, vector<16xf32>,
      %parallel_loop3A_371 = arith.constant 1 : i32
      %parallel_loop3A_372 = arith.constant 1 : i32
      %parallel_loop3A_373 = arith.index_cast %parallel_loop3A_371 : i32 to index
      %parallel_loop3A_374 = arith.index_cast %parallel_loop3A_286 : i32 to index
      %parallel_loop3A_375 = arith.index_cast %parallel_loop3A_372 : i32 to index
      %parallel_loop3A_376 = arith.constant 64 : index
      %parallel_loop3A_377 = tpu.vector_load %arg5[%parallel_loop3A_373, %parallel_loop3A_374, %parallel_loop3A_375, %parallel_loop3A_376] {strides = array<i32>} : memref<2x64x2x128xf32, #tpu.memory_space<vmem>>, vector<16xf32>,
      %parallel_loop3A_378 = arith.constant 1 : i32
      %parallel_loop3A_379 = arith.constant 1 : i32
      %parallel_loop3A_380 = arith.index_cast %parallel_loop3A_378 : i32 to index
      %parallel_loop3A_381 = arith.index_cast %parallel_loop3A_286 : i32 to index
      %parallel_loop3A_382 = arith.index_cast %parallel_loop3A_379 : i32 to index
      %parallel_loop3A_383 = arith.constant 80 : index
      %parallel_loop3A_384 = tpu.vector_load %arg5[%parallel_loop3A_380, %parallel_loop3A_381, %parallel_loop3A_382, %parallel_loop3A_383] {strides = array<i32>} : memref<2x64x2x128xf32, #tpu.memory_space<vmem>>, vector<16xf32>,
      %parallel_loop3A_385 = arith.constant 1 : i32
      %parallel_loop3A_386 = arith.constant 1 : i32
      %parallel_loop3A_387 = arith.index_cast %parallel_loop3A_385 : i32 to index
      %parallel_loop3A_388 = arith.index_cast %parallel_loop3A_286 : i32 to index
      %parallel_loop3A_389 = arith.index_cast %parallel_loop3A_386 : i32 to index
      %parallel_loop3A_390 = arith.constant 96 : index
      %parallel_loop3A_391 = tpu.vector_load %arg5[%parallel_loop3A_387, %parallel_loop3A_388, %parallel_loop3A_389, %parallel_loop3A_390] {strides = array<i32>} : memref<2x64x2x128xf32, #tpu.memory_space<vmem>>, vector<16xf32>,
      %parallel_loop3A_392 = arith.constant 1 : i32
      %parallel_loop3A_393 = arith.constant 1 : i32
      %parallel_loop3A_394 = arith.index_cast %parallel_loop3A_392 : i32 to index
      %parallel_loop3A_395 = arith.index_cast %parallel_loop3A_286 : i32 to index
      %parallel_loop3A_396 = arith.index_cast %parallel_loop3A_393 : i32 to index
      %parallel_loop3A_397 = arith.constant 112 : index
      %parallel_loop3A_398 = tpu.vector_load %arg5[%parallel_loop3A_394, %parallel_loop3A_395, %parallel_loop3A_396, %parallel_loop3A_397] {strides = array<i32>} : memref<2x64x2x128xf32, #tpu.memory_space<vmem>>, vector<16xf32>,
      %parallel_loop3A_399 = vector.broadcast %parallel_loop3A_242 : f32 to vector<16xf32>
      %parallel_loop3A_400 = arith.divf %parallel_loop3A_293, %parallel_loop3A_399 : vector<16xf32>
      %parallel_loop3A_401 = arith.fptosi %parallel_loop3A_400 : vector<16xf32> to vector<16xi32>
      %parallel_loop3A_402 = arith.constant 51 : i32
      %parallel_loop3A_403 = vector.broadcast %parallel_loop3A_402 : i32 to vector<16xi32>
      %parallel_loop3A_404 = arith.muli %parallel_loop3A_401, %parallel_loop3A_403 : vector<16xi32>
      %parallel_loop3A_405 = vector.broadcast %parallel_loop3A_242 : f32 to vector<16xf32>
      %parallel_loop3A_406 = arith.divf %parallel_loop3A_349, %parallel_loop3A_405 : vector<16xf32>
      %parallel_loop3A_407 = arith.fptosi %parallel_loop3A_406 : vector<16xf32> to vector<16xi32>
      %parallel_loop3A_408 = arith.addi %parallel_loop3A_404, %parallel_loop3A_407 : vector<16xi32>
      %parallel_loop3A_409 = vector.broadcast %parallel_loop3A_242 : f32 to vector<16xf32>
      %parallel_loop3A_410 = arith.divf %parallel_loop3A_300, %parallel_loop3A_409 : vector<16xf32>
      %parallel_loop3A_411 = arith.fptosi %parallel_loop3A_410 : vector<16xf32> to vector<16xi32>
      %parallel_loop3A_412 = arith.constant 51 : i32
      %parallel_loop3A_413 = vector.broadcast %parallel_loop3A_412 : i32 to vector<16xi32>
      %parallel_loop3A_414 = arith.muli %parallel_loop3A_411, %parallel_loop3A_413 : vector<16xi32>
      %parallel_loop3A_415 = vector.broadcast %parallel_loop3A_242 : f32 to vector<16xf32>
      %parallel_loop3A_416 = arith.divf %parallel_loop3A_356, %parallel_loop3A_415 : vector<16xf32>
      %parallel_loop3A_417 = arith.fptosi %parallel_loop3A_416 : vector<16xf32> to vector<16xi32>
      %parallel_loop3A_418 = arith.addi %parallel_loop3A_414, %parallel_loop3A_417 : vector<16xi32>
      %parallel_loop3A_419 = vector.broadcast %parallel_loop3A_242 : f32 to vector<16xf32>
      %parallel_loop3A_420 = arith.divf %parallel_loop3A_307, %parallel_loop3A_419 : vector<16xf32>
      %parallel_loop3A_421 = arith.fptosi %parallel_loop3A_420 : vector<16xf32> to vector<16xi32>
      %parallel_loop3A_422 = arith.constant 51 : i32
      %parallel_loop3A_423 = vector.broadcast %parallel_loop3A_422 : i32 to vector<16xi32>
      %parallel_loop3A_424 = arith.muli %parallel_loop3A_421, %parallel_loop3A_423 : vector<16xi32>
      %parallel_loop3A_425 = vector.broadcast %parallel_loop3A_242 : f32 to vector<16xf32>
      %parallel_loop3A_426 = arith.divf %parallel_loop3A_363, %parallel_loop3A_425 : vector<16xf32>
      %parallel_loop3A_427 = arith.fptosi %parallel_loop3A_426 : vector<16xf32> to vector<16xi32>
      %parallel_loop3A_428 = arith.addi %parallel_loop3A_424, %parallel_loop3A_427 : vector<16xi32>
      %parallel_loop3A_429 = vector.broadcast %parallel_loop3A_242 : f32 to vector<16xf32>
      %parallel_loop3A_430 = arith.divf %parallel_loop3A_314, %parallel_loop3A_429 : vector<16xf32>
      %parallel_loop3A_431 = arith.fptosi %parallel_loop3A_430 : vector<16xf32> to vector<16xi32>
      %parallel_loop3A_432 = arith.constant 51 : i32
      %parallel_loop3A_433 = vector.broadcast %parallel_loop3A_432 : i32 to vector<16xi32>
      %parallel_loop3A_434 = arith.muli %parallel_loop3A_431, %parallel_loop3A_433 : vector<16xi32>
      %parallel_loop3A_435 = vector.broadcast %parallel_loop3A_242 : f32 to vector<16xf32>
      %parallel_loop3A_436 = arith.divf %parallel_loop3A_370, %parallel_loop3A_435 : vector<16xf32>
      %parallel_loop3A_437 = arith.fptosi %parallel_loop3A_436 : vector<16xf32> to vector<16xi32>
      %parallel_loop3A_438 = arith.addi %parallel_loop3A_434, %parallel_loop3A_437 : vector<16xi32>
      %parallel_loop3A_439 = vector.broadcast %parallel_loop3A_242 : f32 to vector<16xf32>
      %parallel_loop3A_440 = arith.divf %parallel_loop3A_321, %parallel_loop3A_439 : vector<16xf32>
      %parallel_loop3A_441 = arith.fptosi %parallel_loop3A_440 : vector<16xf32> to vector<16xi32>
      %parallel_loop3A_442 = arith.constant 51 : i32
      %parallel_loop3A_443 = vector.broadcast %parallel_loop3A_442 : i32 to vector<16xi32>
      %parallel_loop3A_444 = arith.muli %parallel_loop3A_441, %parallel_loop3A_443 : vector<16xi32>
      %parallel_loop3A_445 = vector.broadcast %parallel_loop3A_242 : f32 to vector<16xf32>
      %parallel_loop3A_446 = arith.divf %parallel_loop3A_377, %parallel_loop3A_445 : vector<16xf32>
      %parallel_loop3A_447 = arith.fptosi %parallel_loop3A_446 : vector<16xf32> to vector<16xi32>
      %parallel_loop3A_448 = arith.addi %parallel_loop3A_444, %parallel_loop3A_447 : vector<16xi32>
      %parallel_loop3A_449 = vector.broadcast %parallel_loop3A_242 : f32 to vector<16xf32>
      %parallel_loop3A_450 = arith.divf %parallel_loop3A_328, %parallel_loop3A_449 : vector<16xf32>
      %parallel_loop3A_451 = arith.fptosi %parallel_loop3A_450 : vector<16xf32> to vector<16xi32>
      %parallel_loop3A_452 = arith.constant 51 : i32
      %parallel_loop3A_453 = vector.broadcast %parallel_loop3A_452 : i32 to vector<16xi32>
      %parallel_loop3A_454 = arith.muli %parallel_loop3A_451, %parallel_loop3A_453 : vector<16xi32>
      %parallel_loop3A_455 = vector.broadcast %parallel_loop3A_242 : f32 to vector<16xf32>
      %parallel_loop3A_456 = arith.divf %parallel_loop3A_384, %parallel_loop3A_455 : vector<16xf32>
      %parallel_loop3A_457 = arith.fptosi %parallel_loop3A_456 : vector<16xf32> to vector<16xi32>
      %parallel_loop3A_458 = arith.addi %parallel_loop3A_454, %parallel_loop3A_457 : vector<16xi32>
      %parallel_loop3A_459 = vector.broadcast %parallel_loop3A_242 : f32 to vector<16xf32>
      %parallel_loop3A_460 = arith.divf %parallel_loop3A_335, %parallel_loop3A_459 : vector<16xf32>
      %parallel_loop3A_461 = arith.fptosi %parallel_loop3A_460 : vector<16xf32> to vector<16xi32>
      %parallel_loop3A_462 = arith.constant 51 : i32
      %parallel_loop3A_463 = vector.broadcast %parallel_loop3A_462 : i32 to vector<16xi32>
      %parallel_loop3A_464 = arith.muli %parallel_loop3A_461, %parallel_loop3A_463 : vector<16xi32>
      %parallel_loop3A_465 = vector.broadcast %parallel_loop3A_242 : f32 to vector<16xf32>
      %parallel_loop3A_466 = arith.divf %parallel_loop3A_391, %parallel_loop3A_465 : vector<16xf32>
      %parallel_loop3A_467 = arith.fptosi %parallel_loop3A_466 : vector<16xf32> to vector<16xi32>
      %parallel_loop3A_468 = arith.addi %parallel_loop3A_464, %parallel_loop3A_467 : vector<16xi32>
      %parallel_loop3A_469 = vector.broadcast %parallel_loop3A_242 : f32 to vector<16xf32>
      %parallel_loop3A_470 = arith.divf %parallel_loop3A_342, %parallel_loop3A_469 : vector<16xf32>
      %parallel_loop3A_471 = arith.fptosi %parallel_loop3A_470 : vector<16xf32> to vector<16xi32>
      %parallel_loop3A_472 = arith.constant 51 : i32
      %parallel_loop3A_473 = vector.broadcast %parallel_loop3A_472 : i32 to vector<16xi32>
      %parallel_loop3A_474 = arith.muli %parallel_loop3A_471, %parallel_loop3A_473 : vector<16xi32>
      %parallel_loop3A_475 = vector.broadcast %parallel_loop3A_242 : f32 to vector<16xf32>
      %parallel_loop3A_476 = arith.divf %parallel_loop3A_398, %parallel_loop3A_475 : vector<16xf32>
      %parallel_loop3A_477 = arith.fptosi %parallel_loop3A_476 : vector<16xf32> to vector<16xi32>
      %parallel_loop3A_478 = arith.addi %parallel_loop3A_474, %parallel_loop3A_477 : vector<16xi32>
      %parallel_loop3A_479 = tpu.vector_load_idx %arg6[%parallel_loop3A_408] : memref<4096xf32, #tpu.memory_space<vmem>>[vector<16xi32>], vector<16xf32>,
      %parallel_loop3A_480 = tpu.vector_load_idx %arg6[%parallel_loop3A_418] : memref<4096xf32, #tpu.memory_space<vmem>>[vector<16xi32>], vector<16xf32>,
      %parallel_loop3A_481 = tpu.vector_load_idx %arg6[%parallel_loop3A_428] : memref<4096xf32, #tpu.memory_space<vmem>>[vector<16xi32>], vector<16xf32>,
      %parallel_loop3A_482 = tpu.vector_load_idx %arg6[%parallel_loop3A_438] : memref<4096xf32, #tpu.memory_space<vmem>>[vector<16xi32>], vector<16xf32>,
      %parallel_loop3A_483 = tpu.vector_load_idx %arg6[%parallel_loop3A_448] : memref<4096xf32, #tpu.memory_space<vmem>>[vector<16xi32>], vector<16xf32>,
      %parallel_loop3A_484 = tpu.vector_load_idx %arg6[%parallel_loop3A_458] : memref<4096xf32, #tpu.memory_space<vmem>>[vector<16xi32>], vector<16xf32>,
      %parallel_loop3A_485 = tpu.vector_load_idx %arg6[%parallel_loop3A_468] : memref<4096xf32, #tpu.memory_space<vmem>>[vector<16xi32>], vector<16xf32>,
      %parallel_loop3A_486 = tpu.vector_load_idx %arg6[%parallel_loop3A_478] : memref<4096xf32, #tpu.memory_space<vmem>>[vector<16xi32>], vector<16xf32>,
      %parallel_loop3A_487 = arith.constant 1 : i32
      %parallel_loop3A_488 = arith.index_cast %parallel_loop3A_487 : i32 to index
      %parallel_loop3A_489 = arith.index_cast %parallel_loop3A_286 : i32 to index
      %parallel_loop3A_490 = arith.constant 0 : index
      %parallel_loop3A_491 = tpu.vector_load %arg7[%parallel_loop3A_488, %parallel_loop3A_489, %parallel_loop3A_490] {strides = array<i32>} : memref<2x64x128xf32, #tpu.memory_space<vmem>>, vector<16xf32>,
      tpu.vector_store %arg7[%parallel_loop3A_488, %parallel_loop3A_489, %parallel_loop3A_490], %parallel_loop3A_479 {strides = array<i32>} : memref<2x64x128xf32, #tpu.memory_space<vmem>>, vector<16xf32>,
      %parallel_loop3A_492 = arith.constant 1 : i32
      %parallel_loop3A_493 = arith.index_cast %parallel_loop3A_492 : i32 to index
      %parallel_loop3A_494 = arith.index_cast %parallel_loop3A_286 : i32 to index
      %parallel_loop3A_495 = arith.constant 16 : index
      %parallel_loop3A_496 = tpu.vector_load %arg7[%parallel_loop3A_493, %parallel_loop3A_494, %parallel_loop3A_495] {strides = array<i32>} : memref<2x64x128xf32, #tpu.memory_space<vmem>>, vector<16xf32>,
      tpu.vector_store %arg7[%parallel_loop3A_493, %parallel_loop3A_494, %parallel_loop3A_495], %parallel_loop3A_480 {strides = array<i32>} : memref<2x64x128xf32, #tpu.memory_space<vmem>>, vector<16xf32>,
      %parallel_loop3A_497 = arith.constant 1 : i32
      %parallel_loop3A_498 = arith.index_cast %parallel_loop3A_497 : i32 to index
      %parallel_loop3A_499 = arith.index_cast %parallel_loop3A_286 : i32 to index
      %parallel_loop3A_500 = arith.constant 32 : index
      %parallel_loop3A_501 = tpu.vector_load %arg7[%parallel_loop3A_498, %parallel_loop3A_499, %parallel_loop3A_500] {strides = array<i32>} : memref<2x64x128xf32, #tpu.memory_space<vmem>>, vector<16xf32>,
      tpu.vector_store %arg7[%parallel_loop3A_498, %parallel_loop3A_499, %parallel_loop3A_500], %parallel_loop3A_481 {strides = array<i32>} : memref<2x64x128xf32, #tpu.memory_space<vmem>>, vector<16xf32>,
      %parallel_loop3A_502 = arith.constant 1 : i32
      %parallel_loop3A_503 = arith.index_cast %parallel_loop3A_502 : i32 to index
      %parallel_loop3A_504 = arith.index_cast %parallel_loop3A_286 : i32 to index
      %parallel_loop3A_505 = arith.constant 48 : index
      %parallel_loop3A_506 = tpu.vector_load %arg7[%parallel_loop3A_503, %parallel_loop3A_504, %parallel_loop3A_505] {strides = array<i32>} : memref<2x64x128xf32, #tpu.memory_space<vmem>>, vector<16xf32>,
      tpu.vector_store %arg7[%parallel_loop3A_503, %parallel_loop3A_504, %parallel_loop3A_505], %parallel_loop3A_482 {strides = array<i32>} : memref<2x64x128xf32, #tpu.memory_space<vmem>>, vector<16xf32>,
      %parallel_loop3A_507 = arith.constant 1 : i32
      %parallel_loop3A_508 = arith.index_cast %parallel_loop3A_507 : i32 to index
      %parallel_loop3A_509 = arith.index_cast %parallel_loop3A_286 : i32 to index
      %parallel_loop3A_510 = arith.constant 64 : index
      %parallel_loop3A_511 = tpu.vector_load %arg7[%parallel_loop3A_508, %parallel_loop3A_509, %parallel_loop3A_510] {strides = array<i32>} : memref<2x64x128xf32, #tpu.memory_space<vmem>>, vector<16xf32>,
      tpu.vector_store %arg7[%parallel_loop3A_508, %parallel_loop3A_509, %parallel_loop3A_510], %parallel_loop3A_483 {strides = array<i32>} : memref<2x64x128xf32, #tpu.memory_space<vmem>>, vector<16xf32>,
      %parallel_loop3A_512 = arith.constant 1 : i32
      %parallel_loop3A_513 = arith.index_cast %parallel_loop3A_512 : i32 to index
      %parallel_loop3A_514 = arith.index_cast %parallel_loop3A_286 : i32 to index
      %parallel_loop3A_515 = arith.constant 80 : index
      %parallel_loop3A_516 = tpu.vector_load %arg7[%parallel_loop3A_513, %parallel_loop3A_514, %parallel_loop3A_515] {strides = array<i32>} : memref<2x64x128xf32, #tpu.memory_space<vmem>>, vector<16xf32>,
      tpu.vector_store %arg7[%parallel_loop3A_513, %parallel_loop3A_514, %parallel_loop3A_515], %parallel_loop3A_484 {strides = array<i32>} : memref<2x64x128xf32, #tpu.memory_space<vmem>>, vector<16xf32>,
      %parallel_loop3A_517 = arith.constant 1 : i32
      %parallel_loop3A_518 = arith.index_cast %parallel_loop3A_517 : i32 to index
      %parallel_loop3A_519 = arith.index_cast %parallel_loop3A_286 : i32 to index
      %parallel_loop3A_520 = arith.constant 96 : index
      %parallel_loop3A_521 = tpu.vector_load %arg7[%parallel_loop3A_518, %parallel_loop3A_519, %parallel_loop3A_520] {strides = array<i32>} : memref<2x64x128xf32, #tpu.memory_space<vmem>>, vector<16xf32>,
      tpu.vector_store %arg7[%parallel_loop3A_518, %parallel_loop3A_519, %parallel_loop3A_520], %parallel_loop3A_485 {strides = array<i32>} : memref<2x64x128xf32, #tpu.memory_space<vmem>>, vector<16xf32>,
      %parallel_loop3A_522 = arith.constant 1 : i32
      %parallel_loop3A_523 = arith.index_cast %parallel_loop3A_522 : i32 to index
      %parallel_loop3A_524 = arith.index_cast %parallel_loop3A_286 : i32 to index
      %parallel_loop3A_525 = arith.constant 112 : index
      %parallel_loop3A_526 = tpu.vector_load %arg7[%parallel_loop3A_523, %parallel_loop3A_524, %parallel_loop3A_525] {strides = array<i32>} : memref<2x64x128xf32, #tpu.memory_space<vmem>>, vector<16xf32>,
      tpu.vector_store %arg7[%parallel_loop3A_523, %parallel_loop3A_524, %parallel_loop3A_525], %parallel_loop3A_486 {strides = array<i32>} : memref<2x64x128xf32, #tpu.memory_space<vmem>>, vector<16xf32>,
    } {sc.loop_unroll_factor = 2 : i64, sc.parallel_access}
    %mul3A_243 = arith.constant 256 : i32
    %mul3A_244 = arith.muli %add3A, %mul3A_243 : i32
    %add3A_245 = arith.constant 192 : i32
    %add3A_246 = arith.addi %mul3A_244, %add3A_245 : i32
    %dma_start3A_247 = arith.constant 1 : i32
    %dma_start3A_248 = arith.constant 0 : i32
    %dma_start3A_249 = arith.constant 0 : i32
    %dma_start3A_250 = tpu.memref_slice %arg7[%dma_start3A_247, %dma_start3A_248, %dma_start3A_249] : memref<2x64x128xf32, #tpu.memory_space<vmem>> -> memref<1x64x128xf32, #tpu.memory_space<vmem>>
    %dma_start3A_251 = tpu.memref_squeeze %dma_start3A_250 : memref<1x64x128xf32, #tpu.memory_space<vmem>> -> memref<64x128xf32, #tpu.memory_space<vmem>>
    %dma_start3A_252 = arith.constant 0 : i32
    %dma_start3A_253 = tpu.memref_slice %arg4[%add3A_246, %dma_start3A_252] : memref<8192x128xf32, #tpu.memory_space<hbm>> -> memref<64x128xf32, #tpu.memory_space<hbm>>
    %dma_start3A_254 = arith.constant 0 : i32
    %dma_start3A_255 = tpu.memref_slice %arg4[%add3A_246, %dma_start3A_254] : memref<8192x128xf32, #tpu.memory_space<hbm>> -> memref<64x128xf32, #tpu.memory_space<hbm>>
    %dma_start3A_256 = arith.constant 0 : i32
    %dma_start3A_257 = arith.constant 0 : i32
    %dma_start3A_258 = tpu.memref_slice %arg7[%dma_start3A_247, %dma_start3A_256, %dma_start3A_257] : memref<2x64x128xf32, #tpu.memory_space<vmem>> -> memref<1x64x128xf32, #tpu.memory_space<vmem>>
    %dma_start3A_259 = tpu.memref_squeeze %dma_start3A_258 : memref<1x64x128xf32, #tpu.memory_space<vmem>> -> memref<64x128xf32, #tpu.memory_space<vmem>>
    tpu.enqueue_dma source(%dma_start3A_259 : memref<64x128xf32, #tpu.memory_space<vmem>>) target(%dma_start3A_255 : memref<64x128xf32, #tpu.memory_space<hbm>>) target_semaphore(%arg11 : memref<!tpu.dma_semaphore, #tpu.memory_space<semaphore_mem>>)
    %dma_wait3A_260 = arith.constant 0 : i32
    %dma_wait3A_261 = arith.constant 0 : i32
    %dma_wait3A_262 = arith.constant 0 : i32
    %dma_wait3A_263 = tpu.memref_slice %arg7[%dma_wait3A_260, %dma_wait3A_261, %dma_wait3A_262] : memref<2x64x128xf32, #tpu.memory_space<vmem>> -> memref<1x64x128xf32, #tpu.memory_space<vmem>>
    %dma_wait3A_264 = tpu.memref_squeeze %dma_wait3A_263 : memref<1x64x128xf32, #tpu.memory_space<vmem>> -> memref<64x128xf32, #tpu.memory_space<vmem>>
    %dma_wait3A_265 = arith.constant 0 : i32
    %dma_wait3A_266 = tpu.memref_slice %arg4[%add3A_195, %dma_wait3A_265] : memref<8192x128xf32, #tpu.memory_space<hbm>> -> memref<64x128xf32, #tpu.memory_space<hbm>>
    %dma_wait3A_267 = arith.constant 0 : i32
    %dma_wait3A_268 = tpu.memref_slice %arg4[%add3A_195, %dma_wait3A_267] : memref<8192x128xf32, #tpu.memory_space<hbm>> -> memref<64x128xf32, #tpu.memory_space<hbm>>
    %dma_wait3A_269 = arith.constant 0 : i32
    %dma_wait3A_270 = arith.constant 0 : i32
    %dma_wait3A_271 = tpu.memref_slice %arg7[%dma_wait3A_260, %dma_wait3A_269, %dma_wait3A_270] : memref<2x64x128xf32, #tpu.memory_space<vmem>> -> memref<1x64x128xf32, #tpu.memory_space<vmem>>
    %dma_wait3A_272 = tpu.memref_squeeze %dma_wait3A_271 : memref<1x64x128xf32, #tpu.memory_space<vmem>> -> memref<64x128xf32, #tpu.memory_space<vmem>>
    tpu.wait_dma2 semaphore(%arg10 : memref<!tpu.dma_semaphore, #tpu.memory_space<semaphore_mem>>) src(%dma_wait3A_272 : memref<64x128xf32, #tpu.memory_space<vmem>>) dst(%dma_wait3A_268 : memref<64x128xf32, #tpu.memory_space<hbm>>)
    %dma_wait3A_273 = arith.constant 1 : i32
    %dma_wait3A_274 = arith.constant 0 : i32
    %dma_wait3A_275 = arith.constant 0 : i32
    %dma_wait3A_276 = tpu.memref_slice %arg7[%dma_wait3A_273, %dma_wait3A_274, %dma_wait3A_275] : memref<2x64x128xf32, #tpu.memory_space<vmem>> -> memref<1x64x128xf32, #tpu.memory_space<vmem>>
    %dma_wait3A_277 = tpu.memref_squeeze %dma_wait3A_276 : memref<1x64x128xf32, #tpu.memory_space<vmem>> -> memref<64x128xf32, #tpu.memory_space<vmem>>
    %dma_wait3A_278 = arith.constant 0 : i32
    %dma_wait3A_279 = tpu.memref_slice %arg4[%add3A_246, %dma_wait3A_278] : memref<8192x128xf32, #tpu.memory_space<hbm>> -> memref<64x128xf32, #tpu.memory_space<hbm>>
    %dma_wait3A_280 = arith.constant 0 : i32
    %dma_wait3A_281 = tpu.memref_slice %arg4[%add3A_246, %dma_wait3A_280] : memref<8192x128xf32, #tpu.memory_space<hbm>> -> memref<64x128xf32, #tpu.memory_space<hbm>>
    %dma_wait3A_282 = arith.constant 0 : i32
    %dma_wait3A_283 = arith.constant 0 : i32
    %dma_wait3A_284 = tpu.memref_slice %arg7[%dma_wait3A_273, %dma_wait3A_282, %dma_wait3A_283] : memref<2x64x128xf32, #tpu.memory_space<vmem>> -> memref<1x64x128xf32, #tpu.memory_space<vmem>>
    %dma_wait3A_285 = tpu.memref_squeeze %dma_wait3A_284 : memref<1x64x128xf32, #tpu.memory_space<vmem>> -> memref<64x128xf32, #tpu.memory_space<vmem>>
    tpu.wait_dma2 semaphore(%arg11 : memref<!tpu.dma_semaphore, #tpu.memory_space<semaphore_mem>>) src(%dma_wait3A_285 : memref<64x128xf32, #tpu.memory_space<vmem>>) dst(%dma_wait3A_281 : memref<64x128xf32, #tpu.memory_space<hbm>>)
    return
  }
}

</mosaic_0001>

<sc_bundles>
// kernel: kernel.3.cloned.1.call-start
scs
__scs_entry_jumppad:
0x0: {  	(pc) =	sbr.rel $0x88, $3  }
0x1: {  	(tag) =	ssettag $0x0;
	lr =	simm.s32 $0x1  }
0x2: {  	[smem:$0x3F9F] =	sst lr;
	_ =	strace $0xD0000000  }
0x3: {  	_ = 	snop  }
0x4: {  	_ = 	snop  }
0x5: {  	_ = 	snop  }
0x6: {  	_ = 	snop  }
0x7: {  	_ = 	snop  }
__scs_overlays_trampoline_lowered:
0x8: {  	[smem:$0x3FAE] =	sst s0  }
0x9: {  	[smem:$0x3FAF] =	sst s1  }
0xa: {  	[smem:$0x3FB0] =	sst s2  }
0xb: {  	[smem:$0x3FB1] =	sst s3  }
0xc: {  	[smem:$0x3FB2] =	sst s4  }
0xd: {  	[smem:$0x3FB3] =	sst s5  }
0xe: {  	[smem:$0x3FB4] =	sst s6  }
0xf: {  	[smem:$0x3FB5] =	sst s7  }
0x10: {  	[smem:$0x3FB6] =	sst s8  }
0x11: {  	[smem:$0x3FB7] =	sst s9;
	s0 =	simm.s32 @!p0 $0x0  }
0x12: {  	s1 =	sld [smem:$0x3F9D];
	s0 =	simm.s32 @p0 $0x1  }
0x13: {  	[smem:$0x3FB8] =	sst s0;
	s0 =	simm.s32 @!p1 $0x0  }
0x14: {  	s2 =	sld [smem:$0x3F9C];
	s0 =	simm.s32 @p1 $0x1  }
0x15: {  	[smem:$0x3FB9] =	sst s0;
	s0 =	simm.s32 @!p2 $0x0  }
0x16: {  	s3 =	sld [smem:$0x3FDB];
	s0 =	simm.s32 @p2 $0x1  }
0x17: {  	s4 =	simm.s32 $0x1BF5;
	[smem:$0x3FBB] =	sst s0  }
0x18: {  	s0 =	sld [smem:$0x3F9E];
	_ =	swait.ge [sflag:s4], $0x0  }
0x19: {  	s7 =	sld [smem:$0x3F9F]  }
0x1a: {  	s8 =	sadd.s32 $0xFFFFE003, lr  }
0x1b: {  	s9 =	sadd.s32 $0xFFFFFEF7, lr;
	s5 =	simm.s32 $0xFFFFFFFF;
	p2 =	slt.u32 s8, $0xFFFFF086  }
0x1c: {  	p1 =	slt.u32 s9, $0xF7A;
	s5 =	simm.s32 @!p2 $0x0  }
0x1d: {  	s5 =	simm.s32 @p1 $0x1;
	p0 =	seq.s32 s7, s2  }
0x1e: {  	s7 =	smul.u32 @!p0 $0xF7A, s2;
	p2 =	seq.s32 @!p0 s5, $0x0  }
0x1f: {  	s9 =	smul.u32 $0xF7A, s1;
	s8 =	simm.s32 @!p0 $0x1BF5;
	p2 =	por !p2, p0  }
0x20: {  	[sflag:s8] =	ssyncset.s32 @!p0 $0xFFFFF086;
	s6 =	sadd.s32 @!p0 s3, s7;
	s7 =	simm.s32 @!p0 $0x108  }
0x21: {  	s3 =	sadd.s32 s3, s9;
	s6 =	sadd.s32 @!p0 $0x88, s6;
	s7 =	simm.s32 @p2 $0x1082  }
0x22: {  	[simem:s7], [sflag:s8] =	dma.local @!p0 [hbm:s6], $0xF7A  }
0x23: {  	s9 =	sor.u32 $0xD0000000, s2;
	s6 =	simm.s32 $0x108;
	_ =	swait.ge @!p0 [sflag:s8], $0x0  }
0x24: {  	s3 =	sadd.s32 $0x88, s3;
	s6 =	simm.s32 @!p1 $0x1082;
	[sflag:s4] =	ssyncset.s32 $0xFFFFF086  }
0x25: {  	[simem:s6], [sflag:s4] =	dma.local [hbm:s3], $0xF7A  }
0x26: {  	[smem:$0x3F9F] =	sst s1;
	(tag) =	ssettag s2;
	_ =	strace s9  }
0x27: {  	s1 =	sld [smem:$0x3FAF]  }
0x28: {  	s2 =	sld [smem:$0x3FB0]  }
0x29: {  	s4 =	sld [smem:$0x3FB2]  }
0x2a: {  	p0 =	seq.s32 s5, $0x0;
	s5 =	sld [smem:$0x3FB3]  }
0x2b: {  	s6 =	sld [smem:$0x3FB4]  }
0x2c: {  	s7 =	sld [smem:$0x3FB5]  }
0x2d: {  	s3 =	simm.s32 $0x108;
	s8 =	sld [smem:$0x3FB6]  }
0x2e: {  	s3 =	simm.s32 @!p0 $0x1082;
	s9 =	sld [smem:$0x3FB7]  }
0x2f: {  	lr =	sadd.s32 s0, s3;
	s0 =	sld [smem:$0x3FAE]  }
0x30: {  	s3 =	sld [smem:$0x3FB1]  }
0x31: {  	[smem:$0x3FBA] =	sst s10  }
0x32: {  	s10 =	sld [smem:$0x3FB8];
	_ =	sdelay $0x3  }
0x33: {  	p0 =	seq.s32 s10, $0x1;
	s10 =	sld [smem:$0x3FBA];
	_ =	sdelay $0x3  }
0x34: {  	[smem:$0x3FBA] =	sst s10  }
0x35: {  	s10 =	sld [smem:$0x3FB9];
	_ =	sdelay $0x3  }
0x36: {  	p1 =	seq.s32 s10, $0x1;
	s10 =	sld [smem:$0x3FBA];
	_ =	sdelay $0x3  }
0x37: {  	[smem:$0x3FBA] =	sst s10  }
0x38: {  	s10 =	sld [smem:$0x3FBB]  }
0x39: {  	_ = 	snop;
	(pc) =	sbr.ind lr, $3  }
0x3a: {  	_ = 	snop  }
0x3b: {  	_ = 	snop  }
0x3c: {  	p2 =	seq.s32 s10, $0x1;
	s10 =	sld [smem:$0x3FBA]  }
0x3d: {  	_ =	shalt  }
0x3e: {  	_ =	shalt  }
0x3f: {  	_ =	shalt  }
0x40: {  	_ =	shalt  }
0x41: {  	_ =	shalt  }
0x42: {  	_ =	shalt  }
0x43: {  	_ =	shalt  }
0x44: {  	_ =	shalt  }
0x45: {  	_ =	shalt  }
0x46: {  	_ =	shalt  }
0x47: {  	_ =	shalt  }
0x48: {  	_ =	shalt  }
0x49: {  	_ =	shalt  }
0x4a: {  	_ =	shalt  }
0x4b: {  	_ =	shalt  }
0x4c: {  	_ =	shalt  }
0x4d: {  	_ =	shalt  }
0x4e: {  	_ =	shalt  }
0x4f: {  	_ =	shalt  }
0x50: {  	_ =	shalt  }
0x51: {  	_ =	shalt  }
0x52: {  	_ =	shalt  }
0x53: {  	_ =	shalt  }
0x54: {  	_ =	shalt  }
0x55: {  	_ =	shalt  }
0x56: {  	_ =	shalt  }
0x57: {  	_ =	shalt  }
0x58: {  	_ =	shalt  }
0x59: {  	_ =	shalt  }
0x5a: {  	_ =	shalt  }
0x5b: {  	_ =	shalt  }
0x5c: {  	_ =	shalt  }
0x5d: {  	_ =	shalt  }
0x5e: {  	_ =	shalt  }
0x5f: {  	_ =	shalt  }
0x60: {  	_ =	shalt  }
0x61: {  	_ =	shalt  }
0x62: {  	_ =	shalt  }
0x63: {  	_ =	shalt  }
0x64: {  	_ =	shalt  }
0x65: {  	_ =	shalt  }
0x66: {  	_ =	shalt  }
0x67: {  	_ =	shalt  }
0x68: {  	_ =	shalt  }
0x69: {  	_ =	shalt  }
0x6a: {  	_ =	shalt  }
0x6b: {  	_ =	shalt  }
0x6c: {  	_ =	shalt  }
0x6d: {  	_ =	shalt  }
0x6e: {  	_ =	shalt  }
0x6f: {  	_ =	shalt  }
0x70: {  	_ =	shalt  }
0x71: {  	_ =	shalt  }
0x72: {  	_ =	shalt  }
0x73: {  	_ =	shalt  }
0x74: {  	_ =	shalt  }
0x75: {  	_ =	shalt  }
0x76: {  	_ =	shalt  }
0x77: {  	_ =	shalt  }
0x78: {  	_ =	shalt  }
0x79: {  	_ =	shalt  }
0x7a: {  	_ =	shalt  }
0x7b: {  	_ =	shalt  }
0x7c: {  	_ =	shalt  }
0x7d: {  	_ =	shalt  }
0x7e: {  	_ =	shalt  }
0x7f: {  	_ =	shalt  }
0x80: {  	_ =	shalt  }
0x81: {  	_ =	shalt  }
0x82: {  	_ =	shalt  }
0x83: {  	_ =	shalt  }
0x84: {  	_ =	shalt  }
0x85: {  	_ =	shalt  }
0x86: {  	_ =	shalt  }
0x87: {  	_ =	shalt  }
.Lfunc_end0:
.L_simem_size_0:
called_computation_lowered:
.L_overlay_start_0:
0x88: {  	s2 =	sld [smem:$0x3FD9]  }
0x89: {  	s3 =	sld [smem:$0x3FFE];
	_ =	sdelay $0x1  }
0x8a: {  	s1 =	srdreg.scid  }
0x8b: {  	s0 =	sand.u32 $0x1, s1  }
0x8c: {  	s17 =	sshll.u32 s0, $0xA;
	s2 =	sadd.s32 s3, s2  }
0x8d: {  	s2 =	sadd.s32 s2, s17  }
0x8e: {  	[smem:$0x3FC6] =	sst s2  }
0x8f: {  	_ = 	snop  }
0x90: {  	s2 =	sld [smem:$0x3FC9]  }
0x91: {  	s18 =	sld [smem:$0x3FD0];
	(tm) =	ssettm $0x1  }
0x92: {  	s4 =	sld [smem:$0x3FFB];
	_ =	sdelay $0x3  }
0x93: {  	_ =	strace s4  }
0x94: {  	s4 =	sld [smem:$0x3FFC];
	_ =	sdelay $0x3  }
0x95: {  	_ =	strace s4  }
0x96: {  	s4 =	sld [smem:$0x3FFD];
	_ =	sdelay $0x3  }
0x97: {  	_ =	strace s4  }
0x98: {  	_ =	strace $0x8FFFFFFF  }
0x99: {  	s19 =	sld [smem:$0x3FDB];
	_ =	sdelay $0x1  }
0x9a: {  	s5 =	simm.s32 $_scs_section_size  }
0x9b: {  	s6 =	simm.s32 $_size__tile_overlayer_lowered;
	s7 =	simm.s32 $_tile_overlayer_lowered  }
0x9c: {  	s22 =	simm.s32 $0x1BFF;
	s21 =	sshll.u32 s7, $0x1;
	s4 =	sadd.s32 s5, s19  }
0x9d: {  	s8 =	simm.s32 $0x0;
	s20 =	sshll.u32 s6, $0x1;
	s6 =	sadd.s32 s21, s4  }
0x9e: {  	[timem:s8], [sflag:s22] =	dma.local [hbm:s6], s20  }
0x9f: {  	_ =	swait.ge [sflag:s22], s20  }
0xa0: {  	s5 =	ssub.s32 $0x0, s20;
	[sflag:s22] =	ssyncset.done $0x0  }
0xa1: {  	[sflag:s22] =	ssyncadd.s32 s5;
	_ =	sdelay $0x1  }
0xa2: {  	s23 =	simm.s32 $0x1B8B  }
0xa3: {  	_ =	swait.ge [sflag:s23], $0x1  }
0xa4: {  	[sflag:s23] =	ssyncset.done $0x0  }
0xa5: {  	s25 =	simm.s32 $0x1B8E;
	s24 =	sld [smem:$0x3FFE];
	[sflag:s23] =	ssyncadd.s32 $0xFFFFFFFF  }
0xa6: {  	s26 =	simm.s32 $execute0_lowered;
	[smem:$0x3FD2] =	sst s25  }
0xa7: {  	s6 =	sshll.u32 s26, $0x1;
	_ =	strace $0x80000046;
	[dreg:$0x1] =	wrdreg $0xFFFFFFFF  }
0xa8: {  	s28 =	simm.s32 $_size_execute0_lowered;
	s4 =	sadd.s32 s4, s6;
	[dreg:$0x0] =	wrdreg $0x0  }
0xa9: {  	s6 =	sshll.u32 s28, $0x1;
	[dreg:$0x2] =	wrdreg s4  }
0xaa: {  	[dreg:$0x3] =	wrdreg s6  }
0xab: {  	[dreg:$0x4] =	wrdreg $0xC0  }
0xac: {  	_ =	task [dreg:s8], $0x5FFFF  }
0xad: {  	[dreg:$0x1] =	wrdreg $0xFFFFFFFF  }
0xae: {  	[dreg:$0x0] =	wrdreg $0x60  }
0xaf: {  	[dreg:$0x2] =	wrdreg s2  }
0xb0: {  	[dreg:$0x3] =	wrdreg s24  }
0xb1: {  	[dreg:$0x4] =	wrdreg s18  }
0xb2: {  	[dreg:$0x5] =	wrdreg $0x9  }
0xb3: {  	_ =	task.clear_ibuf [dreg:s8], $0x6FFFF;
	_ =	strace $0x90000046  }
0xb4: {  	s29 =	simm.s32 $0x9;
	_ =	strace $0x80000048  }
0xb5: {  	_ =	swait.ge [sflag:s29], $0x1  }
0xb6: {  	[sflag:s29] =	ssyncadd.s32 $0xFFFFFFFF  }
0xb7: {  	_ =	strace $0x90000048  }
0xb8: {  	_ =	sfence  }
0xb9: {  	s30 =	sld [smem:$0x0];
	_ =	sdelay $0x2  }
0xba: {  	s31 =	sshll.u32 s1, $0xD;
	s1 =	sshrl.u32 s1, $0x2  }
0xbb: {  	s3 =	sand.u32 $0x4000, s31;
	s1 =	sadd.s32 s1, s30  }
0xbc: {  	s0 =	sor.u32 s3, s0;
	s1 =	sshll.u32 s1, $0x11  }
0xbd: {  	s0 =	sor.u32 s1, s0  }
0xbe: {  	s0 =	sadd.s32 $0x8F2B, s0  }
0xbf: {  	[sflag:s0] =	ssyncadd.remote.s32 $0x1  }
0xc0: {  	_ =	sfence.sel $0xFFFF  }
0xc1: {  	[dreg:$0x0] =	wrdreg $0xFFFFFFFF;
	(pc) =	sbr.abs _section_cstart, $3  }
0xc2: {  	[dreg:$0x1] =	wrdreg $0xFFFFFFFF  }
0xc3: {  	_ =	task.clear_ibuf [dreg:s8], $0x2FFFF;
	_ =	strace $0x9FFFFFFF  }
0xc4: {  	(tm) =	ssettm $0x7FFFFFFF  }
0xc5: {  	_ =	shalt  }
tec
execute0_lowered:
.L_overlay_start_1:
0x0: {  	(tag) =	ssettag $0x1  }
0x1: {  	s9 =	rddreg [dreg:$0x0]  }
0x2: {  	s3 =	rddreg [dreg:$0x1]  }
0x3: {  	s11 =	rddreg [dreg:$0x2]  }
0x4: {  	s0 =	rddreg [dreg:$0x3];
	s4 =	srdreg.scid  }
0x5: {  	s2 =	simm.s32 $0x0;
	s1 =	stileid.u32;
	s15 =	simm.s32 $0x4000  }
0x6: {  	s16 =	simm.s32 $0x1;
	s17 =	simm.s32 $0x9000;
	s18 =	simm.s32 $0x2  }
0x7: {  	s19 =	simm.s32 $0xB000;
	s20 =	simm.s32 $0x3;
	[smem:$0x7FF] =	sst s2  }
0x8: {  	v0 =	vimm.f32 $1.999999960e-02;
	s21 =	simm.s32 $0x4;
	s4 =	sand.u32 $0x1, s4;
	_ =	strace $0x80000047  }
0x9: {  	s5 =	sshll.u32 s1, $0x9;
	s6 =	sshll.u32 s4, $0x8;
	s4 =	ssub.s32 $0x2, s4;
	(erf) = vrcp.f32 v0  }
0xa: {  	s22 =	simm.s32 $0x0;
	s8 =	sor.u32 s6, s5;
	s26 =	sshrl.u32 s4, $0x1  }
0xb: {  	s3 =	sadd.s32 $0x400, s3;
	s6 =	sshll.u32 s8, $0x5;
	s12 =	ssub.s32 s4, s26  }
0xc: {  	s10 =	sor.u32 $0x40, s8;
	s29 =	sshll.u32 s8, $0x4;
	s13 =	sor.u32 $0x80, s8  }
0xd: {  	s14 =	sor.u32 $0xC0, s8;
	s4 =	sadd.s32 s9, s6;
	s28 =	sshll.u32 s10, $0x5  }
0xe: {  	s6 =	sadd.s32 s11, s29;
	s7 =	sshll.u32 s13, $0x5;
	s10 =	sshll.u32 s10, $0x4  }
0xf: {  	s30 =	sshll.u32 s14, $0x5;
	s13 =	sshll.u32 s13, $0x4;
	s31 =	sshll.u32 s14, $0x4  }
0x10: {  	s12 =	smax.u32 s12, $0x1;
	s14 =	simm.s32 $0x5;
	s5 =	sadd.s32 s9, s28  }
0x11: {  	s7 =	sadd.s32 s9, s7;
	s8 =	sadd.s32 s11, s10;
	s9 =	sadd.s32 s9, s30  }
0x12: {  	s10 =	sadd.s32 s11, s13;
	s11 =	sadd.s32 s11, s31;
	s13 =	simm.s32 $0x8000;
	v0 =	vpop (erf)  }
.LBB2_1:
0x13: {  	[tilespmem:s2], [sflag:$0x1] =	stream.linear.gather [hbm4b:s4+s2], $0x4000, $0x38;
	[tilespmem:$0xD000] =	vst v63  }
0x14: {  	_ = 	snop  }
0x15: {  	[tilespmem:s13], [sflag:$0x5] =	stream.linear.gather [hbm4b:s3+s2], $0x1000, $0x38;
	[tilespmem:$0xD000] =	vst v63  }
0x16: {  	_ =	swait.ge [sflag:s14], $0x1000  }
0x17: {  	[sflag:s14] =	ssyncset.done $0x0  }
0x18: {  	s23 =	simm.s32 $0x0;
	[sflag:s14] =	ssyncadd.s32 $0xFFFFF000  }
0x19: {  	v1 =	vld [tilespmem:s23+$0x8000]  }
0x1a: {  	v2 =	vld [tilespmem:s23+$0x8010]  }
0x1b: {  	s24 =	simm.s32 $0x100;
	v3 =	vld [tilespmem:s23+$0x8020]  }
.LBB2_2:
0x1c: {  	p0 =	sne.s32 s24, $0x3F00;
	v4 =	vld [tilespmem:s23+$0x8030];
	_ =	sdelay $0x1  }
0x1d: {  	(erf) = vrcp.f32 v1  }
0x1e: {  	(erf) = vrcp.f32 v2  }
0x1f: {  	(erf) = vrcp.f32 v3  }
0x20: {  	(erf) = vrcp.f32 v4;
	_ =	sdelay $0x5  }
.Ltmp0:
0x21: {  	v1 =	vpop (erf);
	(pc) =	sbr.rel @p0 .LBB2_2-.Ltmp0, $4  }
0x22: {  	s25 =	sshra.s32 s24, $0x2;
	[tilespmem:s23+$0x8000] =	vst v1;
	v2 =	vpop (erf)  }
0x23: {  	v1 =	vld [tilespmem:s25+$0x8000];
	[tilespmem:s23+$0x8010] =	vst v2;
	v3 =	vpop (erf)  }
0x24: {  	v2 =	vld [tilespmem:s25+$0x8010];
	[tilespmem:s23+$0x8020] =	vst v3;
	v4 =	vpop (erf)  }
0x25: {  	s24 =	sadd.s32 $0x100, s24;
	v3 =	vld [tilespmem:s25+$0x8020];
	[tilespmem:s23+$0x8030] =	vst v4;
	s23 =	smov.u32 s25  }
0x26: {  	v4 =	vld [tilespmem:s23+$0x8030];
	_ =	sdelay $0x1  }
0x27: {  	(erf) = vrcp.f32 v1  }
0x28: {  	(erf) = vrcp.f32 v2  }
0x29: {  	(erf) = vrcp.f32 v3  }
0x2a: {  	(erf) = vrcp.f32 v4;
	_ =	sdelay $0x5  }
0x2b: {  	v1 =	vpop (erf)  }
0x2c: {  	[tilespmem:s23+$0x8000] =	vst v1;
	v1 =	vpop (erf)  }
0x2d: {  	[tilespmem:s23+$0x8010] =	vst v1;
	v1 =	vpop (erf)  }
0x2e: {  	[tilespmem:s23+$0x8020] =	vst v1;
	v1 =	vpop (erf)  }
0x2f: {  	[tilespmem:s23+$0x8030] =	vst v1  }
0x30: {  	[tilespmem:s15], [sflag:$0x2] =	stream.linear.gather [hbm4b:s5+s2], $0x4000, $0x38;
	[tilespmem:$0xD000] =	vst v63  }
0x31: {  	_ =	swait.ge [sflag:s16], $0x4000  }
0x32: {  	[sflag:s16] =	ssyncset.done $0x0  }
0x33: {  	s31 =	simm.s32 $0x100;
	[sflag:s16] =	ssyncadd.s32 $0xFFFFC000  }
0x34: {  	v1 =	vld [tilespmem:s31+$0x40]  }
0x35: {  	v2 =	vld [tilespmem:s31+$0xFFFFFFC0]  }
0x36: {  	v3 =	vld [tilespmem:s31+$0xFFFFFF80]  }
0x37: {  	v5 =	vld [tilespmem:s31+$0x30]  }
0x38: {  	v6 =	vld [tilespmem:s31+$0x20]  }
0x39: {  	v8 =	vld [tilespmem:s31+$0x80]  }
0x3a: {  	v9 =	vld [tilespmem:s31+$0x90]  }
0x3b: {  	v11 =	vld [tilespmem:s31+$0xFFFFFF50]  }
0x3c: {  	v12 =	vld [tilespmem:s31+$0xFFFFFF40]  }
0x3d: {  	v14 =	vld [tilespmem:s31+$0xFFFFFF30]  }
0x3e: {  	v19 =	vld [tilespmem:s31+$0xFFFFFFF0];
	v1 =	vmul.f32 v1, v0  }
0x3f: {  	v2 =	vmul.f32 v2, v0;
	v3 =	vmul.f32 v3, v0  }
0x40: {  	v5 =	vmul.f32 v5, v0;
	v6 =	vmul.f32 v6, v0  }
0x41: {  	v8 =	vmul.f32 v8, v0;
	v9 =	vmul.f32 v9, v0  }
0x42: {  	v15 =	vld [tilespmem:s31+$0xFFFFFF60];
	v11 =	vmul.f32 v11, v0;
	v12 =	vmul.f32 v12, v0  }
0x43: {  	v14 =	vmul.f32 v14, v0;
	v26 =	vmul.f32 v19, v0  }
0x44: {  	v4 =	vld [tilespmem:s31+$0xA0];
	v1 =	vtrunc.f32 v1;
	v2 =	vtrunc.f32 v2  }
0x45: {  	v13 =	vtrunc.f32 v5;
	v6 =	vtrunc.f32 v6  }
0x46: {  	v8 =	vtrunc.f32 v8;
	v9 =	vtrunc.f32 v9  }
0x47: {  	v18 =	vtrunc.f32 v11;
	v11 =	vmul.f32 v15, v0  }
0x48: {  	v7 =	vcvt.f32.s32 v1;
	v10 =	vcvt.f32.s32 v2;
	v2 =	vld [tilespmem:s31+$0x10]  }
0x49: {  	v1 =	vtrunc.f32 v3;
	v3 =	vmul.f32 v4, v0;
	v4 =	vld [tilespmem:s31+$0x0]  }
0x4a: {  	v12 =	vtrunc.f32 v12;
	v14 =	vtrunc.f32 v14  }
0x4b: {  	v26 =	vtrunc.f32 v26;
	v6 =	vcvt.f32.s32 v6  }
0x4c: {  	v16 =	vld [tilespmem:s31+$0xFFFFFFE0];
	v8 =	vcvt.f32.s32 v8;
	v3 =	vtrunc.f32 v3  }
0x4d: {  	v17 =	vld [tilespmem:s31+$0xFFFFFF10];
	v6 =	vmul.u32 $0x33, v6;
	v3 =	vcvt.f32.s32 v3;
	v2 =	vmul.f32 v2, v0  }
0x4e: {  	v5 =	vld [tilespmem:s31+$0xFFFFFF70];
	v9 =	vcvt.f32.s32 v9;
	v4 =	vmul.f32 v4, v0  }
0x4f: {  	v22 =	vtrunc.f32 v11;
	v3 =	vadd.s32 v3, v6;
	v6 =	vld [tilespmem:s31+$0xFFFFFFB0];
	v2 =	vtrunc.f32 v2  }
0x50: {  	v21 =	vld [tilespmem:s31+$0xFFFFFFD0];
	v4 =	vtrunc.f32 v4;
	v2 =	vcvt.f32.s32 v2  }
0x51: {  	v23 =	vld [tilespmem:s31+$0xFFFFFF90];
	v11 =	vmul.f32 v16, v0;
	v4 =	vcvt.f32.s32 v4  }
0x52: {  	v15 =	vld [tilespmem:s31+$0x70];
	v14 =	vcvt.f32.s32 v14;
	v27 =	vcvt.f32.s32 v18;
	v20 =	vmul.u32 $0x33, v2  }
0x53: {  	v16 =	vld [tilespmem:s31+$0xFFFFFF20];
	v11 =	vtrunc.f32 v11;
	v5 =	vmul.f32 v5, v0;
	v4 =	vmul.u32 $0x33, v4  }
0x54: {  	v25 =	vcvt.f32.s32 v11;
	v2 =	vld.idx.msk [tilespmem:v3+s13+$0x0], $0xffff;
	v3 =	vmul.f32 v6, v0;
	v6 =	vadd.s32 v9, v20  }
0x55: {  	v11 =	vld [tilespmem:s31+$0x60];
	v5 =	vtrunc.f32 v5;
	v9 =	vcvt.f32.s32 v12;
	v8 =	vadd.s32 v8, v4  }
0x56: {  	v20 =	vld [tilespmem:s31+$0xB0];
	v24 =	vtrunc.f32 v3;
	v3 =	vmul.u32 $0x33, v7;
	v7 =	vcvt.f32.s32 v5  }
0x57: {  	v12 =	vmul.f32 v15, v0;
	v15 =	vmul.f32 v17, v0;
	v5 =	vmul.u32 $0x33, v9;
	v9 =	vld [tilespmem:s31+$0xFFFFFFA0]  }
0x58: {  	v13 =	vcvt.f32.s32 v13;
	v17 =	vmul.f32 v21, v0;
	v21 =	vld [tilespmem:s31+$0xF0]  }
0x59: {  	v19 =	vmul.u32 $0x33, v14;
	v18 =	vtrunc.f32 v15;
	v4 =	vld.idx.msk [tilespmem:v6+s13+$0x0], $0xffff;
	v6 =	vmul.f32 v16, v0  }
0x5a: {  	v16 =	vadd.s32 v10, v5;
	v10 =	vcvt.f32.s32 v22;
	v5 =	vld.idx.msk [tilespmem:v8+s13+$0x0], $0xffff;
	v8 =	vcvt.f32.s32 v24  }
0x5b: {  	v14 =	vmul.u32 $0x33, v7;
	v7 =	vld [tilespmem:s31+$0xFFFFFF00];
	v15 =	vtrunc.f32 v17;
	v20 =	vmul.f32 v20, v0  }
0x5c: {  	v17 =	vld [tilespmem:s31+$0xE0];
	v22 =	vmul.u32 $0x33, v10;
	v10 =	vmul.f32 v9, v0;
	v9 =	vadd.s32 v8, v19  }
0x5d: {  	v1 =	vcvt.f32.s32 v1;
	v24 =	vmul.u32 $0x33, v27;
	v27 =	vmul.f32 v23, v0;
	v23 =	vld [tilespmem:s31+$0xC0]  }
0x5e: {  	v19 =	vld [tilespmem:s31+$0x50];
	v8 =	vadd.s32 v25, v22;
	v22 =	vcvt.f32.s32 v15;
	v15 =	vtrunc.f32 v20  }
0x5f: {  	v28 =	vtrunc.f32 v6;
	v25 =	vmul.u32 $0x33, v13;
	v6 =	vld.idx.msk [tilespmem:v16+s13+$0x0], $0xffff;
	v29 =	vcvt.f32.s32 v15  }
0x60: {  	s24 =	simm.s32 $0x9080;
	v13 =	vtrunc.f32 v27;
	v20 =	vmul.f32 v7, v0;
	v16 =	vadd.s32 v22, v24;
	v22 =	vld [tilespmem:s31+$0xD0]  }
0x61: {  	s25 =	simm.s32 $0x0;
	s26 =	simm.s32 $0x300;
	s23 =	simm.s32 $0x9080;
	v15 =	vcvt.f32.s32 v28;
	v24 =	vcvt.f32.s32 v26;
	v7 =	vld.idx.msk [tilespmem:v9+s13+$0x0], $0xffff;
	v9 =	vadd.s32 v29, v25  }
.LBB2_4:
0x62: {  	v25 =	vld [tilespmem:s26+$0x40];
	s25 =	sadd.s32 $0x2, s25;
	v11 =	vmul.f32 v11, v0;
	v26 =	vtrunc.f32 v12;
	s24 =	sadd.s32 $0x100, s24  }
0x63: {  	v18 =	vcvt.f32.s32 v18;
	v12 =	vld [tilespmem:s26+$0xFFFFFF60];
	p0 =	slt.u32 s25, $0x3E;
	v14 =	vadd.s32 v24, v14;
	v24 =	vcvt.f32.s32 v26  }
0x64: {  	v19 =	vmul.f32 v19, v0;
	v21 =	vmul.f32 v21, v0;
	v26 =	vld [tilespmem:s26+$0xFFFFFF50]  }
0x65: {  	v23 =	vmul.f32 v23, v0;
	v11 =	vtrunc.f32 v11;
	v27 =	vld [tilespmem:s26+$0xFFFFFFC0];
	v24 =	vmul.u32 $0x33, v24  }
0x66: {  	v17 =	vmul.f32 v17, v0;
	v21 =	vtrunc.f32 v21;
	v28 =	vld [tilespmem:s26+$0x20]  }
0x67: {  	v30 =	vcvt.f32.s32 v11;
	v29 =	vld [tilespmem:s26+$0xA0];
	v25 =	vmul.f32 v25, v0  }
0x68: {  	v17 =	vtrunc.f32 v17;
	v11 =	vld.idx.msk [tilespmem:v14+s13+$0x0], $0xffff;
	v14 =	vmul.f32 v22, v0  }
0x69: {  	v19 =	vtrunc.f32 v19;
	v22 =	vtrunc.f32 v25;
	v8 =	vld.idx.msk [tilespmem:v8+s13+$0x0], $0xffff  }
0x6a: {  	v19 =	vcvt.f32.s32 v19;
	v25 =	vld [tilespmem:s26+$0xFFFFFF40];
	v22 =	vcvt.f32.s32 v22  }
0x6b: {  	v21 =	vcvt.f32.s32 v21;
	v30 =	vmul.u32 $0x33, v30;
	v27 =	vmul.f32 v27, v0;
	v31 =	vld [tilespmem:s26+$0xFFFFFF80]  }
0x6c: {  	v20 =	vtrunc.f32 v20;
	v14 =	vtrunc.f32 v14;
	v22 =	vmul.u32 $0x33, v22;
	v16 =	vld.idx.msk [tilespmem:v16+s13+$0x0], $0xffff  }
0x6d: {  	v23 =	vtrunc.f32 v23;
	v21 =	vadd.s32 v21, v24;
	v27 =	vtrunc.f32 v27;
	v32 =	vld [tilespmem:s26+$0x30]  }
0x6e: {  	v23 =	vcvt.f32.s32 v23;
	v19 =	vmul.u32 $0x33, v19;
	v14 =	vcvt.f32.s32 v14;
	v24 =	vld [tilespmem:s26+$0xFFFFFF30]  }
0x6f: {  	v15 =	vmul.u32 $0x33, v15;
	v10 =	vtrunc.f32 v10;
	v20 =	vcvt.f32.s32 v20;
	v33 =	vld [tilespmem:s26+$0xFFFFFF70]  }
0x70: {  	v17 =	vcvt.f32.s32 v17;
	v14 =	vadd.s32 v14, v19;
	v31 =	vmul.f32 v31, v0;
	v34 =	vld [tilespmem:s26+$0x90]  }
0x71: {  	v13 =	vcvt.f32.s32 v13;
	v10 =	vcvt.f32.s32 v10;
	v18 =	vmul.u32 $0x33, v18;
	v19 =	vld [tilespmem:s26+$0x80]  }
0x72: {  	v20 =	vmul.u32 $0x33, v20;
	v29 =	vmul.f32 v29, v0;
	v31 =	vtrunc.f32 v31;
	v21 =	vld.idx.msk [tilespmem:v21+s13+$0x0], $0xffff  }
0x73: {  	v13 =	vadd.s32 v13, v18;
	v27 =	vcvt.f32.s32 v27;
	v31 =	vcvt.f32.s32 v31;
	v35 =	vld [tilespmem:s26+$0x10]  }
0x74: {  	v10 =	vadd.s32 v10, v15;
	v29 =	vtrunc.f32 v29;
	v32 =	vmul.f32 v32, v0;
	v18 =	vld [tilespmem:s26+$0x0]  }
0x75: {  	v23 =	vadd.s32 v23, v3;
	v15 =	vmul.f32 v28, v0;
	v3 =	vmovc v22;
	v28 =	vcvt.f32.s32 v29;
	v14 =	vld.idx.msk [tilespmem:v14+s13+$0x0], $0xffff  }
0x76: {  	v17 =	vadd.s32 v17, v30;
	v22 =	vtrunc.f32 v32;
	v19 =	vmul.f32 v19, v0;
	v9 =	vld.idx.msk [tilespmem:v9+s13+$0x0], $0xffff  }
0x77: {  	v20 =	vadd.s32 v1, v20;
	v15 =	vtrunc.f32 v15;
	v30 =	vmul.f32 v34, v0;
	v1 =	vmovc v31;
	v29 =	vld [tilespmem:s26+$0xFFFFFFE0]  }
0x78: {  	v19 =	vtrunc.f32 v19;
	v31 =	vmul.f32 v35, v0;
	v13 =	vld.idx.msk [tilespmem:v13+s13+$0x0], $0xffff  }
0x79: {  	v15 =	vcvt.f32.s32 v15;
	v18 =	vmul.f32 v18, v0;
	v10 =	vld.idx.msk [tilespmem:v10+s13+$0x0], $0xffff  }
0x7a: {  	v30 =	vtrunc.f32 v30;
	v31 =	vtrunc.f32 v31;
	v23 =	vld.idx.msk [tilespmem:v23+s13+$0x0], $0xffff  }
0x7b: {  	v15 =	vmul.u32 $0x33, v15;
	v19 =	vcvt.f32.s32 v19;
	v32 =	vld [tilespmem:s26+$0xFFFFFF10];
	v18 =	vtrunc.f32 v18  }
0x7c: {  	v26 =	vmul.f32 v26, v0;
	v33 =	vmul.f32 v33, v0;
	v20 =	vld.idx.msk [tilespmem:v20+s13+$0x0], $0xffff  }
0x7d: {  	v25 =	vmul.f32 v25, v0;
	v15 =	vadd.s32 v28, v15;
	v30 =	vcvt.f32.s32 v30;
	v34 =	vld [tilespmem:s26+$0xFFFFFFB0];
	[tilespmem:s23+$0xFFFFFFB0] =	vst v7  }
0x7e: {  	v7 =	vmul.f32 v24, v0;
	v24 =	vcvt.f32.s32 v31;
	[tilespmem:s23+$0xFFFFFFD0] =	vst v16;
	v16 =	vld.idx.msk [tilespmem:v17+s13+$0x0], $0xffff  }
0x7f: {  	v12 =	vmul.f32 v12, v0;
	v17 =	vtrunc.f32 v26;
	v26 =	vld [tilespmem:s26+$0x70];
	[tilespmem:s23+$0xFFFFFFA0] =	vst v10  }
0x80: {  	v25 =	vtrunc.f32 v25;
	v18 =	vcvt.f32.s32 v18;
	v24 =	vmul.u32 $0x33, v24;
	v10 =	vld [tilespmem:s26+$0xFFFFFFF0];
	[tilespmem:s23+$0x40] =	vst v23  }
0x81: {  	v28 =	vtrunc.f32 v33;
	v7 =	vtrunc.f32 v7;
	v23 =	vld [tilespmem:s26+$0xFFFFFFD0];
	[tilespmem:s23+$0xFFFFFFC0] =	vst v6  }
0x82: {  	v18 =	vmul.u32 $0x33, v18;
	v6 =	vtrunc.f32 v12;
	v12 =	vmul.f32 v29, v0;
	v15 =	vld.idx.msk [tilespmem:v15+s13+$0x0], $0xffff;
	[tilespmem:s23+$0x0] =	vst v5  }
0x83: {  	v7 =	vcvt.f32.s32 v7;
	v24 =	vadd.s32 v30, v24;
	v29 =	vmul.f32 v34, v0;
	v5 =	vld [tilespmem:s26+$0xFFFFFF20];
	[tilespmem:s23+$0xFFFFFF80] =	vst v20  }
0x84: {  	v18 =	vadd.s32 v19, v18;
	v20 =	vcvt.f32.s32 v25;
	v12 =	vtrunc.f32 v12;
	v25 =	vld [tilespmem:s26+$0xB0];
	[tilespmem:s23+$0xFFFFFFF0] =	vst v11  }
0x85: {  	v7 =	vmul.u32 $0x33, v7;
	v19 =	vtrunc.f32 v29;
	v29 =	vcvt.f32.s32 v12;
	v30 =	vld [tilespmem:s26+$0xFFFFFF90];
	[tilespmem:s23+$0x70] =	vst v21  }
0x86: {  	v12 =	vmul.f32 v26, v0;
	v20 =	vmul.u32 $0x33, v20;
	v21 =	vcvt.f32.s32 v28;
	v11 =	vld [tilespmem:s26+$0x60];
	[tilespmem:s23+$0x50] =	vst v14  }
0x87: {  	v28 =	vmul.f32 v32, v0;
	v31 =	vmul.f32 v10, v0;
	v26 =	vld [tilespmem:s26+$0xFFFFFFA0];
	[tilespmem:s23+$0x30] =	vst v9  }
0x88: {  	v10 =	vmul.f32 v23, v0;
	v9 =	vcvt.f32.s32 v17;
	v14 =	vmul.u32 $0x33, v21;
	v23 =	vld.idx.msk [tilespmem:v24+s13+$0x0], $0xffff;
	[tilespmem:s23+$0xFFFFFFE0] =	vst v8  }
0x89: {  	v6 =	vcvt.f32.s32 v6;
	v20 =	vadd.s32 v27, v20;
	v8 =	vmul.f32 v5, v0;
	v5 =	vld.idx.msk [tilespmem:v18+s13+$0x0], $0xffff;
	[tilespmem:s23+$0x10] =	vst v4  }
0x8a: {  	v4 =	vcvt.f32.s32 v19;
	v9 =	vmul.u32 $0x33, v9;
	v25 =	vmul.f32 v25, v0;
	v24 =	vld [tilespmem:s26+$0xFFFFFF00];
	[tilespmem:s23+$0xFFFFFF90] =	vst v13  }
0x8b: {  	v6 =	vmul.u32 $0x33, v6;
	v18 =	vtrunc.f32 v28;
	v13 =	vtrunc.f32 v10;
	v17 =	vld [tilespmem:s26+$0xE0];
	[tilespmem:s23+$0x60] =	vst v16  }
0x8c: {  	v27 =	vcvt.f32.s32 v22;
	v7 =	vadd.s32 v4, v7;
	v10 =	vmul.f32 v26, v0;
	v19 =	vld [tilespmem:s26+$0x50];
	[tilespmem:s23+$0x20] =	vst v2;
	v2 =	vmovc v15;
	s23 =	smov.u32 s24  }
.Ltmp1:
0x8d: {  	v16 =	vtrunc.f32 v8;
	v8 =	vadd.s32 v29, v6;
	v15 =	vmul.f32 v30, v0;
	v21 =	vld [tilespmem:s26+$0xF0];
	(pc) =	sbr.rel @p0 .LBB2_4-.Ltmp1, $4  }
0x8e: {  	v22 =	vcvt.f32.s32 v13;
	v13 =	vtrunc.f32 v25;
	v26 =	vmul.u32 $0x33, v27;
	v4 =	vmovc v23;
	v6 =	vld.idx.msk [tilespmem:v20+s13+$0x0], $0xffff  }
0x8f: {  	v25 =	vtrunc.f32 v31;
	v27 =	vcvt.f32.s32 v13;
	v23 =	vld [tilespmem:s26+$0xC0]  }
0x90: {  	v13 =	vtrunc.f32 v15;
	v15 =	vcvt.f32.s32 v16;
	v16 =	vadd.s32 v22, v9;
	v22 =	vld [tilespmem:s26+$0xD0]  }
0x91: {  	v9 =	vadd.s32 v27, v26;
	v20 =	vmul.f32 v24, v0;
	v24 =	vcvt.f32.s32 v25;
	s26 =	sadd.s32 $0x200, s26;
	v7 =	vld.idx.msk [tilespmem:v7+s13+$0x0], $0xffff  }
0x92: {  	v11 =	vmul.f32 v11, v0  }
0x93: {  	v12 =	vtrunc.f32 v12;
	v18 =	vcvt.f32.s32 v18  }
0x94: {  	v19 =	vmul.f32 v19, v0;
	v21 =	vmul.f32 v21, v0  }
0x95: {  	v17 =	vmul.f32 v17, v0;
	v10 =	vtrunc.f32 v10  }
0x96: {  	v13 =	vcvt.f32.s32 v13;
	v12 =	vcvt.f32.s32 v12  }
0x97: {  	v15 =	vmul.u32 $0x33, v15;
	v20 =	vtrunc.f32 v20;
	v10 =	vcvt.f32.s32 v10  }
0x98: {  	v14 =	vadd.s32 v24, v14;
	v23 =	vmul.f32 v23, v0;
	v20 =	vcvt.f32.s32 v20  }
0x99: {  	v11 =	vtrunc.f32 v11;
	v21 =	vtrunc.f32 v21;
	v18 =	vmul.u32 $0x33, v18  }
0x9a: {  	v19 =	vtrunc.f32 v19;
	v10 =	vadd.s32 v10, v15;
	v20 =	vmul.u32 $0x33, v20  }
0x9b: {  	v17 =	vtrunc.f32 v17;
	v12 =	vmul.u32 $0x33, v12;
	v13 =	vadd.s32 v13, v18  }
0x9c: {  	v8 =	vld.idx.msk [tilespmem:v8+s13+$0x0], $0xffff;
	v11 =	vcvt.f32.s32 v11;
	v21 =	vcvt.f32.s32 v21;
	v1 =	vadd.s32 v1, v20  }
0x9d: {  	v16 =	vld.idx.msk [tilespmem:v16+s13+$0x0], $0xffff;
	v22 =	vmul.f32 v22, v0;
	v23 =	vtrunc.f32 v23  }
0x9e: {  	v19 =	vcvt.f32.s32 v19;
	v12 =	vadd.s32 v21, v12;
	v21 =	vcvt.f32.s32 v23;
	v14 =	vld.idx.msk [tilespmem:v14+s13+$0x0], $0xffff  }
0x9f: {  	v17 =	vcvt.f32.s32 v17;
	v18 =	vtrunc.f32 v22;
	v11 =	vmul.u32 $0x33, v11;
	v10 =	vld.idx.msk [tilespmem:v10+s13+$0x0], $0xffff  }
0xa0: {  	v15 =	vmul.u32 $0x33, v19;
	v18 =	vcvt.f32.s32 v18;
	v3 =	vadd.s32 v21, v3;
	v13 =	vld.idx.msk [tilespmem:v13+s13+$0x0], $0xffff  }
0xa1: {  	v11 =	vadd.s32 v17, v11;
	v1 =	vld.idx.msk [tilespmem:v1+s13+$0x0], $0xffff;
	[tilespmem:s23+$0xFFFFFFB0] =	vst v7  }
0xa2: {  	v15 =	vadd.s32 v18, v15;
	[tilespmem:s23+$0xFFFFFFD0] =	vst v16  }
0xa3: {  	v12 =	vld.idx.msk [tilespmem:v12+s13+$0x0], $0xffff;
	[tilespmem:s23+$0xFFFFFFC0] =	vst v6  }
0xa4: {  	v7 =	vld.idx.msk [tilespmem:v9+s13+$0x0], $0xffff;
	[tilespmem:s23+$0xFFFFFFF0] =	vst v14  }
0xa5: {  	[tilespmem:s23+$0xFFFFFFE0] =	vst v8;
	v3 =	vld.idx.msk [tilespmem:v3+s13+$0x0], $0xffff  }
0xa6: {  	v9 =	vld.idx.msk [tilespmem:v11+s13+$0x0], $0xffff;
	[tilespmem:s23+$0xFFFFFFA0] =	vst v10  }
0xa7: {  	v15 =	vld.idx.msk [tilespmem:v15+s13+$0x0], $0xffff;
	[tilespmem:s23+$0x0] =	vst v5  }
0xa8: {  	[tilespmem:s23+$0x10] =	vst v4  }
0xa9: {  	[tilespmem:s23+$0x20] =	vst v2  }
0xaa: {  	[tilespmem:s23+$0xFFFFFF90] =	vst v13  }
0xab: {  	[tilespmem:s23+$0x70] =	vst v12  }
0xac: {  	[tilespmem:s23+$0xFFFFFF80] =	vst v1  }
0xad: {  	[tilespmem:s23+$0x30] =	vst v7  }
0xae: {  	[tilespmem:s23+$0x40] =	vst v3  }
0xaf: {  	[tilespmem:s23+$0x60] =	vst v9  }
0xb0: {  	[tilespmem:s23+$0x50] =	vst v15  }
0xb1: {  	[hbm4b:s6+s2] =	stream.linear.scatter [tilespmem:s17], [sflag:$0x3], $0x2000, $0x38;
	[tilespmem:$0xD000] =	vst v63  }
0xb2: {  	_ = 	snop  }
0xb3: {  	[tilespmem:s2], [sflag:$0x1] =	stream.linear.gather [hbm4b:s7+s2], $0x4000, $0x38;
	[tilespmem:$0xD000] =	vst v63  }
0xb4: {  	_ =	swait.ge [sflag:s18], $0x4000  }
0xb5: {  	[sflag:s18] =	ssyncset.done $0x0  }
0xb6: {  	s31 =	simm.s32 $0x41F0;
	[sflag:s18] =	ssyncadd.s32 $0xFFFFC000  }
0xb7: {  	v1 =	vld [tilespmem:s31+$0xFFFFFF50]  }
0xb8: {  	v2 =	vld [tilespmem:s31+$0xFFFFFED0]  }
0xb9: {  	v3 =	vld [tilespmem:s31+$0xFFFFFE90]  }
0xba: {  	v5 =	vld [tilespmem:s31+$0xFFFFFF40]  }
0xbb: {  	v6 =	vld [tilespmem:s31+$0xFFFFFF30]  }
0xbc: {  	v8 =	vld [tilespmem:s31+$0xFFFFFF90]  }
0xbd: {  	v9 =	vld [tilespmem:s31+$0xFFFFFFA0]  }
0xbe: {  	v11 =	vld [tilespmem:s31+$0xFFFFFE60]  }
0xbf: {  	v12 =	vld [tilespmem:s31+$0xFFFFFE50]  }
0xc0: {  	v14 =	vld [tilespmem:s31+$0xFFFFFE40]  }
0xc1: {  	v19 =	vld [tilespmem:s31+$0xFFFFFF00];
	v1 =	vmul.f32 v1, v0  }
0xc2: {  	v2 =	vmul.f32 v2, v0;
	v3 =	vmul.f32 v3, v0  }
0xc3: {  	v5 =	vmul.f32 v5, v0;
	v6 =	vmul.f32 v6, v0  }
0xc4: {  	v8 =	vmul.f32 v8, v0;
	v9 =	vmul.f32 v9, v0  }
0xc5: {  	v15 =	vld [tilespmem:s31+$0xFFFFFE70];
	v11 =	vmul.f32 v11, v0;
	v12 =	vmul.f32 v12, v0  }
0xc6: {  	v14 =	vmul.f32 v14, v0;
	v26 =	vmul.f32 v19, v0  }
0xc7: {  	v4 =	vld [tilespmem:s31+$0xFFFFFFB0];
	v1 =	vtrunc.f32 v1;
	v2 =	vtrunc.f32 v2  }
0xc8: {  	v13 =	vtrunc.f32 v5;
	v6 =	vtrunc.f32 v6  }
0xc9: {  	v8 =	vtrunc.f32 v8;
	v9 =	vtrunc.f32 v9  }
0xca: {  	v18 =	vtrunc.f32 v11;
	v11 =	vmul.f32 v15, v0  }
0xcb: {  	v7 =	vcvt.f32.s32 v1;
	v10 =	vcvt.f32.s32 v2;
	v2 =	vld [tilespmem:s31+$0xFFFFFF20]  }
0xcc: {  	v1 =	vtrunc.f32 v3;
	v3 =	vmul.f32 v4, v0;
	v4 =	vld [tilespmem:s31+$0xFFFFFF10]  }
0xcd: {  	v12 =	vtrunc.f32 v12;
	v14 =	vtrunc.f32 v14  }
0xce: {  	v26 =	vtrunc.f32 v26;
	v6 =	vcvt.f32.s32 v6  }
0xcf: {  	v16 =	vld [tilespmem:s31+$0xFFFFFEF0];
	v8 =	vcvt.f32.s32 v8;
	v3 =	vtrunc.f32 v3  }
0xd0: {  	v17 =	vld [tilespmem:s31+$0xFFFFFE20];
	v6 =	vmul.u32 $0x33, v6;
	v3 =	vcvt.f32.s32 v3;
	v2 =	vmul.f32 v2, v0  }
0xd1: {  	v5 =	vld [tilespmem:s31+$0xFFFFFE80];
	v9 =	vcvt.f32.s32 v9;
	v4 =	vmul.f32 v4, v0  }
0xd2: {  	v22 =	vtrunc.f32 v11;
	v3 =	vadd.s32 v3, v6;
	v6 =	vld [tilespmem:s31+$0xFFFFFEC0];
	v2 =	vtrunc.f32 v2  }
0xd3: {  	v21 =	vld [tilespmem:s31+$0xFFFFFEE0];
	v4 =	vtrunc.f32 v4;
	v2 =	vcvt.f32.s32 v2  }
0xd4: {  	v23 =	vld [tilespmem:s31+$0xFFFFFEA0];
	v11 =	vmul.f32 v16, v0;
	v4 =	vcvt.f32.s32 v4  }
0xd5: {  	v15 =	vld [tilespmem:s31+$0xFFFFFF80];
	v14 =	vcvt.f32.s32 v14;
	v27 =	vcvt.f32.s32 v18;
	v20 =	vmul.u32 $0x33, v2  }
0xd6: {  	v16 =	vld [tilespmem:s31+$0xFFFFFE30];
	v11 =	vtrunc.f32 v11;
	v5 =	vmul.f32 v5, v0;
	v4 =	vmul.u32 $0x33, v4  }
0xd7: {  	v25 =	vcvt.f32.s32 v11;
	v2 =	vld.idx.msk [tilespmem:v3+s13+$0x0], $0xffff;
	v3 =	vmul.f32 v6, v0;
	v6 =	vadd.s32 v9, v20  }
0xd8: {  	v11 =	vld [tilespmem:s31+$0xFFFFFF70];
	v5 =	vtrunc.f32 v5;
	v9 =	vcvt.f32.s32 v12;
	v8 =	vadd.s32 v8, v4  }
0xd9: {  	v20 =	vld [tilespmem:s31+$0xFFFFFFC0];
	v24 =	vtrunc.f32 v3;
	v3 =	vmul.u32 $0x33, v7;
	v7 =	vcvt.f32.s32 v5  }
0xda: {  	v12 =	vmul.f32 v15, v0;
	v15 =	vmul.f32 v17, v0;
	v5 =	vmul.u32 $0x33, v9;
	v9 =	vld [tilespmem:s31+$0xFFFFFEB0]  }
0xdb: {  	v13 =	vcvt.f32.s32 v13;
	v17 =	vmul.f32 v21, v0;
	v21 =	vld [tilespmem:s31+$0x0]  }
0xdc: {  	v19 =	vmul.u32 $0x33, v14;
	v18 =	vtrunc.f32 v15;
	v4 =	vld.idx.msk [tilespmem:v6+s13+$0x0], $0xffff;
	v6 =	vmul.f32 v16, v0  }
0xdd: {  	v16 =	vadd.s32 v10, v5;
	v10 =	vcvt.f32.s32 v22;
	v5 =	vld.idx.msk [tilespmem:v8+s13+$0x0], $0xffff;
	v8 =	vcvt.f32.s32 v24  }
0xde: {  	v14 =	vmul.u32 $0x33, v7;
	v7 =	vld [tilespmem:s31+$0xFFFFFE10];
	v15 =	vtrunc.f32 v17;
	v20 =	vmul.f32 v20, v0  }
0xdf: {  	v17 =	vld [tilespmem:s31+$0xFFFFFFF0];
	v22 =	vmul.u32 $0x33, v10;
	v10 =	vmul.f32 v9, v0;
	v9 =	vadd.s32 v8, v19  }
0xe0: {  	v1 =	vcvt.f32.s32 v1;
	v24 =	vmul.u32 $0x33, v27;
	v27 =	vmul.f32 v23, v0;
	v23 =	vld [tilespmem:s31+$0xFFFFFFD0]  }
0xe1: {  	v19 =	vld [tilespmem:s31+$0xFFFFFF60];
	v8 =	vadd.s32 v25, v22;
	v22 =	vcvt.f32.s32 v15;
	v15 =	vtrunc.f32 v20  }
0xe2: {  	v28 =	vtrunc.f32 v6;
	v25 =	vmul.u32 $0x33, v13;
	v6 =	vld.idx.msk [tilespmem:v16+s13+$0x0], $0xffff;
	v29 =	vcvt.f32.s32 v15  }
0xe3: {  	s24 =	simm.s32 $0xB0F0;
	v13 =	vtrunc.f32 v27;
	v20 =	vmul.f32 v7, v0;
	v16 =	vadd.s32 v22, v24;
	v22 =	vld [tilespmem:s31+$0xFFFFFFE0]  }
0xe4: {  	s25 =	simm.s32 $0x0;
	s26 =	simm.s32 $0x43F0;
	s23 =	simm.s32 $0xB0F0;
	v15 =	vcvt.f32.s32 v28;
	v24 =	vcvt.f32.s32 v26;
	v7 =	vld.idx.msk [tilespmem:v9+s13+$0x0], $0xffff;
	v9 =	vadd.s32 v29, v25  }
.LBB2_6:
0xe5: {  	v25 =	vld [tilespmem:s26+$0xFFFFFF50];
	s25 =	sadd.s32 $0x2, s25;
	v11 =	vmul.f32 v11, v0;
	v26 =	vtrunc.f32 v12;
	s24 =	sadd.s32 $0x100, s24  }
0xe6: {  	v18 =	vcvt.f32.s32 v18;
	v12 =	vld [tilespmem:s26+$0xFFFFFE70];
	p0 =	slt.u32 s25, $0x3E;
	v14 =	vadd.s32 v24, v14;
	v24 =	vcvt.f32.s32 v26  }
0xe7: {  	v19 =	vmul.f32 v19, v0;
	v21 =	vmul.f32 v21, v0;
	v26 =	vld [tilespmem:s26+$0xFFFFFE60]  }
0xe8: {  	v23 =	vmul.f32 v23, v0;
	v11 =	vtrunc.f32 v11;
	v27 =	vld [tilespmem:s26+$0xFFFFFED0];
	v24 =	vmul.u32 $0x33, v24  }
0xe9: {  	v17 =	vmul.f32 v17, v0;
	v21 =	vtrunc.f32 v21;
	v28 =	vld [tilespmem:s26+$0xFFFFFF30]  }
0xea: {  	v30 =	vcvt.f32.s32 v11;
	v29 =	vld [tilespmem:s26+$0xFFFFFFB0];
	v25 =	vmul.f32 v25, v0  }
0xeb: {  	v17 =	vtrunc.f32 v17;
	v11 =	vld.idx.msk [tilespmem:v14+s13+$0x0], $0xffff;
	v14 =	vmul.f32 v22, v0  }
0xec: {  	v19 =	vtrunc.f32 v19;
	v22 =	vtrunc.f32 v25;
	v8 =	vld.idx.msk [tilespmem:v8+s13+$0x0], $0xffff  }
0xed: {  	v19 =	vcvt.f32.s32 v19;
	v25 =	vld [tilespmem:s26+$0xFFFFFE50];
	v22 =	vcvt.f32.s32 v22  }
0xee: {  	v21 =	vcvt.f32.s32 v21;
	v30 =	vmul.u32 $0x33, v30;
	v27 =	vmul.f32 v27, v0;
	v31 =	vld [tilespmem:s26+$0xFFFFFE90]  }
0xef: {  	v20 =	vtrunc.f32 v20;
	v14 =	vtrunc.f32 v14;
	v22 =	vmul.u32 $0x33, v22;
	v16 =	vld.idx.msk [tilespmem:v16+s13+$0x0], $0xffff  }
0xf0: {  	v23 =	vtrunc.f32 v23;
	v21 =	vadd.s32 v21, v24;
	v27 =	vtrunc.f32 v27;
	v32 =	vld [tilespmem:s26+$0xFFFFFF40]  }
0xf1: {  	v23 =	vcvt.f32.s32 v23;
	v19 =	vmul.u32 $0x33, v19;
	v14 =	vcvt.f32.s32 v14;
	v24 =	vld [tilespmem:s26+$0xFFFFFE40]  }
0xf2: {  	v15 =	vmul.u32 $0x33, v15;
	v10 =	vtrunc.f32 v10;
	v20 =	vcvt.f32.s32 v20;
	v33 =	vld [tilespmem:s26+$0xFFFFFE80]  }
0xf3: {  	v17 =	vcvt.f32.s32 v17;
	v14 =	vadd.s32 v14, v19;
	v31 =	vmul.f32 v31, v0;
	v34 =	vld [tilespmem:s26+$0xFFFFFFA0]  }
0xf4: {  	v13 =	vcvt.f32.s32 v13;
	v10 =	vcvt.f32.s32 v10;
	v18 =	vmul.u32 $0x33, v18;
	v19 =	vld [tilespmem:s26+$0xFFFFFF90]  }
0xf5: {  	v20 =	vmul.u32 $0x33, v20;
	v29 =	vmul.f32 v29, v0;
	v31 =	vtrunc.f32 v31;
	v21 =	vld.idx.msk [tilespmem:v21+s13+$0x0], $0xffff  }
0xf6: {  	v13 =	vadd.s32 v13, v18;
	v27 =	vcvt.f32.s32 v27;
	v31 =	vcvt.f32.s32 v31;
	v35 =	vld [tilespmem:s26+$0xFFFFFF20]  }
0xf7: {  	v10 =	vadd.s32 v10, v15;
	v29 =	vtrunc.f32 v29;
	v32 =	vmul.f32 v32, v0;
	v18 =	vld [tilespmem:s26+$0xFFFFFF10]  }
0xf8: {  	v23 =	vadd.s32 v23, v3;
	v15 =	vmul.f32 v28, v0;
	v3 =	vmovc v22;
	v28 =	vcvt.f32.s32 v29;
	v14 =	vld.idx.msk [tilespmem:v14+s13+$0x0], $0xffff  }
0xf9: {  	v17 =	vadd.s32 v17, v30;
	v22 =	vtrunc.f32 v32;
	v19 =	vmul.f32 v19, v0;
	v9 =	vld.idx.msk [tilespmem:v9+s13+$0x0], $0xffff  }
0xfa: {  	v20 =	vadd.s32 v1, v20;
	v15 =	vtrunc.f32 v15;
	v30 =	vmul.f32 v34, v0;
	v1 =	vmovc v31;
	v29 =	vld [tilespmem:s26+$0xFFFFFEF0]  }
0xfb: {  	v19 =	vtrunc.f32 v19;
	v31 =	vmul.f32 v35, v0;
	v13 =	vld.idx.msk [tilespmem:v13+s13+$0x0], $0xffff  }
0xfc: {  	v15 =	vcvt.f32.s32 v15;
	v18 =	vmul.f32 v18, v0;
	v10 =	vld.idx.msk [tilespmem:v10+s13+$0x0], $0xffff  }
0xfd: {  	v30 =	vtrunc.f32 v30;
	v31 =	vtrunc.f32 v31;
	v23 =	vld.idx.msk [tilespmem:v23+s13+$0x0], $0xffff  }
0xfe: {  	v15 =	vmul.u32 $0x33, v15;
	v19 =	vcvt.f32.s32 v19;
	v32 =	vld [tilespmem:s26+$0xFFFFFE20];
	v18 =	vtrunc.f32 v18  }
0xff: {  	v26 =	vmul.f32 v26, v0;
	v33 =	vmul.f32 v33, v0;
	v20 =	vld.idx.msk [tilespmem:v20+s13+$0x0], $0xffff  }
0x100: {  	v25 =	vmul.f32 v25, v0;
	v15 =	vadd.s32 v28, v15;
	v30 =	vcvt.f32.s32 v30;
	v34 =	vld [tilespmem:s26+$0xFFFFFEC0];
	[tilespmem:s23+$0xFFFFFF40] =	vst v7  }
0x101: {  	v7 =	vmul.f32 v24, v0;
	v24 =	vcvt.f32.s32 v31;
	[tilespmem:s23+$0xFFFFFF60] =	vst v16;
	v16 =	vld.idx.msk [tilespmem:v17+s13+$0x0], $0xffff  }
0x102: {  	v12 =	vmul.f32 v12, v0;
	v17 =	vtrunc.f32 v26;
	v26 =	vld [tilespmem:s26+$0xFFFFFF80];
	[tilespmem:s23+$0xFFFFFF30] =	vst v10  }
0x103: {  	v25 =	vtrunc.f32 v25;
	v18 =	vcvt.f32.s32 v18;
	v24 =	vmul.u32 $0x33, v24;
	v10 =	vld [tilespmem:s26+$0xFFFFFF00];
	[tilespmem:s23+$0xFFFFFFD0] =	vst v23  }
0x104: {  	v28 =	vtrunc.f32 v33;
	v7 =	vtrunc.f32 v7;
	v23 =	vld [tilespmem:s26+$0xFFFFFEE0];
	[tilespmem:s23+$0xFFFFFF50] =	vst v6  }
0x105: {  	v18 =	vmul.u32 $0x33, v18;
	v6 =	vtrunc.f32 v12;
	v12 =	vmul.f32 v29, v0;
	v15 =	vld.idx.msk [tilespmem:v15+s13+$0x0], $0xffff;
	[tilespmem:s23+$0xFFFFFF90] =	vst v5  }
0x106: {  	v7 =	vcvt.f32.s32 v7;
	v24 =	vadd.s32 v30, v24;
	v29 =	vmul.f32 v34, v0;
	v5 =	vld [tilespmem:s26+$0xFFFFFE30];
	[tilespmem:s23+$0xFFFFFF10] =	vst v20  }
0x107: {  	v18 =	vadd.s32 v19, v18;
	v20 =	vcvt.f32.s32 v25;
	v12 =	vtrunc.f32 v12;
	v25 =	vld [tilespmem:s26+$0xFFFFFFC0];
	[tilespmem:s23+$0xFFFFFF80] =	vst v11  }
0x108: {  	v7 =	vmul.u32 $0x33, v7;
	v19 =	vtrunc.f32 v29;
	v29 =	vcvt.f32.s32 v12;
	v30 =	vld [tilespmem:s26+$0xFFFFFEA0];
	[tilespmem:s23+$0x0] =	vst v21  }
0x109: {  	v12 =	vmul.f32 v26, v0;
	v20 =	vmul.u32 $0x33, v20;
	v21 =	vcvt.f32.s32 v28;
	v11 =	vld [tilespmem:s26+$0xFFFFFF70];
	[tilespmem:s23+$0xFFFFFFE0] =	vst v14  }
0x10a: {  	v28 =	vmul.f32 v32, v0;
	v31 =	vmul.f32 v10, v0;
	v26 =	vld [tilespmem:s26+$0xFFFFFEB0];
	[tilespmem:s23+$0xFFFFFFC0] =	vst v9  }
0x10b: {  	v10 =	vmul.f32 v23, v0;
	v9 =	vcvt.f32.s32 v17;
	v14 =	vmul.u32 $0x33, v21;
	v23 =	vld.idx.msk [tilespmem:v24+s13+$0x0], $0xffff;
	[tilespmem:s23+$0xFFFFFF70] =	vst v8  }
0x10c: {  	v6 =	vcvt.f32.s32 v6;
	v20 =	vadd.s32 v27, v20;
	v8 =	vmul.f32 v5, v0;
	v5 =	vld.idx.msk [tilespmem:v18+s13+$0x0], $0xffff;
	[tilespmem:s23+$0xFFFFFFA0] =	vst v4  }
0x10d: {  	v4 =	vcvt.f32.s32 v19;
	v9 =	vmul.u32 $0x33, v9;
	v25 =	vmul.f32 v25, v0;
	v24 =	vld [tilespmem:s26+$0xFFFFFE10];
	[tilespmem:s23+$0xFFFFFF20] =	vst v13  }
0x10e: {  	v6 =	vmul.u32 $0x33, v6;
	v18 =	vtrunc.f32 v28;
	v13 =	vtrunc.f32 v10;
	v17 =	vld [tilespmem:s26+$0xFFFFFFF0];
	[tilespmem:s23+$0xFFFFFFF0] =	vst v16  }
0x10f: {  	v27 =	vcvt.f32.s32 v22;
	v7 =	vadd.s32 v4, v7;
	v10 =	vmul.f32 v26, v0;
	v19 =	vld [tilespmem:s26+$0xFFFFFF60];
	[tilespmem:s23+$0xFFFFFFB0] =	vst v2;
	v2 =	vmovc v15;
	s23 =	smov.u32 s24  }
.Ltmp2:
0x110: {  	v16 =	vtrunc.f32 v8;
	v8 =	vadd.s32 v29, v6;
	v15 =	vmul.f32 v30, v0;
	v21 =	vld [tilespmem:s26+$0x0];
	(pc) =	sbr.rel @p0 .LBB2_6-.Ltmp2, $4  }
0x111: {  	v22 =	vcvt.f32.s32 v13;
	v13 =	vtrunc.f32 v25;
	v26 =	vmul.u32 $0x33, v27;
	v4 =	vmovc v23;
	v6 =	vld.idx.msk [tilespmem:v20+s13+$0x0], $0xffff  }
0x112: {  	v25 =	vtrunc.f32 v31;
	v27 =	vcvt.f32.s32 v13;
	v23 =	vld [tilespmem:s26+$0xFFFFFFD0]  }
0x113: {  	v13 =	vtrunc.f32 v15;
	v15 =	vcvt.f32.s32 v16;
	v16 =	vadd.s32 v22, v9;
	v22 =	vld [tilespmem:s26+$0xFFFFFFE0]  }
0x114: {  	v9 =	vadd.s32 v27, v26;
	v20 =	vmul.f32 v24, v0;
	v24 =	vcvt.f32.s32 v25;
	s26 =	sadd.s32 $0x200, s26;
	v7 =	vld.idx.msk [tilespmem:v7+s13+$0x0], $0xffff  }
0x115: {  	v11 =	vmul.f32 v11, v0  }
0x116: {  	v12 =	vtrunc.f32 v12;
	v18 =	vcvt.f32.s32 v18  }
0x117: {  	v19 =	vmul.f32 v19, v0;
	v21 =	vmul.f32 v21, v0  }
0x118: {  	v17 =	vmul.f32 v17, v0;
	v10 =	vtrunc.f32 v10  }
0x119: {  	v13 =	vcvt.f32.s32 v13;
	v12 =	vcvt.f32.s32 v12  }
0x11a: {  	v15 =	vmul.u32 $0x33, v15;
	v20 =	vtrunc.f32 v20;
	v10 =	vcvt.f32.s32 v10  }
0x11b: {  	v14 =	vadd.s32 v24, v14;
	v23 =	vmul.f32 v23, v0;
	v20 =	vcvt.f32.s32 v20  }
0x11c: {  	v11 =	vtrunc.f32 v11;
	v21 =	vtrunc.f32 v21;
	v18 =	vmul.u32 $0x33, v18  }
0x11d: {  	v19 =	vtrunc.f32 v19;
	v10 =	vadd.s32 v10, v15;
	v20 =	vmul.u32 $0x33, v20  }
0x11e: {  	v17 =	vtrunc.f32 v17;
	v12 =	vmul.u32 $0x33, v12;
	v13 =	vadd.s32 v13, v18  }
0x11f: {  	v8 =	vld.idx.msk [tilespmem:v8+s13+$0x0], $0xffff;
	v11 =	vcvt.f32.s32 v11;
	v21 =	vcvt.f32.s32 v21;
	v1 =	vadd.s32 v1, v20  }
0x120: {  	v16 =	vld.idx.msk [tilespmem:v16+s13+$0x0], $0xffff;
	v22 =	vmul.f32 v22, v0;
	v23 =	vtrunc.f32 v23  }
0x121: {  	v19 =	vcvt.f32.s32 v19;
	v12 =	vadd.s32 v21, v12;
	v21 =	vcvt.f32.s32 v23;
	v14 =	vld.idx.msk [tilespmem:v14+s13+$0x0], $0xffff  }
0x122: {  	v17 =	vcvt.f32.s32 v17;
	v18 =	vtrunc.f32 v22;
	v11 =	vmul.u32 $0x33, v11;
	v10 =	vld.idx.msk [tilespmem:v10+s13+$0x0], $0xffff  }
0x123: {  	v15 =	vmul.u32 $0x33, v19;
	v18 =	vcvt.f32.s32 v18;
	v3 =	vadd.s32 v21, v3;
	v13 =	vld.idx.msk [tilespmem:v13+s13+$0x0], $0xffff  }
0x124: {  	v11 =	vadd.s32 v17, v11;
	v1 =	vld.idx.msk [tilespmem:v1+s13+$0x0], $0xffff;
	[tilespmem:s23+$0xFFFFFF40] =	vst v7  }
0x125: {  	v15 =	vadd.s32 v18, v15;
	[tilespmem:s23+$0xFFFFFF60] =	vst v16  }
0x126: {  	v12 =	vld.idx.msk [tilespmem:v12+s13+$0x0], $0xffff;
	[tilespmem:s23+$0xFFFFFF50] =	vst v6  }
0x127: {  	v7 =	vld.idx.msk [tilespmem:v9+s13+$0x0], $0xffff;
	[tilespmem:s23+$0xFFFFFF80] =	vst v14  }
0x128: {  	[tilespmem:s23+$0xFFFFFF70] =	vst v8;
	v3 =	vld.idx.msk [tilespmem:v3+s13+$0x0], $0xffff  }
0x129: {  	v9 =	vld.idx.msk [tilespmem:v11+s13+$0x0], $0xffff;
	[tilespmem:s23+$0xFFFFFF30] =	vst v10  }
0x12a: {  	v15 =	vld.idx.msk [tilespmem:v15+s13+$0x0], $0xffff;
	[tilespmem:s23+$0xFFFFFF90] =	vst v5  }
0x12b: {  	[tilespmem:s23+$0xFFFFFFA0] =	vst v4  }
0x12c: {  	[tilespmem:s23+$0xFFFFFFB0] =	vst v2  }
0x12d: {  	[tilespmem:s23+$0xFFFFFF20] =	vst v13  }
0x12e: {  	[tilespmem:s23+$0x0] =	vst v12  }
0x12f: {  	[tilespmem:s23+$0xFFFFFF10] =	vst v1  }
0x130: {  	[tilespmem:s23+$0xFFFFFFC0] =	vst v7  }
0x131: {  	[tilespmem:s23+$0xFFFFFFD0] =	vst v3  }
0x132: {  	[tilespmem:s23+$0xFFFFFFF0] =	vst v9  }
0x133: {  	[tilespmem:s23+$0xFFFFFFE0] =	vst v15  }
0x134: {  	[hbm4b:s8+s2] =	stream.linear.scatter [tilespmem:s19], [sflag:$0x4], $0x2000, $0x38;
	[tilespmem:$0xD000] =	vst v63  }
0x135: {  	_ = 	snop  }
0x136: {  	[tilespmem:s15], [sflag:$0x2] =	stream.linear.gather [hbm4b:s9+s2], $0x4000, $0x38;
	[tilespmem:$0xD000] =	vst v63  }
0x137: {  	_ =	swait.ge [sflag:s16], $0x4000  }
0x138: {  	[sflag:s16] =	ssyncset.done $0x0  }
0x139: {  	[sflag:s16] =	ssyncadd.s32 $0xFFFFC000  }
0x13a: {  	_ =	swait.ge [sflag:s20], $0x2000  }
0x13b: {  	[sflag:s20] =	ssyncset.done $0x0  }
0x13c: {  	s31 =	simm.s32 $0x100;
	[sflag:s20] =	ssyncadd.s32 $0xFFFFE000  }
0x13d: {  	v1 =	vld [tilespmem:s31+$0x40]  }
0x13e: {  	v2 =	vld [tilespmem:s31+$0xFFFFFFC0]  }
0x13f: {  	v3 =	vld [tilespmem:s31+$0xFFFFFF80]  }
0x140: {  	v5 =	vld [tilespmem:s31+$0x30]  }
0x141: {  	v6 =	vld [tilespmem:s31+$0x20]  }
0x142: {  	v8 =	vld [tilespmem:s31+$0x80]  }
0x143: {  	v9 =	vld [tilespmem:s31+$0x90]  }
0x144: {  	v11 =	vld [tilespmem:s31+$0xFFFFFF50]  }
0x145: {  	v12 =	vld [tilespmem:s31+$0xFFFFFF40]  }
0x146: {  	v14 =	vld [tilespmem:s31+$0xFFFFFF30]  }
0x147: {  	v19 =	vld [tilespmem:s31+$0xFFFFFFF0];
	v1 =	vmul.f32 v1, v0  }
0x148: {  	v2 =	vmul.f32 v2, v0;
	v3 =	vmul.f32 v3, v0  }
0x149: {  	v5 =	vmul.f32 v5, v0;
	v6 =	vmul.f32 v6, v0  }
0x14a: {  	v8 =	vmul.f32 v8, v0;
	v9 =	vmul.f32 v9, v0  }
0x14b: {  	v15 =	vld [tilespmem:s31+$0xFFFFFF60];
	v11 =	vmul.f32 v11, v0;
	v12 =	vmul.f32 v12, v0  }
0x14c: {  	v14 =	vmul.f32 v14, v0;
	v26 =	vmul.f32 v19, v0  }
0x14d: {  	v4 =	vld [tilespmem:s31+$0xA0];
	v1 =	vtrunc.f32 v1;
	v2 =	vtrunc.f32 v2  }
0x14e: {  	v13 =	vtrunc.f32 v5;
	v6 =	vtrunc.f32 v6  }
0x14f: {  	v8 =	vtrunc.f32 v8;
	v9 =	vtrunc.f32 v9  }
0x150: {  	v18 =	vtrunc.f32 v11;
	v11 =	vmul.f32 v15, v0  }
0x151: {  	v7 =	vcvt.f32.s32 v1;
	v10 =	vcvt.f32.s32 v2;
	v2 =	vld [tilespmem:s31+$0x10]  }
0x152: {  	v1 =	vtrunc.f32 v3;
	v3 =	vmul.f32 v4, v0;
	v4 =	vld [tilespmem:s31+$0x0]  }
0x153: {  	v12 =	vtrunc.f32 v12;
	v14 =	vtrunc.f32 v14  }
0x154: {  	v26 =	vtrunc.f32 v26;
	v6 =	vcvt.f32.s32 v6  }
0x155: {  	v16 =	vld [tilespmem:s31+$0xFFFFFFE0];
	v8 =	vcvt.f32.s32 v8;
	v3 =	vtrunc.f32 v3  }
0x156: {  	v17 =	vld [tilespmem:s31+$0xFFFFFF10];
	v6 =	vmul.u32 $0x33, v6;
	v3 =	vcvt.f32.s32 v3;
	v2 =	vmul.f32 v2, v0  }
0x157: {  	v5 =	vld [tilespmem:s31+$0xFFFFFF70];
	v9 =	vcvt.f32.s32 v9;
	v4 =	vmul.f32 v4, v0  }
0x158: {  	v22 =	vtrunc.f32 v11;
	v3 =	vadd.s32 v3, v6;
	v6 =	vld [tilespmem:s31+$0xFFFFFFB0];
	v2 =	vtrunc.f32 v2  }
0x159: {  	v21 =	vld [tilespmem:s31+$0xFFFFFFD0];
	v4 =	vtrunc.f32 v4;
	v2 =	vcvt.f32.s32 v2  }
0x15a: {  	v23 =	vld [tilespmem:s31+$0xFFFFFF90];
	v11 =	vmul.f32 v16, v0;
	v4 =	vcvt.f32.s32 v4  }
0x15b: {  	v15 =	vld [tilespmem:s31+$0x70];
	v14 =	vcvt.f32.s32 v14;
	v27 =	vcvt.f32.s32 v18;
	v20 =	vmul.u32 $0x33, v2  }
0x15c: {  	v16 =	vld [tilespmem:s31+$0xFFFFFF20];
	v11 =	vtrunc.f32 v11;
	v5 =	vmul.f32 v5, v0;
	v4 =	vmul.u32 $0x33, v4  }
0x15d: {  	v25 =	vcvt.f32.s32 v11;
	v2 =	vld.idx.msk [tilespmem:v3+s13+$0x0], $0xffff;
	v3 =	vmul.f32 v6, v0;
	v6 =	vadd.s32 v9, v20  }
0x15e: {  	v11 =	vld [tilespmem:s31+$0x60];
	v5 =	vtrunc.f32 v5;
	v9 =	vcvt.f32.s32 v12;
	v8 =	vadd.s32 v8, v4  }
0x15f: {  	v20 =	vld [tilespmem:s31+$0xB0];
	v24 =	vtrunc.f32 v3;
	v3 =	vmul.u32 $0x33, v7;
	v7 =	vcvt.f32.s32 v5  }
0x160: {  	v12 =	vmul.f32 v15, v0;
	v15 =	vmul.f32 v17, v0;
	v5 =	vmul.u32 $0x33, v9;
	v9 =	vld [tilespmem:s31+$0xFFFFFFA0]  }
0x161: {  	v13 =	vcvt.f32.s32 v13;
	v17 =	vmul.f32 v21, v0;
	v21 =	vld [tilespmem:s31+$0xF0]  }
0x162: {  	v19 =	vmul.u32 $0x33, v14;
	v18 =	vtrunc.f32 v15;
	v4 =	vld.idx.msk [tilespmem:v6+s13+$0x0], $0xffff;
	v6 =	vmul.f32 v16, v0  }
0x163: {  	v16 =	vadd.s32 v10, v5;
	v10 =	vcvt.f32.s32 v22;
	v5 =	vld.idx.msk [tilespmem:v8+s13+$0x0], $0xffff;
	v8 =	vcvt.f32.s32 v24  }
0x164: {  	v14 =	vmul.u32 $0x33, v7;
	v7 =	vld [tilespmem:s31+$0xFFFFFF00];
	v15 =	vtrunc.f32 v17;
	v20 =	vmul.f32 v20, v0  }
0x165: {  	v17 =	vld [tilespmem:s31+$0xE0];
	v22 =	vmul.u32 $0x33, v10;
	v10 =	vmul.f32 v9, v0;
	v9 =	vadd.s32 v8, v19  }
0x166: {  	v1 =	vcvt.f32.s32 v1;
	v24 =	vmul.u32 $0x33, v27;
	v27 =	vmul.f32 v23, v0;
	v23 =	vld [tilespmem:s31+$0xC0]  }
0x167: {  	v19 =	vld [tilespmem:s31+$0x50];
	v8 =	vadd.s32 v25, v22;
	v22 =	vcvt.f32.s32 v15;
	v15 =	vtrunc.f32 v20  }
0x168: {  	v28 =	vtrunc.f32 v6;
	v25 =	vmul.u32 $0x33, v13;
	v6 =	vld.idx.msk [tilespmem:v16+s13+$0x0], $0xffff;
	v29 =	vcvt.f32.s32 v15  }
0x169: {  	s24 =	simm.s32 $0x9080;
	v13 =	vtrunc.f32 v27;
	v20 =	vmul.f32 v7, v0;
	v16 =	vadd.s32 v22, v24;
	v22 =	vld [tilespmem:s31+$0xD0]  }
0x16a: {  	s25 =	simm.s32 $0x0;
	s26 =	simm.s32 $0x300;
	s23 =	simm.s32 $0x9080;
	v15 =	vcvt.f32.s32 v28;
	v24 =	vcvt.f32.s32 v26;
	v7 =	vld.idx.msk [tilespmem:v9+s13+$0x0], $0xffff;
	v9 =	vadd.s32 v29, v25  }
.LBB2_8:
0x16b: {  	v25 =	vld [tilespmem:s26+$0x40];
	s25 =	sadd.s32 $0x2, s25;
	v11 =	vmul.f32 v11, v0;
	v26 =	vtrunc.f32 v12;
	s24 =	sadd.s32 $0x100, s24  }
0x16c: {  	v18 =	vcvt.f32.s32 v18;
	v12 =	vld [tilespmem:s26+$0xFFFFFF60];
	p0 =	slt.u32 s25, $0x3E;
	v14 =	vadd.s32 v24, v14;
	v24 =	vcvt.f32.s32 v26  }
0x16d: {  	v19 =	vmul.f32 v19, v0;
	v21 =	vmul.f32 v21, v0;
	v26 =	vld [tilespmem:s26+$0xFFFFFF50]  }
0x16e: {  	v23 =	vmul.f32 v23, v0;
	v11 =	vtrunc.f32 v11;
	v27 =	vld [tilespmem:s26+$0xFFFFFFC0];
	v24 =	vmul.u32 $0x33, v24  }
0x16f: {  	v17 =	vmul.f32 v17, v0;
	v21 =	vtrunc.f32 v21;
	v28 =	vld [tilespmem:s26+$0x20]  }
0x170: {  	v30 =	vcvt.f32.s32 v11;
	v29 =	vld [tilespmem:s26+$0xA0];
	v25 =	vmul.f32 v25, v0  }
0x171: {  	v17 =	vtrunc.f32 v17;
	v11 =	vld.idx.msk [tilespmem:v14+s13+$0x0], $0xffff;
	v14 =	vmul.f32 v22, v0  }
0x172: {  	v19 =	vtrunc.f32 v19;
	v22 =	vtrunc.f32 v25;
	v8 =	vld.idx.msk [tilespmem:v8+s13+$0x0], $0xffff  }
0x173: {  	v19 =	vcvt.f32.s32 v19;
	v25 =	vld [tilespmem:s26+$0xFFFFFF40];
	v22 =	vcvt.f32.s32 v22  }
0x174: {  	v21 =	vcvt.f32.s32 v21;
	v30 =	vmul.u32 $0x33, v30;
	v27 =	vmul.f32 v27, v0;
	v31 =	vld [tilespmem:s26+$0xFFFFFF80]  }
0x175: {  	v20 =	vtrunc.f32 v20;
	v14 =	vtrunc.f32 v14;
	v22 =	vmul.u32 $0x33, v22;
	v16 =	vld.idx.msk [tilespmem:v16+s13+$0x0], $0xffff  }
0x176: {  	v23 =	vtrunc.f32 v23;
	v21 =	vadd.s32 v21, v24;
	v27 =	vtrunc.f32 v27;
	v32 =	vld [tilespmem:s26+$0x30]  }
0x177: {  	v23 =	vcvt.f32.s32 v23;
	v19 =	vmul.u32 $0x33, v19;
	v14 =	vcvt.f32.s32 v14;
	v24 =	vld [tilespmem:s26+$0xFFFFFF30]  }
0x178: {  	v15 =	vmul.u32 $0x33, v15;
	v10 =	vtrunc.f32 v10;
	v20 =	vcvt.f32.s32 v20;
	v33 =	vld [tilespmem:s26+$0xFFFFFF70]  }
0x179: {  	v17 =	vcvt.f32.s32 v17;
	v14 =	vadd.s32 v14, v19;
	v31 =	vmul.f32 v31, v0;
	v34 =	vld [tilespmem:s26+$0x90]  }
0x17a: {  	v13 =	vcvt.f32.s32 v13;
	v10 =	vcvt.f32.s32 v10;
	v18 =	vmul.u32 $0x33, v18;
	v19 =	vld [tilespmem:s26+$0x80]  }
0x17b: {  	v20 =	vmul.u32 $0x33, v20;
	v29 =	vmul.f32 v29, v0;
	v31 =	vtrunc.f32 v31;
	v21 =	vld.idx.msk [tilespmem:v21+s13+$0x0], $0xffff  }
0x17c: {  	v13 =	vadd.s32 v13, v18;
	v27 =	vcvt.f32.s32 v27;
	v31 =	vcvt.f32.s32 v31;
	v35 =	vld [tilespmem:s26+$0x10]  }
0x17d: {  	v10 =	vadd.s32 v10, v15;
	v29 =	vtrunc.f32 v29;
	v32 =	vmul.f32 v32, v0;
	v18 =	vld [tilespmem:s26+$0x0]  }
0x17e: {  	v23 =	vadd.s32 v23, v3;
	v15 =	vmul.f32 v28, v0;
	v3 =	vmovc v22;
	v28 =	vcvt.f32.s32 v29;
	v14 =	vld.idx.msk [tilespmem:v14+s13+$0x0], $0xffff  }
0x17f: {  	v17 =	vadd.s32 v17, v30;
	v22 =	vtrunc.f32 v32;
	v19 =	vmul.f32 v19, v0;
	v9 =	vld.idx.msk [tilespmem:v9+s13+$0x0], $0xffff  }
0x180: {  	v20 =	vadd.s32 v1, v20;
	v15 =	vtrunc.f32 v15;
	v30 =	vmul.f32 v34, v0;
	v1 =	vmovc v31;
	v29 =	vld [tilespmem:s26+$0xFFFFFFE0]  }
0x181: {  	v19 =	vtrunc.f32 v19;
	v31 =	vmul.f32 v35, v0;
	v13 =	vld.idx.msk [tilespmem:v13+s13+$0x0], $0xffff  }
0x182: {  	v15 =	vcvt.f32.s32 v15;
	v18 =	vmul.f32 v18, v0;
	v10 =	vld.idx.msk [tilespmem:v10+s13+$0x0], $0xffff  }
0x183: {  	v30 =	vtrunc.f32 v30;
	v31 =	vtrunc.f32 v31;
	v23 =	vld.idx.msk [tilespmem:v23+s13+$0x0], $0xffff  }
0x184: {  	v15 =	vmul.u32 $0x33, v15;
	v19 =	vcvt.f32.s32 v19;
	v32 =	vld [tilespmem:s26+$0xFFFFFF10];
	v18 =	vtrunc.f32 v18  }
0x185: {  	v26 =	vmul.f32 v26, v0;
	v33 =	vmul.f32 v33, v0;
	v20 =	vld.idx.msk [tilespmem:v20+s13+$0x0], $0xffff  }
0x186: {  	v25 =	vmul.f32 v25, v0;
	v15 =	vadd.s32 v28, v15;
	v30 =	vcvt.f32.s32 v30;
	v34 =	vld [tilespmem:s26+$0xFFFFFFB0];
	[tilespmem:s23+$0xFFFFFFB0] =	vst v7  }
0x187: {  	v7 =	vmul.f32 v24, v0;
	v24 =	vcvt.f32.s32 v31;
	[tilespmem:s23+$0xFFFFFFD0] =	vst v16;
	v16 =	vld.idx.msk [tilespmem:v17+s13+$0x0], $0xffff  }
0x188: {  	v12 =	vmul.f32 v12, v0;
	v17 =	vtrunc.f32 v26;
	v26 =	vld [tilespmem:s26+$0x70];
	[tilespmem:s23+$0xFFFFFFA0] =	vst v10  }
0x189: {  	v25 =	vtrunc.f32 v25;
	v18 =	vcvt.f32.s32 v18;
	v24 =	vmul.u32 $0x33, v24;
	v10 =	vld [tilespmem:s26+$0xFFFFFFF0];
	[tilespmem:s23+$0x40] =	vst v23  }
0x18a: {  	v28 =	vtrunc.f32 v33;
	v7 =	vtrunc.f32 v7;
	v23 =	vld [tilespmem:s26+$0xFFFFFFD0];
	[tilespmem:s23+$0xFFFFFFC0] =	vst v6  }
0x18b: {  	v18 =	vmul.u32 $0x33, v18;
	v6 =	vtrunc.f32 v12;
	v12 =	vmul.f32 v29, v0;
	v15 =	vld.idx.msk [tilespmem:v15+s13+$0x0], $0xffff;
	[tilespmem:s23+$0x0] =	vst v5  }
0x18c: {  	v7 =	vcvt.f32.s32 v7;
	v24 =	vadd.s32 v30, v24;
	v29 =	vmul.f32 v34, v0;
	v5 =	vld [tilespmem:s26+$0xFFFFFF20];
	[tilespmem:s23+$0xFFFFFF80] =	vst v20  }
0x18d: {  	v18 =	vadd.s32 v19, v18;
	v20 =	vcvt.f32.s32 v25;
	v12 =	vtrunc.f32 v12;
	v25 =	vld [tilespmem:s26+$0xB0];
	[tilespmem:s23+$0xFFFFFFF0] =	vst v11  }
0x18e: {  	v7 =	vmul.u32 $0x33, v7;
	v19 =	vtrunc.f32 v29;
	v29 =	vcvt.f32.s32 v12;
	v30 =	vld [tilespmem:s26+$0xFFFFFF90];
	[tilespmem:s23+$0x70] =	vst v21  }
0x18f: {  	v12 =	vmul.f32 v26, v0;
	v20 =	vmul.u32 $0x33, v20;
	v21 =	vcvt.f32.s32 v28;
	v11 =	vld [tilespmem:s26+$0x60];
	[tilespmem:s23+$0x50] =	vst v14  }
0x190: {  	v28 =	vmul.f32 v32, v0;
	v31 =	vmul.f32 v10, v0;
	v26 =	vld [tilespmem:s26+$0xFFFFFFA0];
	[tilespmem:s23+$0x30] =	vst v9  }
0x191: {  	v10 =	vmul.f32 v23, v0;
	v9 =	vcvt.f32.s32 v17;
	v14 =	vmul.u32 $0x33, v21;
	v23 =	vld.idx.msk [tilespmem:v24+s13+$0x0], $0xffff;
	[tilespmem:s23+$0xFFFFFFE0] =	vst v8  }
0x192: {  	v6 =	vcvt.f32.s32 v6;
	v20 =	vadd.s32 v27, v20;
	v8 =	vmul.f32 v5, v0;
	v5 =	vld.idx.msk [tilespmem:v18+s13+$0x0], $0xffff;
	[tilespmem:s23+$0x10] =	vst v4  }
0x193: {  	v4 =	vcvt.f32.s32 v19;
	v9 =	vmul.u32 $0x33, v9;
	v25 =	vmul.f32 v25, v0;
	v24 =	vld [tilespmem:s26+$0xFFFFFF00];
	[tilespmem:s23+$0xFFFFFF90] =	vst v13  }
0x194: {  	v6 =	vmul.u32 $0x33, v6;
	v18 =	vtrunc.f32 v28;
	v13 =	vtrunc.f32 v10;
	v17 =	vld [tilespmem:s26+$0xE0];
	[tilespmem:s23+$0x60] =	vst v16  }
0x195: {  	v27 =	vcvt.f32.s32 v22;
	v7 =	vadd.s32 v4, v7;
	v10 =	vmul.f32 v26, v0;
	v19 =	vld [tilespmem:s26+$0x50];
	[tilespmem:s23+$0x20] =	vst v2;
	v2 =	vmovc v15;
	s23 =	smov.u32 s24  }
.Ltmp3:
0x196: {  	v16 =	vtrunc.f32 v8;
	v8 =	vadd.s32 v29, v6;
	v15 =	vmul.f32 v30, v0;
	v21 =	vld [tilespmem:s26+$0xF0];
	(pc) =	sbr.rel @p0 .LBB2_8-.Ltmp3, $4  }
0x197: {  	v22 =	vcvt.f32.s32 v13;
	v13 =	vtrunc.f32 v25;
	v26 =	vmul.u32 $0x33, v27;
	v4 =	vmovc v23;
	v6 =	vld.idx.msk [tilespmem:v20+s13+$0x0], $0xffff  }
0x198: {  	v25 =	vtrunc.f32 v31;
	v27 =	vcvt.f32.s32 v13;
	v23 =	vld [tilespmem:s26+$0xC0]  }
0x199: {  	v13 =	vtrunc.f32 v15;
	v15 =	vcvt.f32.s32 v16;
	v16 =	vadd.s32 v22, v9;
	v22 =	vld [tilespmem:s26+$0xD0]  }
0x19a: {  	v9 =	vadd.s32 v27, v26;
	v20 =	vmul.f32 v24, v0;
	v24 =	vcvt.f32.s32 v25;
	s26 =	sadd.s32 $0x200, s26;
	v7 =	vld.idx.msk [tilespmem:v7+s13+$0x0], $0xffff  }
0x19b: {  	v11 =	vmul.f32 v11, v0  }
0x19c: {  	v12 =	vtrunc.f32 v12;
	v18 =	vcvt.f32.s32 v18  }
0x19d: {  	v19 =	vmul.f32 v19, v0;
	v21 =	vmul.f32 v21, v0  }
0x19e: {  	v17 =	vmul.f32 v17, v0;
	v10 =	vtrunc.f32 v10  }
0x19f: {  	v13 =	vcvt.f32.s32 v13;
	v12 =	vcvt.f32.s32 v12  }
0x1a0: {  	v15 =	vmul.u32 $0x33, v15;
	v20 =	vtrunc.f32 v20;
	v10 =	vcvt.f32.s32 v10  }
0x1a1: {  	v14 =	vadd.s32 v24, v14;
	v23 =	vmul.f32 v23, v0;
	v20 =	vcvt.f32.s32 v20  }
0x1a2: {  	v11 =	vtrunc.f32 v11;
	v21 =	vtrunc.f32 v21;
	v18 =	vmul.u32 $0x33, v18  }
0x1a3: {  	v19 =	vtrunc.f32 v19;
	v10 =	vadd.s32 v10, v15;
	v20 =	vmul.u32 $0x33, v20  }
0x1a4: {  	v17 =	vtrunc.f32 v17;
	v12 =	vmul.u32 $0x33, v12;
	v13 =	vadd.s32 v13, v18  }
0x1a5: {  	v8 =	vld.idx.msk [tilespmem:v8+s13+$0x0], $0xffff;
	v11 =	vcvt.f32.s32 v11;
	v21 =	vcvt.f32.s32 v21;
	v1 =	vadd.s32 v1, v20  }
0x1a6: {  	v16 =	vld.idx.msk [tilespmem:v16+s13+$0x0], $0xffff;
	v22 =	vmul.f32 v22, v0;
	v23 =	vtrunc.f32 v23  }
0x1a7: {  	v19 =	vcvt.f32.s32 v19;
	v12 =	vadd.s32 v21, v12;
	v21 =	vcvt.f32.s32 v23;
	v14 =	vld.idx.msk [tilespmem:v14+s13+$0x0], $0xffff  }
0x1a8: {  	v17 =	vcvt.f32.s32 v17;
	v18 =	vtrunc.f32 v22;
	v11 =	vmul.u32 $0x33, v11;
	v10 =	vld.idx.msk [tilespmem:v10+s13+$0x0], $0xffff  }
0x1a9: {  	v15 =	vmul.u32 $0x33, v19;
	v18 =	vcvt.f32.s32 v18;
	v3 =	vadd.s32 v21, v3;
	v13 =	vld.idx.msk [tilespmem:v13+s13+$0x0], $0xffff  }
0x1aa: {  	v11 =	vadd.s32 v17, v11;
	v1 =	vld.idx.msk [tilespmem:v1+s13+$0x0], $0xffff;
	[tilespmem:s23+$0xFFFFFFB0] =	vst v7  }
0x1ab: {  	v15 =	vadd.s32 v18, v15;
	[tilespmem:s23+$0xFFFFFFD0] =	vst v16  }
0x1ac: {  	v12 =	vld.idx.msk [tilespmem:v12+s13+$0x0], $0xffff;
	[tilespmem:s23+$0xFFFFFFC0] =	vst v6  }
0x1ad: {  	v7 =	vld.idx.msk [tilespmem:v9+s13+$0x0], $0xffff;
	[tilespmem:s23+$0xFFFFFFF0] =	vst v14  }
0x1ae: {  	[tilespmem:s23+$0xFFFFFFE0] =	vst v8;
	v3 =	vld.idx.msk [tilespmem:v3+s13+$0x0], $0xffff  }
0x1af: {  	v9 =	vld.idx.msk [tilespmem:v11+s13+$0x0], $0xffff;
	[tilespmem:s23+$0xFFFFFFA0] =	vst v10  }
0x1b0: {  	v15 =	vld.idx.msk [tilespmem:v15+s13+$0x0], $0xffff;
	[tilespmem:s23+$0x0] =	vst v5  }
0x1b1: {  	[tilespmem:s23+$0x10] =	vst v4  }
0x1b2: {  	[tilespmem:s23+$0x20] =	vst v2  }
0x1b3: {  	[tilespmem:s23+$0xFFFFFF90] =	vst v13  }
0x1b4: {  	[tilespmem:s23+$0x70] =	vst v12  }
0x1b5: {  	[tilespmem:s23+$0xFFFFFF80] =	vst v1  }
0x1b6: {  	[tilespmem:s23+$0x30] =	vst v7  }
0x1b7: {  	[tilespmem:s23+$0x40] =	vst v3  }
0x1b8: {  	[tilespmem:s23+$0x60] =	vst v9  }
0x1b9: {  	[tilespmem:s23+$0x50] =	vst v15  }
0x1ba: {  	[hbm4b:s10+s2] =	stream.linear.scatter [tilespmem:s17], [sflag:$0x3], $0x2000, $0x38;
	[tilespmem:$0xD000] =	vst v63  }
0x1bb: {  	_ =	swait.ge [sflag:s18], $0x4000  }
0x1bc: {  	[sflag:s18] =	ssyncset.done $0x0  }
0x1bd: {  	[sflag:s18] =	ssyncadd.s32 $0xFFFFC000  }
0x1be: {  	_ =	swait.ge [sflag:s21], $0x2000  }
0x1bf: {  	[sflag:s21] =	ssyncset.done $0x0  }
0x1c0: {  	s31 =	simm.s32 $0x41F0;
	[sflag:s21] =	ssyncadd.s32 $0xFFFFE000  }
0x1c1: {  	v1 =	vld [tilespmem:s31+$0xFFFFFF50]  }
0x1c2: {  	v2 =	vld [tilespmem:s31+$0xFFFFFED0]  }
0x1c3: {  	v3 =	vld [tilespmem:s31+$0xFFFFFE90]  }
0x1c4: {  	v5 =	vld [tilespmem:s31+$0xFFFFFF40]  }
0x1c5: {  	v6 =	vld [tilespmem:s31+$0xFFFFFF30]  }
0x1c6: {  	v8 =	vld [tilespmem:s31+$0xFFFFFF90]  }
0x1c7: {  	v9 =	vld [tilespmem:s31+$0xFFFFFFA0]  }
0x1c8: {  	v11 =	vld [tilespmem:s31+$0xFFFFFE60]  }
0x1c9: {  	v12 =	vld [tilespmem:s31+$0xFFFFFE50]  }
0x1ca: {  	v14 =	vld [tilespmem:s31+$0xFFFFFE40]  }
0x1cb: {  	v19 =	vld [tilespmem:s31+$0xFFFFFF00];
	v1 =	vmul.f32 v1, v0  }
0x1cc: {  	v2 =	vmul.f32 v2, v0;
	v3 =	vmul.f32 v3, v0  }
0x1cd: {  	v5 =	vmul.f32 v5, v0;
	v6 =	vmul.f32 v6, v0  }
0x1ce: {  	v8 =	vmul.f32 v8, v0;
	v9 =	vmul.f32 v9, v0  }
0x1cf: {  	v15 =	vld [tilespmem:s31+$0xFFFFFE70];
	v11 =	vmul.f32 v11, v0;
	v12 =	vmul.f32 v12, v0  }
0x1d0: {  	v14 =	vmul.f32 v14, v0;
	v26 =	vmul.f32 v19, v0  }
0x1d1: {  	v4 =	vld [tilespmem:s31+$0xFFFFFFB0];
	v1 =	vtrunc.f32 v1;
	v2 =	vtrunc.f32 v2  }
0x1d2: {  	v13 =	vtrunc.f32 v5;
	v6 =	vtrunc.f32 v6  }
0x1d3: {  	v8 =	vtrunc.f32 v8;
	v9 =	vtrunc.f32 v9  }
0x1d4: {  	v18 =	vtrunc.f32 v11;
	v11 =	vmul.f32 v15, v0  }
0x1d5: {  	v7 =	vcvt.f32.s32 v1;
	v10 =	vcvt.f32.s32 v2;
	v2 =	vld [tilespmem:s31+$0xFFFFFF20]  }
0x1d6: {  	v1 =	vtrunc.f32 v3;
	v3 =	vmul.f32 v4, v0;
	v4 =	vld [tilespmem:s31+$0xFFFFFF10]  }
0x1d7: {  	v12 =	vtrunc.f32 v12;
	v14 =	vtrunc.f32 v14  }
0x1d8: {  	v26 =	vtrunc.f32 v26;
	v6 =	vcvt.f32.s32 v6  }
0x1d9: {  	v16 =	vld [tilespmem:s31+$0xFFFFFEF0];
	v8 =	vcvt.f32.s32 v8;
	v3 =	vtrunc.f32 v3  }
0x1da: {  	v17 =	vld [tilespmem:s31+$0xFFFFFE20];
	v6 =	vmul.u32 $0x33, v6;
	v3 =	vcvt.f32.s32 v3;
	v2 =	vmul.f32 v2, v0  }
0x1db: {  	v5 =	vld [tilespmem:s31+$0xFFFFFE80];
	v9 =	vcvt.f32.s32 v9;
	v4 =	vmul.f32 v4, v0  }
0x1dc: {  	v22 =	vtrunc.f32 v11;
	v3 =	vadd.s32 v3, v6;
	v6 =	vld [tilespmem:s31+$0xFFFFFEC0];
	v2 =	vtrunc.f32 v2  }
0x1dd: {  	v21 =	vld [tilespmem:s31+$0xFFFFFEE0];
	v4 =	vtrunc.f32 v4;
	v2 =	vcvt.f32.s32 v2  }
0x1de: {  	v23 =	vld [tilespmem:s31+$0xFFFFFEA0];
	v11 =	vmul.f32 v16, v0;
	v4 =	vcvt.f32.s32 v4  }
0x1df: {  	v15 =	vld [tilespmem:s31+$0xFFFFFF80];
	v14 =	vcvt.f32.s32 v14;
	v27 =	vcvt.f32.s32 v18;
	v20 =	vmul.u32 $0x33, v2  }
0x1e0: {  	v16 =	vld [tilespmem:s31+$0xFFFFFE30];
	v11 =	vtrunc.f32 v11;
	v5 =	vmul.f32 v5, v0;
	v4 =	vmul.u32 $0x33, v4  }
0x1e1: {  	v25 =	vcvt.f32.s32 v11;
	v2 =	vld.idx.msk [tilespmem:v3+s13+$0x0], $0xffff;
	v3 =	vmul.f32 v6, v0;
	v6 =	vadd.s32 v9, v20  }
0x1e2: {  	v11 =	vld [tilespmem:s31+$0xFFFFFF70];
	v5 =	vtrunc.f32 v5;
	v9 =	vcvt.f32.s32 v12;
	v8 =	vadd.s32 v8, v4  }
0x1e3: {  	v20 =	vld [tilespmem:s31+$0xFFFFFFC0];
	v24 =	vtrunc.f32 v3;
	v3 =	vmul.u32 $0x33, v7;
	v7 =	vcvt.f32.s32 v5  }
0x1e4: {  	v12 =	vmul.f32 v15, v0;
	v15 =	vmul.f32 v17, v0;
	v5 =	vmul.u32 $0x33, v9;
	v9 =	vld [tilespmem:s31+$0xFFFFFEB0]  }
0x1e5: {  	v13 =	vcvt.f32.s32 v13;
	v17 =	vmul.f32 v21, v0;
	v21 =	vld [tilespmem:s31+$0x0]  }
0x1e6: {  	v19 =	vmul.u32 $0x33, v14;
	v18 =	vtrunc.f32 v15;
	v4 =	vld.idx.msk [tilespmem:v6+s13+$0x0], $0xffff;
	v6 =	vmul.f32 v16, v0  }
0x1e7: {  	v16 =	vadd.s32 v10, v5;
	v10 =	vcvt.f32.s32 v22;
	v5 =	vld.idx.msk [tilespmem:v8+s13+$0x0], $0xffff;
	v8 =	vcvt.f32.s32 v24  }
0x1e8: {  	v14 =	vmul.u32 $0x33, v7;
	v7 =	vld [tilespmem:s31+$0xFFFFFE10];
	v15 =	vtrunc.f32 v17;
	v20 =	vmul.f32 v20, v0  }
0x1e9: {  	v17 =	vld [tilespmem:s31+$0xFFFFFFF0];
	v22 =	vmul.u32 $0x33, v10;
	v10 =	vmul.f32 v9, v0;
	v9 =	vadd.s32 v8, v19  }
0x1ea: {  	v1 =	vcvt.f32.s32 v1;
	v24 =	vmul.u32 $0x33, v27;
	v27 =	vmul.f32 v23, v0;
	v23 =	vld [tilespmem:s31+$0xFFFFFFD0]  }
0x1eb: {  	v19 =	vld [tilespmem:s31+$0xFFFFFF60];
	v8 =	vadd.s32 v25, v22;
	v22 =	vcvt.f32.s32 v15;
	v15 =	vtrunc.f32 v20  }
0x1ec: {  	v28 =	vtrunc.f32 v6;
	v25 =	vmul.u32 $0x33, v13;
	v6 =	vld.idx.msk [tilespmem:v16+s13+$0x0], $0xffff;
	v29 =	vcvt.f32.s32 v15  }
0x1ed: {  	s24 =	simm.s32 $0xB0F0;
	v13 =	vtrunc.f32 v27;
	v20 =	vmul.f32 v7, v0;
	v16 =	vadd.s32 v22, v24;
	v22 =	vld [tilespmem:s31+$0xFFFFFFE0]  }
0x1ee: {  	s25 =	simm.s32 $0x0;
	s26 =	simm.s32 $0x43F0;
	s23 =	simm.s32 $0xB0F0;
	v15 =	vcvt.f32.s32 v28;
	v24 =	vcvt.f32.s32 v26;
	v7 =	vld.idx.msk [tilespmem:v9+s13+$0x0], $0xffff;
	v9 =	vadd.s32 v29, v25  }
.LBB2_10:
0x1ef: {  	v25 =	vld [tilespmem:s26+$0xFFFFFF50];
	s25 =	sadd.s32 $0x2, s25;
	v11 =	vmul.f32 v11, v0;
	v26 =	vtrunc.f32 v12;
	s24 =	sadd.s32 $0x100, s24  }
0x1f0: {  	v18 =	vcvt.f32.s32 v18;
	v12 =	vld [tilespmem:s26+$0xFFFFFE70];
	p0 =	slt.u32 s25, $0x3E;
	v14 =	vadd.s32 v24, v14;
	v24 =	vcvt.f32.s32 v26  }
0x1f1: {  	v19 =	vmul.f32 v19, v0;
	v21 =	vmul.f32 v21, v0;
	v26 =	vld [tilespmem:s26+$0xFFFFFE60]  }
0x1f2: {  	v23 =	vmul.f32 v23, v0;
	v11 =	vtrunc.f32 v11;
	v27 =	vld [tilespmem:s26+$0xFFFFFED0];
	v24 =	vmul.u32 $0x33, v24  }
0x1f3: {  	v17 =	vmul.f32 v17, v0;
	v21 =	vtrunc.f32 v21;
	v28 =	vld [tilespmem:s26+$0xFFFFFF30]  }
0x1f4: {  	v30 =	vcvt.f32.s32 v11;
	v29 =	vld [tilespmem:s26+$0xFFFFFFB0];
	v25 =	vmul.f32 v25, v0  }
0x1f5: {  	v17 =	vtrunc.f32 v17;
	v11 =	vld.idx.msk [tilespmem:v14+s13+$0x0], $0xffff;
	v14 =	vmul.f32 v22, v0  }
0x1f6: {  	v19 =	vtrunc.f32 v19;
	v22 =	vtrunc.f32 v25;
	v8 =	vld.idx.msk [tilespmem:v8+s13+$0x0], $0xffff  }
0x1f7: {  	v19 =	vcvt.f32.s32 v19;
	v25 =	vld [tilespmem:s26+$0xFFFFFE50];
	v22 =	vcvt.f32.s32 v22  }
0x1f8: {  	v21 =	vcvt.f32.s32 v21;
	v30 =	vmul.u32 $0x33, v30;
	v27 =	vmul.f32 v27, v0;
	v31 =	vld [tilespmem:s26+$0xFFFFFE90]  }
0x1f9: {  	v20 =	vtrunc.f32 v20;
	v14 =	vtrunc.f32 v14;
	v22 =	vmul.u32 $0x33, v22;
	v16 =	vld.idx.msk [tilespmem:v16+s13+$0x0], $0xffff  }
0x1fa: {  	v23 =	vtrunc.f32 v23;
	v21 =	vadd.s32 v21, v24;
	v27 =	vtrunc.f32 v27;
	v32 =	vld [tilespmem:s26+$0xFFFFFF40]  }
0x1fb: {  	v23 =	vcvt.f32.s32 v23;
	v19 =	vmul.u32 $0x33, v19;
	v14 =	vcvt.f32.s32 v14;
	v24 =	vld [tilespmem:s26+$0xFFFFFE40]  }
0x1fc: {  	v15 =	vmul.u32 $0x33, v15;
	v10 =	vtrunc.f32 v10;
	v20 =	vcvt.f32.s32 v20;
	v33 =	vld [tilespmem:s26+$0xFFFFFE80]  }
0x1fd: {  	v17 =	vcvt.f32.s32 v17;
	v14 =	vadd.s32 v14, v19;
	v31 =	vmul.f32 v31, v0;
	v34 =	vld [tilespmem:s26+$0xFFFFFFA0]  }
0x1fe: {  	v13 =	vcvt.f32.s32 v13;
	v10 =	vcvt.f32.s32 v10;
	v18 =	vmul.u32 $0x33, v18;
	v19 =	vld [tilespmem:s26+$0xFFFFFF90]  }
0x1ff: {  	v20 =	vmul.u32 $0x33, v20;
	v29 =	vmul.f32 v29, v0;
	v31 =	vtrunc.f32 v31;
	v21 =	vld.idx.msk [tilespmem:v21+s13+$0x0], $0xffff  }
0x200: {  	v13 =	vadd.s32 v13, v18;
	v27 =	vcvt.f32.s32 v27;
	v31 =	vcvt.f32.s32 v31;
	v35 =	vld [tilespmem:s26+$0xFFFFFF20]  }
0x201: {  	v10 =	vadd.s32 v10, v15;
	v29 =	vtrunc.f32 v29;
	v32 =	vmul.f32 v32, v0;
	v18 =	vld [tilespmem:s26+$0xFFFFFF10]  }
0x202: {  	v23 =	vadd.s32 v23, v3;
	v15 =	vmul.f32 v28, v0;
	v3 =	vmovc v22;
	v28 =	vcvt.f32.s32 v29;
	v14 =	vld.idx.msk [tilespmem:v14+s13+$0x0], $0xffff  }
0x203: {  	v17 =	vadd.s32 v17, v30;
	v22 =	vtrunc.f32 v32;
	v19 =	vmul.f32 v19, v0;
	v9 =	vld.idx.msk [tilespmem:v9+s13+$0x0], $0xffff  }
0x204: {  	v20 =	vadd.s32 v1, v20;
	v15 =	vtrunc.f32 v15;
	v30 =	vmul.f32 v34, v0;
	v1 =	vmovc v31;
	v29 =	vld [tilespmem:s26+$0xFFFFFEF0]  }
0x205: {  	v19 =	vtrunc.f32 v19;
	v31 =	vmul.f32 v35, v0;
	v13 =	vld.idx.msk [tilespmem:v13+s13+$0x0], $0xffff  }
0x206: {  	v15 =	vcvt.f32.s32 v15;
	v18 =	vmul.f32 v18, v0;
	v10 =	vld.idx.msk [tilespmem:v10+s13+$0x0], $0xffff  }
0x207: {  	v30 =	vtrunc.f32 v30;
	v31 =	vtrunc.f32 v31;
	v23 =	vld.idx.msk [tilespmem:v23+s13+$0x0], $0xffff  }
0x208: {  	v15 =	vmul.u32 $0x33, v15;
	v19 =	vcvt.f32.s32 v19;
	v32 =	vld [tilespmem:s26+$0xFFFFFE20];
	v18 =	vtrunc.f32 v18  }
0x209: {  	v26 =	vmul.f32 v26, v0;
	v33 =	vmul.f32 v33, v0;
	v20 =	vld.idx.msk [tilespmem:v20+s13+$0x0], $0xffff  }
0x20a: {  	v25 =	vmul.f32 v25, v0;
	v15 =	vadd.s32 v28, v15;
	v30 =	vcvt.f32.s32 v30;
	v34 =	vld [tilespmem:s26+$0xFFFFFEC0];
	[tilespmem:s23+$0xFFFFFF40] =	vst v7  }
0x20b: {  	v7 =	vmul.f32 v24, v0;
	v24 =	vcvt.f32.s32 v31;
	[tilespmem:s23+$0xFFFFFF60] =	vst v16;
	v16 =	vld.idx.msk [tilespmem:v17+s13+$0x0], $0xffff  }
0x20c: {  	v12 =	vmul.f32 v12, v0;
	v17 =	vtrunc.f32 v26;
	v26 =	vld [tilespmem:s26+$0xFFFFFF80];
	[tilespmem:s23+$0xFFFFFF30] =	vst v10  }
0x20d: {  	v25 =	vtrunc.f32 v25;
	v18 =	vcvt.f32.s32 v18;
	v24 =	vmul.u32 $0x33, v24;
	v10 =	vld [tilespmem:s26+$0xFFFFFF00];
	[tilespmem:s23+$0xFFFFFFD0] =	vst v23  }
0x20e: {  	v28 =	vtrunc.f32 v33;
	v7 =	vtrunc.f32 v7;
	v23 =	vld [tilespmem:s26+$0xFFFFFEE0];
	[tilespmem:s23+$0xFFFFFF50] =	vst v6  }
0x20f: {  	v18 =	vmul.u32 $0x33, v18;
	v6 =	vtrunc.f32 v12;
	v12 =	vmul.f32 v29, v0;
	v15 =	vld.idx.msk [tilespmem:v15+s13+$0x0], $0xffff;
	[tilespmem:s23+$0xFFFFFF90] =	vst v5  }
0x210: {  	v7 =	vcvt.f32.s32 v7;
	v24 =	vadd.s32 v30, v24;
	v29 =	vmul.f32 v34, v0;
	v5 =	vld [tilespmem:s26+$0xFFFFFE30];
	[tilespmem:s23+$0xFFFFFF10] =	vst v20  }
0x211: {  	v18 =	vadd.s32 v19, v18;
	v20 =	vcvt.f32.s32 v25;
	v12 =	vtrunc.f32 v12;
	v25 =	vld [tilespmem:s26+$0xFFFFFFC0];
	[tilespmem:s23+$0xFFFFFF80] =	vst v11  }
0x212: {  	v7 =	vmul.u32 $0x33, v7;
	v19 =	vtrunc.f32 v29;
	v29 =	vcvt.f32.s32 v12;
	v30 =	vld [tilespmem:s26+$0xFFFFFEA0];
	[tilespmem:s23+$0x0] =	vst v21  }
0x213: {  	v12 =	vmul.f32 v26, v0;
	v20 =	vmul.u32 $0x33, v20;
	v21 =	vcvt.f32.s32 v28;
	v11 =	vld [tilespmem:s26+$0xFFFFFF70];
	[tilespmem:s23+$0xFFFFFFE0] =	vst v14  }
0x214: {  	v28 =	vmul.f32 v32, v0;
	v31 =	vmul.f32 v10, v0;
	v26 =	vld [tilespmem:s26+$0xFFFFFEB0];
	[tilespmem:s23+$0xFFFFFFC0] =	vst v9  }
0x215: {  	v10 =	vmul.f32 v23, v0;
	v9 =	vcvt.f32.s32 v17;
	v14 =	vmul.u32 $0x33, v21;
	v23 =	vld.idx.msk [tilespmem:v24+s13+$0x0], $0xffff;
	[tilespmem:s23+$0xFFFFFF70] =	vst v8  }
0x216: {  	v6 =	vcvt.f32.s32 v6;
	v20 =	vadd.s32 v27, v20;
	v8 =	vmul.f32 v5, v0;
	v5 =	vld.idx.msk [tilespmem:v18+s13+$0x0], $0xffff;
	[tilespmem:s23+$0xFFFFFFA0] =	vst v4  }
0x217: {  	v4 =	vcvt.f32.s32 v19;
	v9 =	vmul.u32 $0x33, v9;
	v25 =	vmul.f32 v25, v0;
	v24 =	vld [tilespmem:s26+$0xFFFFFE10];
	[tilespmem:s23+$0xFFFFFF20] =	vst v13  }
0x218: {  	v6 =	vmul.u32 $0x33, v6;
	v18 =	vtrunc.f32 v28;
	v13 =	vtrunc.f32 v10;
	v17 =	vld [tilespmem:s26+$0xFFFFFFF0];
	[tilespmem:s23+$0xFFFFFFF0] =	vst v16  }
0x219: {  	v27 =	vcvt.f32.s32 v22;
	v7 =	vadd.s32 v4, v7;
	v10 =	vmul.f32 v26, v0;
	v19 =	vld [tilespmem:s26+$0xFFFFFF60];
	[tilespmem:s23+$0xFFFFFFB0] =	vst v2;
	v2 =	vmovc v15;
	s23 =	smov.u32 s24  }
.Ltmp4:
0x21a: {  	v16 =	vtrunc.f32 v8;
	v8 =	vadd.s32 v29, v6;
	v15 =	vmul.f32 v30, v0;
	v21 =	vld [tilespmem:s26+$0x0];
	(pc) =	sbr.rel @p0 .LBB2_10-.Ltmp4, $4  }
0x21b: {  	v22 =	vcvt.f32.s32 v13;
	v13 =	vtrunc.f32 v25;
	v26 =	vmul.u32 $0x33, v27;
	v4 =	vmovc v23;
	v6 =	vld.idx.msk [tilespmem:v20+s13+$0x0], $0xffff  }
0x21c: {  	v25 =	vtrunc.f32 v31;
	v27 =	vcvt.f32.s32 v13;
	v23 =	vld [tilespmem:s26+$0xFFFFFFD0]  }
0x21d: {  	v13 =	vtrunc.f32 v15;
	v15 =	vcvt.f32.s32 v16;
	v16 =	vadd.s32 v22, v9;
	v22 =	vld [tilespmem:s26+$0xFFFFFFE0]  }
0x21e: {  	v9 =	vadd.s32 v27, v26;
	v20 =	vmul.f32 v24, v0;
	v24 =	vcvt.f32.s32 v25;
	s26 =	sadd.s32 $0x200, s26;
	v7 =	vld.idx.msk [tilespmem:v7+s13+$0x0], $0xffff  }
0x21f: {  	v11 =	vmul.f32 v11, v0  }
0x220: {  	v12 =	vtrunc.f32 v12;
	v18 =	vcvt.f32.s32 v18  }
0x221: {  	v19 =	vmul.f32 v19, v0;
	v21 =	vmul.f32 v21, v0  }
0x222: {  	v17 =	vmul.f32 v17, v0;
	v10 =	vtrunc.f32 v10  }
0x223: {  	v13 =	vcvt.f32.s32 v13;
	v12 =	vcvt.f32.s32 v12  }
0x224: {  	v15 =	vmul.u32 $0x33, v15;
	v20 =	vtrunc.f32 v20;
	v10 =	vcvt.f32.s32 v10  }
0x225: {  	v14 =	vadd.s32 v24, v14;
	v23 =	vmul.f32 v23, v0;
	v20 =	vcvt.f32.s32 v20  }
0x226: {  	v11 =	vtrunc.f32 v11;
	v21 =	vtrunc.f32 v21;
	v18 =	vmul.u32 $0x33, v18  }
0x227: {  	v19 =	vtrunc.f32 v19;
	v10 =	vadd.s32 v10, v15;
	v20 =	vmul.u32 $0x33, v20  }
0x228: {  	v17 =	vtrunc.f32 v17;
	v11 =	vcvt.f32.s32 v11;
	v13 =	vadd.s32 v13, v18  }
0x229: {  	v8 =	vld.idx.msk [tilespmem:v8+s13+$0x0], $0xffff;
	v21 =	vcvt.f32.s32 v21;
	v22 =	vmul.f32 v22, v0;
	v1 =	vadd.s32 v1, v20  }
0x22a: {  	v16 =	vld.idx.msk [tilespmem:v16+s13+$0x0], $0xffff;
	v12 =	vmul.u32 $0x33, v12;
	v19 =	vcvt.f32.s32 v19;
	v23 =	vtrunc.f32 v23  }
0x22b: {  	v17 =	vcvt.f32.s32 v17;
	v59 =	vcvt.f32.s32 v23;
	v14 =	vld.idx.msk [tilespmem:v14+s13+$0x0], $0xffff  }
0x22c: {  	v12 =	vadd.s32 v21, v12;
	v60 =	vtrunc.f32 v22;
	v11 =	vmul.u32 $0x33, v11;
	v10 =	vld.idx.msk [tilespmem:v10+s13+$0x0], $0xffff  }
0x22d: {  	v61 =	vmul.u32 $0x33, v19;
	v18 =	vcvt.f32.s32 v60;
	v3 =	vadd.s32 v59, v3;
	v13 =	vld.idx.msk [tilespmem:v13+s13+$0x0], $0xffff  }
0x22e: {  	v11 =	vadd.s32 v17, v11;
	v1 =	vld.idx.msk [tilespmem:v1+s13+$0x0], $0xffff;
	[tilespmem:s23+$0xFFFFFF40] =	vst v7  }
0x22f: {  	v15 =	vadd.s32 v18, v61;
	[tilespmem:s23+$0xFFFFFF60] =	vst v16  }
0x230: {  	v62 =	vld.idx.msk [tilespmem:v9+s13+$0x0], $0xffff;
	[tilespmem:s23+$0xFFFFFF50] =	vst v6  }
0x231: {  	v12 =	vld.idx.msk [tilespmem:v12+s13+$0x0], $0xffff;
	[tilespmem:s23+$0xFFFFFF80] =	vst v14  }
0x232: {  	[tilespmem:s23+$0xFFFFFF70] =	vst v8;
	v3 =	vld.idx.msk [tilespmem:v3+s13+$0x0], $0xffff  }
0x233: {  	v63 =	vld.idx.msk [tilespmem:v11+s13+$0x0], $0xffff;
	[tilespmem:s23+$0xFFFFFF30] =	vst v10  }
0x234: {  	v15 =	vld.idx.msk [tilespmem:v15+s13+$0x0], $0xffff;
	[tilespmem:s23+$0xFFFFFF90] =	vst v5  }
0x235: {  	[tilespmem:s23+$0xFFFFFFC0] =	vst v62  }
0x236: {  	[tilespmem:s23+$0xFFFFFFA0] =	vst v4  }
0x237: {  	[tilespmem:s23+$0xFFFFFFB0] =	vst v2  }
0x238: {  	[tilespmem:s23+$0xFFFFFF20] =	vst v13  }
0x239: {  	[tilespmem:s23+$0x0] =	vst v12  }
0x23a: {  	[tilespmem:s23+$0xFFFFFF10] =	vst v1  }
0x23b: {  	[tilespmem:s23+$0xFFFFFFD0] =	vst v3  }
0x23c: {  	[tilespmem:s23+$0xFFFFFFF0] =	vst v63  }
0x23d: {  	s22 =	sadd.s32 $0x1, s22;
	[tilespmem:s23+$0xFFFFFFE0] =	vst v15  }
0x23e: {  	[hbm4b:s11+s2] =	stream.linear.scatter [tilespmem:s19], [sflag:$0x4], $0x2000, $0x38;
	[tilespmem:$0xD000] =	vst v63  }
0x23f: {  	p0 =	sne.s32 s22, s12;
	_ =	swait.ge [sflag:s20], $0x2000  }
.Ltmp5:
0x240: {  	[sflag:s20] =	ssyncset.done $0x0;
	(pc) =	sbr.rel @p0 .LBB2_1-.Ltmp5, $4  }
0x241: {  	[sflag:s20] =	ssyncadd.s32 $0xFFFFE000  }
0x242: {  	_ =	swait.ge [sflag:s21], $0x2000  }
0x243: {  	[sflag:s21] =	ssyncset.done $0x0  }
0x244: {  	[sflag:s21] =	ssyncadd.s32 $0xFFFFE000  }
0x245: {  	_ =	sfence.sel $0x180000  }
0x246: {  	[bflag:$0x0] =	sbarrier.arrive $0xFFFF  }
0x247: {  	p0 =	sne.s32 s1, $0x0;
	_ =	strace $0x90000047  }
0x248: {  	s0 =	sadd.s32 @!p0 $0x100000, s0;
	[bflag:$0x2] =	sbarrier.arrive $0xFFFF  }
0x249: {  	[sflag:s0] =	ssyncadd.tile.s32 @!p0 $0x1;
	_ =	shalt  }
.Lfunc_end2:
_tile_overlayer_lowered:
.L_overlay_start_2:
0x24a: {  	(tag) =	ssettag $0x2  }
0x24b: {  	s0 =	rddreg [dreg:$0x0];
	s2 =	stileid.u32  }
0x24c: {  	s1 =	rddreg [dreg:$0x1];
	p0 =	sne.s32 s2, $0x0  }
0x24d: {  	s3 =	rddreg [dreg:$0x2];
	[bflag:$0x3] =	sbarrier.arrive $0xFFFF;
	s2 =	simm.s32 @!p0 $0x1C05  }
0x24e: {  	[timem:s3], [sflag:s2] =	dma.local @!p0 [hbm:s0], s1  }
0x24f: {  	s0 =	simm.s32 @!p0 $0x5  }
0x250: {  	_ =	swait.ge @!p0 [sflag:s0], s1  }
0x251: {  	s1 =	ssub.s32 @!p0 $0x0, s1;
	[sflag:s0] =	ssyncset.done @!p0 $0x0  }
0x252: {  	[sflag:s0] =	ssyncadd.s32 @!p0 s1  }
0x253: {  	[bflag:$0x3] =	sbarrier.arrive $0xFFFF  }
0x254: {  	_ =	shalt  }

</sc_bundles>
